<compile_context>
chip_gen: v7x
topology: tpu7x:2x2x1
jax: 0.10.2.dev20260603
libtpu: 0.0.44.dev20260713+nightly
codegen_flags: <defaults>
</compile_context>

<pallas_src>
import functools

import jax
import jax.numpy as jnp
from jax import lax
from jax.experimental import pallas as pl
from jax.experimental.pallas import tpu as pltpu
from jax.experimental.pallas import tpu_sc as plsc

_B, _CIN, _H, _W = 4, 96, 224, 224
_COUT, _KH, _KW, _SP = 192, 3, 3, 3
_DICT = 256
_HO, _WO = 112, 112
_BH = 16
_NH = _HO // _BH


def _sc_build_m(idx_p, cf_p):
    mesh = plsc.VectorSubcoreMesh(core_axis_name="c", subcore_axis_name="s")

    @functools.partial(
        pl.kernel,
        mesh=mesh,
        compiler_params=pltpu.CompilerParams(needs_layout_passes=False),
        out_type=jax.ShapeDtypeStruct((256 * 256,), jnp.float32),
        scratch_types=[
            pltpu.VMEM((8, 32), jnp.int32),
            pltpu.VMEM((8, 32), jnp.float32),
            pltpu.VMEM((8 * 256,), jnp.float32),
        ],
    )
    def build(idx_hbm, cf_hbm, m_hbm, idx_v, cf_v, buf):
        wid = lax.axis_index("s") * 2 + lax.axis_index("c")
        base = wid * 8
        pltpu.sync_copy(idx_hbm.at[pl.ds(base, 8)], idx_v)
        pltpu.sync_copy(cf_hbm.at[pl.ds(base, 8)], cf_v)
        z = jnp.zeros((16,), jnp.float32)
        for i in range(128):
            buf[pl.ds(i * 16, 16)] = z
        lanes = lax.broadcasted_iota(jnp.int32, (16,), 0)
        masks = [lanes == j for j in range(16)]
        for r in range(8):
            for v in range(2):
                iv = idx_v[r, pl.ds(v * 16, 16)] + r * 256
                cv = cf_v[r, pl.ds(v * 16, 16)]
                for j in range(16):
                    plsc.addupdate_scatter(buf, [iv], cv, mask=masks[j])
        pltpu.sync_copy(buf, m_hbm.at[pl.ds(wid * 2048, 2048)])

    return build(idx_p, cf_p)


def _conv_body(mt_ref, dr_ref, pa_ref, pb_ref, out_ref, wb_ref):
    b = pl.program_id(0)
    h = pl.program_id(1)

    @pl.when((b == 0) & (h == 0))
    def _():
        w = jnp.dot(dr_ref[...], mt_ref[...], preferred_element_type=jnp.float32)
        wb_ref[...] = w.astype(jnp.bfloat16)

    a = pa_ref[0]
    ev = a[:, 0]
    od = a[:, 1]
    ev2 = jnp.concatenate([a[1:, 0], pb_ref[0, 0:1, 0]], axis=0)

    acc = jnp.zeros((_BH * _WO, _COUT), jnp.float32)
    for kh, g in ((0, ev), (1, od), (2, ev2)):
        xp_ = g[:, 0:_WO, :].reshape(_BH * _WO, 2 * _CIN)
        acc = acc + jnp.dot(
            xp_,
            wb_ref[kh * 288 : kh * 288 + 192, :],
            preferred_element_type=jnp.float32,
        )
        xq = g[:, 1:113, 0:_CIN].reshape(_BH * _WO, _CIN)
        acc = acc + jnp.dot(
            xq,
            wb_ref[kh * 288 + 192 : kh * 288 + 288, :],
            preferred_element_type=jnp.float32,
        )
    accr = acc.reshape(_BH, _WO, _COUT)
    for r in range(_BH):
        out_ref[0, :, r, :] = jnp.transpose(accr[r])


def _conv_tc(mt, dict_r, pp):
    grid = (_B, _NH)
    const2 = lambda b, h: (0, 0)
    p_spec_a = pl.BlockSpec((1, _BH, 2, 113, 2 * _CIN), lambda b, h: (b, h, 0, 0, 0))
    p_spec_b = pl.BlockSpec(
        (1, 4, 2, 113, 2 * _CIN),
        lambda b, h: (b, jnp.minimum(4 * h + 4, 28), 0, 0, 0),
    )
    return pl.pallas_call(
        _conv_body,
        grid=grid,
        in_specs=[
            pl.BlockSpec((_DICT, _COUT), const2),
            pl.BlockSpec((9 * _CIN, _DICT), const2),
            p_spec_a,
            p_spec_b,
        ],
        out_specs=pl.BlockSpec((1, _COUT, _BH, _WO), lambda b, h: (b, 0, h, 0)),
        out_shape=jax.ShapeDtypeStruct((_B, _COUT, _HO, _WO), jnp.float32),
        scratch_shapes=[pltpu.VMEM((9 * _CIN, _COUT), jnp.bfloat16)],
    )(mt, dict_r, pp, pp)


def kernel(x, dictionary, lookup_indices, lookup_coefficients):
    order = jnp.argsort(-jnp.abs(lookup_coefficients), axis=-1)
    idx = jnp.take_along_axis(lookup_indices, order, axis=-1).reshape(_COUT, 27)
    cf = lookup_coefficients.reshape(_COUT, 27)
    idx_p = jnp.zeros((256, 32), jnp.int32).at[:_COUT, :27].set(idx)
    cf_p = jnp.zeros((256, 32), jnp.float32).at[:_COUT, :27].set(cf)

    m_flat = _sc_build_m(idx_p, cf_p)
    mt = m_flat.reshape(256, 256)[:_COUT, :].T

    dict_r = jnp.transpose(dictionary, (2, 3, 1, 0)).reshape(9 * _CIN, _DICT)

    xt = jnp.transpose(x, (0, 2, 3, 1)).astype(jnp.bfloat16)
    xp = jnp.pad(xt, ((0, 0), (1, 1), (1, 1), (0, 0)))
    pp = xp.reshape(_B, 113, 2, 113, 2 * _CIN)

    return _conv_tc(mt, dict_r, pp)

# --- scband reference (transcript-rebuilt; emitter-appended) ---
"""Pipeline reference for scband-lcnnconv2d-38757784879558 (READ-ONLY COPY).

The authoritative reference and input builder live on the scoring server;
editing this copy changes nothing except your own understanding.
"""

import jax, jax.numpy as jnp
import numpy as np
from jax import lax

B, CIN, H, W = 4, 96, 224, 224
COUT, KH, KW, SP = 192, 3, 3, 3
DICT = 256
STRIDE = (2, 2)
PAD = (1, 1)


def setup_inputs(seed: int = 0) -> dict:
    key = jax.random.key(seed)
    k1, k2, k3, k4 = jax.random.split(key, 4)
    x = jax.random.normal(k1, (B, CIN, H, W), dtype=jnp.float32)
    dictionary = jax.random.normal(k2, (DICT, CIN, KH, KW), dtype=jnp.float32) * 0.05
    lookup_coefficients = jax.random.normal(k3, (COUT, KH, KW, SP), dtype=jnp.float32)
    lookup_indices = jax.random.randint(k4, (COUT, KH, KW, SP), 0, DICT, dtype=jnp.int32)
    return {"x": x, "dictionary": dictionary, "lookup_indices": lookup_indices, "lookup_coefficients": lookup_coefficients}


def reference(x, dictionary, lookup_indices, lookup_coefficients):
    # enforce_sparsity: sort |coeff| descending; since last dim == sparsity the mask
    # keeps every coefficient, but lookup_indices are permuted by the sort order
    # (coefficients themselves are NOT permuted), exactly as in the torch code.
    order = jnp.argsort(-jnp.abs(lookup_coefficients), axis=-1)
    idx = jnp.take_along_axis(lookup_indices, order, axis=-1)  # [COUT, KH, KW, SP]

    # input_dictionary = conv2d(x, dictionary): responses of every dictionary filter
    S = lax.conv_general_dilated(
        x, dictionary,
        window_strides=STRIDE,
        padding=[(PAD[0], PAD[0]), (PAD[1], PAD[1])],
        dimension_numbers=("NCHW", "OIHW", "NCHW"),
    )  # [B, DICT, Hout, Wout]

    # Sparse combination: out[b,c,h,w] = sum_{i in KHxKW, s} coeff[c,i,s] * S[b, idx[c,i,s], h, w]
    # Build the dense equivalent of the sparse (dict -> out_channel) matrix via scatter-add.
    idx_flat = idx.reshape(COUT, -1)                       # [COUT, KH*KW*SP]
    coeff_flat = lookup_coefficients.reshape(COUT, -1)     # [COUT, KH*KW*SP]
    rows = jnp.arange(COUT, dtype=jnp.int32)[:, None]
    M = jnp.zeros((COUT, DICT), dtype=x.dtype).at[rows, idx_flat].add(coeff_flat)  # scatter-add

    out = jnp.einsum("cd,bdhw->bchw", M, S)
    return out

if __name__ == "__main__":
    import jax
    _d = setup_inputs()
    print(jax.jit(kernel)(*tuple(_d.values())))

</pallas_src>

<mosaic_0001>
#map = affine_map<(d0, d1) -> (0, 0)>
#map1 = affine_map<(d0, d1) -> (0)>
module attributes {stable_mosaic.version = 14 : i64} {
  func.func @build(%arg0: i32, %arg1: i32, %arg2: memref<256x32xi32, #tpu.memory_space<hbm>>, %arg3: memref<256x32xf32, #tpu.memory_space<hbm>>, %arg4: memref<65536xf32, #tpu.memory_space<hbm>>, %arg5: memref<8x32xi32, #tpu.memory_space<vmem>>, %arg6: memref<8x32xf32, #tpu.memory_space<vmem>>, %arg7: memref<2048xf32, #tpu.memory_space<vmem>>) attributes {dimension_semantics = [#tpu.dimension_semantics<core_parallel>, #tpu.dimension_semantics<subcore_parallel>], iteration_bounds = array<i64: 2, 16>, scalar_prefetch = 0 : i64, scratch_operands = 3 : i64, tpu.core_type = #tpu.core_type<sc_vector_subcore>, window_params = [{transform_indices = #map}, {transform_indices = #map}, {transform_indices = #map1}]} {
    %mul3A = arith.constant 2 : i32
    %mul3A_0 = arith.muli %arg1, %mul3A : i32
    %add3A = arith.addi %mul3A_0, %arg0 : i32
    %mul3A_1 = arith.constant 8 : i32
    %mul3A_2 = arith.muli %add3A, %mul3A_1 : i32
    "tpu.region"() ({
      %run_scoped3A = tpu.sem_alloc : memref<!tpu.dma_semaphore, #tpu.memory_space<semaphore_mem>>
      %dma_start3A = arith.constant 0 : i32
      %dma_start3A_483 = tpu.memref_slice %arg2[%mul3A_2, %dma_start3A] : memref<256x32xi32, #tpu.memory_space<hbm>> -> memref<8x32xi32, #tpu.memory_space<hbm>>
      %dma_start3A_484 = arith.constant 0 : i32
      %dma_start3A_485 = tpu.memref_slice %arg2[%mul3A_2, %dma_start3A_484] : memref<256x32xi32, #tpu.memory_space<hbm>> -> memref<8x32xi32, #tpu.memory_space<hbm>>
      tpu.enqueue_dma source(%dma_start3A_485 : memref<8x32xi32, #tpu.memory_space<hbm>>) target(%arg5 : memref<8x32xi32, #tpu.memory_space<vmem>>) target_semaphore(%run_scoped3A : memref<!tpu.dma_semaphore, #tpu.memory_space<semaphore_mem>>)
      %dma_wait3A = arith.constant 0 : i32
      %dma_wait3A_486 = tpu.memref_slice %arg2[%mul3A_2, %dma_wait3A] : memref<256x32xi32, #tpu.memory_space<hbm>> -> memref<8x32xi32, #tpu.memory_space<hbm>>
      %dma_wait3A_487 = arith.constant 0 : i32
      %dma_wait3A_488 = tpu.memref_slice %arg2[%mul3A_2, %dma_wait3A_487] : memref<256x32xi32, #tpu.memory_space<hbm>> -> memref<8x32xi32, #tpu.memory_space<hbm>>
      tpu.wait_dma2 semaphore(%run_scoped3A : memref<!tpu.dma_semaphore, #tpu.memory_space<semaphore_mem>>) src(%dma_wait3A_488 : memref<8x32xi32, #tpu.memory_space<hbm>>) dst(%arg5 : memref<8x32xi32, #tpu.memory_space<vmem>>)
      tpu.yield
    }) : () -> ()
    "tpu.region"() ({
      %run_scoped3A = tpu.sem_alloc : memref<!tpu.dma_semaphore, #tpu.memory_space<semaphore_mem>>
      %dma_start3A = arith.constant 0 : i32
      %dma_start3A_483 = tpu.memref_slice %arg3[%mul3A_2, %dma_start3A] : memref<256x32xf32, #tpu.memory_space<hbm>> -> memref<8x32xf32, #tpu.memory_space<hbm>>
      %dma_start3A_484 = arith.constant 0 : i32
      %dma_start3A_485 = tpu.memref_slice %arg3[%mul3A_2, %dma_start3A_484] : memref<256x32xf32, #tpu.memory_space<hbm>> -> memref<8x32xf32, #tpu.memory_space<hbm>>
      tpu.enqueue_dma source(%dma_start3A_485 : memref<8x32xf32, #tpu.memory_space<hbm>>) target(%arg6 : memref<8x32xf32, #tpu.memory_space<vmem>>) target_semaphore(%run_scoped3A : memref<!tpu.dma_semaphore, #tpu.memory_space<semaphore_mem>>)
      %dma_wait3A = arith.constant 0 : i32
      %dma_wait3A_486 = tpu.memref_slice %arg3[%mul3A_2, %dma_wait3A] : memref<256x32xf32, #tpu.memory_space<hbm>> -> memref<8x32xf32, #tpu.memory_space<hbm>>
      %dma_wait3A_487 = arith.constant 0 : i32
      %dma_wait3A_488 = tpu.memref_slice %arg3[%mul3A_2, %dma_wait3A_487] : memref<256x32xf32, #tpu.memory_space<hbm>> -> memref<8x32xf32, #tpu.memory_space<hbm>>
      tpu.wait_dma2 semaphore(%run_scoped3A : memref<!tpu.dma_semaphore, #tpu.memory_space<semaphore_mem>>) src(%dma_wait3A_488 : memref<8x32xf32, #tpu.memory_space<hbm>>) dst(%arg6 : memref<8x32xf32, #tpu.memory_space<vmem>>)
      tpu.yield
    }) : () -> ()
    %broadcast_in_dim3A = arith.constant 0.000000e+00 : f32
    %broadcast_in_dim3A_3 = vector.broadcast %broadcast_in_dim3A : f32 to vector<16xf32>
    %swap3A = arith.constant 0 : index
    %swap3A_4 = tpu.vector_load %arg7[%swap3A] {strides = array<i32>} : memref<2048xf32, #tpu.memory_space<vmem>>, vector<16xf32>,
    tpu.vector_store %arg7[%swap3A], %broadcast_in_dim3A_3 {strides = array<i32>} : memref<2048xf32, #tpu.memory_space<vmem>>, vector<16xf32>,
    %swap3A_5 = arith.constant 16 : index
    %swap3A_6 = tpu.vector_load %arg7[%swap3A_5] {strides = array<i32>} : memref<2048xf32, #tpu.memory_space<vmem>>, vector<16xf32>,
    tpu.vector_store %arg7[%swap3A_5], %broadcast_in_dim3A_3 {strides = array<i32>} : memref<2048xf32, #tpu.memory_space<vmem>>, vector<16xf32>,
    %swap3A_7 = arith.constant 32 : index
    %swap3A_8 = tpu.vector_load %arg7[%swap3A_7] {strides = array<i32>} : memref<2048xf32, #tpu.memory_space<vmem>>, vector<16xf32>,
    tpu.vector_store %arg7[%swap3A_7], %broadcast_in_dim3A_3 {strides = array<i32>} : memref<2048xf32, #tpu.memory_space<vmem>>, vector<16xf32>,
    %swap3A_9 = arith.constant 48 : index
    %swap3A_10 = tpu.vector_load %arg7[%swap3A_9] {strides = array<i32>} : memref<2048xf32, #tpu.memory_space<vmem>>, vector<16xf32>,
    tpu.vector_store %arg7[%swap3A_9], %broadcast_in_dim3A_3 {strides = array<i32>} : memref<2048xf32, #tpu.memory_space<vmem>>, vector<16xf32>,
    %swap3A_11 = arith.constant 64 : index
    %swap3A_12 = tpu.vector_load %arg7[%swap3A_11] {strides = array<i32>} : memref<2048xf32, #tpu.memory_space<vmem>>, vector<16xf32>,
    tpu.vector_store %arg7[%swap3A_11], %broadcast_in_dim3A_3 {strides = array<i32>} : memref<2048xf32, #tpu.memory_space<vmem>>, vector<16xf32>,
    %swap3A_13 = arith.constant 80 : index
    %swap3A_14 = tpu.vector_load %arg7[%swap3A_13] {strides = array<i32>} : memref<2048xf32, #tpu.memory_space<vmem>>, vector<16xf32>,
    tpu.vector_store %arg7[%swap3A_13], %broadcast_in_dim3A_3 {strides = array<i32>} : memref<2048xf32, #tpu.memory_space<vmem>>, vector<16xf32>,
    %swap3A_15 = arith.constant 96 : index
    %swap3A_16 = tpu.vector_load %arg7[%swap3A_15] {strides = array<i32>} : memref<2048xf32, #tpu.memory_space<vmem>>, vector<16xf32>,
    tpu.vector_store %arg7[%swap3A_15], %broadcast_in_dim3A_3 {strides = array<i32>} : memref<2048xf32, #tpu.memory_space<vmem>>, vector<16xf32>,
    %swap3A_17 = arith.constant 112 : index
    %swap3A_18 = tpu.vector_load %arg7[%swap3A_17] {strides = array<i32>} : memref<2048xf32, #tpu.memory_space<vmem>>, vector<16xf32>,
    tpu.vector_store %arg7[%swap3A_17], %broadcast_in_dim3A_3 {strides = array<i32>} : memref<2048xf32, #tpu.memory_space<vmem>>, vector<16xf32>,
    %swap3A_19 = arith.constant 128 : index
    %swap3A_20 = tpu.vector_load %arg7[%swap3A_19] {strides = array<i32>} : memref<2048xf32, #tpu.memory_space<vmem>>, vector<16xf32>,
    tpu.vector_store %arg7[%swap3A_19], %broadcast_in_dim3A_3 {strides = array<i32>} : memref<2048xf32, #tpu.memory_space<vmem>>, vector<16xf32>,
    %swap3A_21 = arith.constant 144 : index
    %swap3A_22 = tpu.vector_load %arg7[%swap3A_21] {strides = array<i32>} : memref<2048xf32, #tpu.memory_space<vmem>>, vector<16xf32>,
    tpu.vector_store %arg7[%swap3A_21], %broadcast_in_dim3A_3 {strides = array<i32>} : memref<2048xf32, #tpu.memory_space<vmem>>, vector<16xf32>,
    %swap3A_23 = arith.constant 160 : index
    %swap3A_24 = tpu.vector_load %arg7[%swap3A_23] {strides = array<i32>} : memref<2048xf32, #tpu.memory_space<vmem>>, vector<16xf32>,
    tpu.vector_store %arg7[%swap3A_23], %broadcast_in_dim3A_3 {strides = array<i32>} : memref<2048xf32, #tpu.memory_space<vmem>>, vector<16xf32>,
    %swap3A_25 = arith.constant 176 : index
    %swap3A_26 = tpu.vector_load %arg7[%swap3A_25] {strides = array<i32>} : memref<2048xf32, #tpu.memory_space<vmem>>, vector<16xf32>,
    tpu.vector_store %arg7[%swap3A_25], %broadcast_in_dim3A_3 {strides = array<i32>} : memref<2048xf32, #tpu.memory_space<vmem>>, vector<16xf32>,
    %swap3A_27 = arith.constant 192 : index
    %swap3A_28 = tpu.vector_load %arg7[%swap3A_27] {strides = array<i32>} : memref<2048xf32, #tpu.memory_space<vmem>>, vector<16xf32>,
    tpu.vector_store %arg7[%swap3A_27], %broadcast_in_dim3A_3 {strides = array<i32>} : memref<2048xf32, #tpu.memory_space<vmem>>, vector<16xf32>,
    %swap3A_29 = arith.constant 208 : index
    %swap3A_30 = tpu.vector_load %arg7[%swap3A_29] {strides = array<i32>} : memref<2048xf32, #tpu.memory_space<vmem>>, vector<16xf32>,
    tpu.vector_store %arg7[%swap3A_29], %broadcast_in_dim3A_3 {strides = array<i32>} : memref<2048xf32, #tpu.memory_space<vmem>>, vector<16xf32>,
    %swap3A_31 = arith.constant 224 : index
    %swap3A_32 = tpu.vector_load %arg7[%swap3A_31] {strides = array<i32>} : memref<2048xf32, #tpu.memory_space<vmem>>, vector<16xf32>,
    tpu.vector_store %arg7[%swap3A_31], %broadcast_in_dim3A_3 {strides = array<i32>} : memref<2048xf32, #tpu.memory_space<vmem>>, vector<16xf32>,
    %swap3A_33 = arith.constant 240 : index
    %swap3A_34 = tpu.vector_load %arg7[%swap3A_33] {strides = array<i32>} : memref<2048xf32, #tpu.memory_space<vmem>>, vector<16xf32>,
    tpu.vector_store %arg7[%swap3A_33], %broadcast_in_dim3A_3 {strides = array<i32>} : memref<2048xf32, #tpu.memory_space<vmem>>, vector<16xf32>,
    %swap3A_35 = arith.constant 256 : index
    %swap3A_36 = tpu.vector_load %arg7[%swap3A_35] {strides = array<i32>} : memref<2048xf32, #tpu.memory_space<vmem>>, vector<16xf32>,
    tpu.vector_store %arg7[%swap3A_35], %broadcast_in_dim3A_3 {strides = array<i32>} : memref<2048xf32, #tpu.memory_space<vmem>>, vector<16xf32>,
    %swap3A_37 = arith.constant 272 : index
    %swap3A_38 = tpu.vector_load %arg7[%swap3A_37] {strides = array<i32>} : memref<2048xf32, #tpu.memory_space<vmem>>, vector<16xf32>,
    tpu.vector_store %arg7[%swap3A_37], %broadcast_in_dim3A_3 {strides = array<i32>} : memref<2048xf32, #tpu.memory_space<vmem>>, vector<16xf32>,
    %swap3A_39 = arith.constant 288 : index
    %swap3A_40 = tpu.vector_load %arg7[%swap3A_39] {strides = array<i32>} : memref<2048xf32, #tpu.memory_space<vmem>>, vector<16xf32>,
    tpu.vector_store %arg7[%swap3A_39], %broadcast_in_dim3A_3 {strides = array<i32>} : memref<2048xf32, #tpu.memory_space<vmem>>, vector<16xf32>,
    %swap3A_41 = arith.constant 304 : index
    %swap3A_42 = tpu.vector_load %arg7[%swap3A_41] {strides = array<i32>} : memref<2048xf32, #tpu.memory_space<vmem>>, vector<16xf32>,
    tpu.vector_store %arg7[%swap3A_41], %broadcast_in_dim3A_3 {strides = array<i32>} : memref<2048xf32, #tpu.memory_space<vmem>>, vector<16xf32>,
    %swap3A_43 = arith.constant 320 : index
    %swap3A_44 = tpu.vector_load %arg7[%swap3A_43] {strides = array<i32>} : memref<2048xf32, #tpu.memory_space<vmem>>, vector<16xf32>,
    tpu.vector_store %arg7[%swap3A_43], %broadcast_in_dim3A_3 {strides = array<i32>} : memref<2048xf32, #tpu.memory_space<vmem>>, vector<16xf32>,
    %swap3A_45 = arith.constant 336 : index
    %swap3A_46 = tpu.vector_load %arg7[%swap3A_45] {strides = array<i32>} : memref<2048xf32, #tpu.memory_space<vmem>>, vector<16xf32>,
    tpu.vector_store %arg7[%swap3A_45], %broadcast_in_dim3A_3 {strides = array<i32>} : memref<2048xf32, #tpu.memory_space<vmem>>, vector<16xf32>,
    %swap3A_47 = arith.constant 352 : index
    %swap3A_48 = tpu.vector_load %arg7[%swap3A_47] {strides = array<i32>} : memref<2048xf32, #tpu.memory_space<vmem>>, vector<16xf32>,
    tpu.vector_store %arg7[%swap3A_47], %broadcast_in_dim3A_3 {strides = array<i32>} : memref<2048xf32, #tpu.memory_space<vmem>>, vector<16xf32>,
    %swap3A_49 = arith.constant 368 : index
    %swap3A_50 = tpu.vector_load %arg7[%swap3A_49] {strides = array<i32>} : memref<2048xf32, #tpu.memory_space<vmem>>, vector<16xf32>,
    tpu.vector_store %arg7[%swap3A_49], %broadcast_in_dim3A_3 {strides = array<i32>} : memref<2048xf32, #tpu.memory_space<vmem>>, vector<16xf32>,
    %swap3A_51 = arith.constant 384 : index
    %swap3A_52 = tpu.vector_load %arg7[%swap3A_51] {strides = array<i32>} : memref<2048xf32, #tpu.memory_space<vmem>>, vector<16xf32>,
    tpu.vector_store %arg7[%swap3A_51], %broadcast_in_dim3A_3 {strides = array<i32>} : memref<2048xf32, #tpu.memory_space<vmem>>, vector<16xf32>,
    %swap3A_53 = arith.constant 400 : index
    %swap3A_54 = tpu.vector_load %arg7[%swap3A_53] {strides = array<i32>} : memref<2048xf32, #tpu.memory_space<vmem>>, vector<16xf32>,
    tpu.vector_store %arg7[%swap3A_53], %broadcast_in_dim3A_3 {strides = array<i32>} : memref<2048xf32, #tpu.memory_space<vmem>>, vector<16xf32>,
    %swap3A_55 = arith.constant 416 : index
    %swap3A_56 = tpu.vector_load %arg7[%swap3A_55] {strides = array<i32>} : memref<2048xf32, #tpu.memory_space<vmem>>, vector<16xf32>,
    tpu.vector_store %arg7[%swap3A_55], %broadcast_in_dim3A_3 {strides = array<i32>} : memref<2048xf32, #tpu.memory_space<vmem>>, vector<16xf32>,
    %swap3A_57 = arith.constant 432 : index
    %swap3A_58 = tpu.vector_load %arg7[%swap3A_57] {strides = array<i32>} : memref<2048xf32, #tpu.memory_space<vmem>>, vector<16xf32>,
    tpu.vector_store %arg7[%swap3A_57], %broadcast_in_dim3A_3 {strides = array<i32>} : memref<2048xf32, #tpu.memory_space<vmem>>, vector<16xf32>,
    %swap3A_59 = arith.constant 448 : index
    %swap3A_60 = tpu.vector_load %arg7[%swap3A_59] {strides = array<i32>} : memref<2048xf32, #tpu.memory_space<vmem>>, vector<16xf32>,
    tpu.vector_store %arg7[%swap3A_59], %broadcast_in_dim3A_3 {strides = array<i32>} : memref<2048xf32, #tpu.memory_space<vmem>>, vector<16xf32>,
    %swap3A_61 = arith.constant 464 : index
    %swap3A_62 = tpu.vector_load %arg7[%swap3A_61] {strides = array<i32>} : memref<2048xf32, #tpu.memory_space<vmem>>, vector<16xf32>,
    tpu.vector_store %arg7[%swap3A_61], %broadcast_in_dim3A_3 {strides = array<i32>} : memref<2048xf32, #tpu.memory_space<vmem>>, vector<16xf32>,
    %swap3A_63 = arith.constant 480 : index
    %swap3A_64 = tpu.vector_load %arg7[%swap3A_63] {strides = array<i32>} : memref<2048xf32, #tpu.memory_space<vmem>>, vector<16xf32>,
    tpu.vector_store %arg7[%swap3A_63], %broadcast_in_dim3A_3 {strides = array<i32>} : memref<2048xf32, #tpu.memory_space<vmem>>, vector<16xf32>,
    %swap3A_65 = arith.constant 496 : index
    %swap3A_66 = tpu.vector_load %arg7[%swap3A_65] {strides = array<i32>} : memref<2048xf32, #tpu.memory_space<vmem>>, vector<16xf32>,
    tpu.vector_store %arg7[%swap3A_65], %broadcast_in_dim3A_3 {strides = array<i32>} : memref<2048xf32, #tpu.memory_space<vmem>>, vector<16xf32>,
    %swap3A_67 = arith.constant 512 : index
    %swap3A_68 = tpu.vector_load %arg7[%swap3A_67] {strides = array<i32>} : memref<2048xf32, #tpu.memory_space<vmem>>, vector<16xf32>,
    tpu.vector_store %arg7[%swap3A_67], %broadcast_in_dim3A_3 {strides = array<i32>} : memref<2048xf32, #tpu.memory_space<vmem>>, vector<16xf32>,
    %swap3A_69 = arith.constant 528 : index
    %swap3A_70 = tpu.vector_load %arg7[%swap3A_69] {strides = array<i32>} : memref<2048xf32, #tpu.memory_space<vmem>>, vector<16xf32>,
    tpu.vector_store %arg7[%swap3A_69], %broadcast_in_dim3A_3 {strides = array<i32>} : memref<2048xf32, #tpu.memory_space<vmem>>, vector<16xf32>,
    %swap3A_71 = arith.constant 544 : index
    %swap3A_72 = tpu.vector_load %arg7[%swap3A_71] {strides = array<i32>} : memref<2048xf32, #tpu.memory_space<vmem>>, vector<16xf32>,
    tpu.vector_store %arg7[%swap3A_71], %broadcast_in_dim3A_3 {strides = array<i32>} : memref<2048xf32, #tpu.memory_space<vmem>>, vector<16xf32>,
    %swap3A_73 = arith.constant 560 : index
    %swap3A_74 = tpu.vector_load %arg7[%swap3A_73] {strides = array<i32>} : memref<2048xf32, #tpu.memory_space<vmem>>, vector<16xf32>,
    tpu.vector_store %arg7[%swap3A_73], %broadcast_in_dim3A_3 {strides = array<i32>} : memref<2048xf32, #tpu.memory_space<vmem>>, vector<16xf32>,
    %swap3A_75 = arith.constant 576 : index
    %swap3A_76 = tpu.vector_load %arg7[%swap3A_75] {strides = array<i32>} : memref<2048xf32, #tpu.memory_space<vmem>>, vector<16xf32>,
    tpu.vector_store %arg7[%swap3A_75], %broadcast_in_dim3A_3 {strides = array<i32>} : memref<2048xf32, #tpu.memory_space<vmem>>, vector<16xf32>,
    %swap3A_77 = arith.constant 592 : index
    %swap3A_78 = tpu.vector_load %arg7[%swap3A_77] {strides = array<i32>} : memref<2048xf32, #tpu.memory_space<vmem>>, vector<16xf32>,
    tpu.vector_store %arg7[%swap3A_77], %broadcast_in_dim3A_3 {strides = array<i32>} : memref<2048xf32, #tpu.memory_space<vmem>>, vector<16xf32>,
    %swap3A_79 = arith.constant 608 : index
    %swap3A_80 = tpu.vector_load %arg7[%swap3A_79] {strides = array<i32>} : memref<2048xf32, #tpu.memory_space<vmem>>, vector<16xf32>,
    tpu.vector_store %arg7[%swap3A_79], %broadcast_in_dim3A_3 {strides = array<i32>} : memref<2048xf32, #tpu.memory_space<vmem>>, vector<16xf32>,
    %swap3A_81 = arith.constant 624 : index
    %swap3A_82 = tpu.vector_load %arg7[%swap3A_81] {strides = array<i32>} : memref<2048xf32, #tpu.memory_space<vmem>>, vector<16xf32>,
    tpu.vector_store %arg7[%swap3A_81], %broadcast_in_dim3A_3 {strides = array<i32>} : memref<2048xf32, #tpu.memory_space<vmem>>, vector<16xf32>,
    %swap3A_83 = arith.constant 640 : index
    %swap3A_84 = tpu.vector_load %arg7[%swap3A_83] {strides = array<i32>} : memref<2048xf32, #tpu.memory_space<vmem>>, vector<16xf32>,
    tpu.vector_store %arg7[%swap3A_83], %broadcast_in_dim3A_3 {strides = array<i32>} : memref<2048xf32, #tpu.memory_space<vmem>>, vector<16xf32>,
    %swap3A_85 = arith.constant 656 : index
    %swap3A_86 = tpu.vector_load %arg7[%swap3A_85] {strides = array<i32>} : memref<2048xf32, #tpu.memory_space<vmem>>, vector<16xf32>,
    tpu.vector_store %arg7[%swap3A_85], %broadcast_in_dim3A_3 {strides = array<i32>} : memref<2048xf32, #tpu.memory_space<vmem>>, vector<16xf32>,
    %swap3A_87 = arith.constant 672 : index
    %swap3A_88 = tpu.vector_load %arg7[%swap3A_87] {strides = array<i32>} : memref<2048xf32, #tpu.memory_space<vmem>>, vector<16xf32>,
    tpu.vector_store %arg7[%swap3A_87], %broadcast_in_dim3A_3 {strides = array<i32>} : memref<2048xf32, #tpu.memory_space<vmem>>, vector<16xf32>,
    %swap3A_89 = arith.constant 688 : index
    %swap3A_90 = tpu.vector_load %arg7[%swap3A_89] {strides = array<i32>} : memref<2048xf32, #tpu.memory_space<vmem>>, vector<16xf32>,
    tpu.vector_store %arg7[%swap3A_89], %broadcast_in_dim3A_3 {strides = array<i32>} : memref<2048xf32, #tpu.memory_space<vmem>>, vector<16xf32>,
    %swap3A_91 = arith.constant 704 : index
    %swap3A_92 = tpu.vector_load %arg7[%swap3A_91] {strides = array<i32>} : memref<2048xf32, #tpu.memory_space<vmem>>, vector<16xf32>,
    tpu.vector_store %arg7[%swap3A_91], %broadcast_in_dim3A_3 {strides = array<i32>} : memref<2048xf32, #tpu.memory_space<vmem>>, vector<16xf32>,
    %swap3A_93 = arith.constant 720 : index
    %swap3A_94 = tpu.vector_load %arg7[%swap3A_93] {strides = array<i32>} : memref<2048xf32, #tpu.memory_space<vmem>>, vector<16xf32>,
    tpu.vector_store %arg7[%swap3A_93], %broadcast_in_dim3A_3 {strides = array<i32>} : memref<2048xf32, #tpu.memory_space<vmem>>, vector<16xf32>,
    %swap3A_95 = arith.constant 736 : index
    %swap3A_96 = tpu.vector_load %arg7[%swap3A_95] {strides = array<i32>} : memref<2048xf32, #tpu.memory_space<vmem>>, vector<16xf32>,
    tpu.vector_store %arg7[%swap3A_95], %broadcast_in_dim3A_3 {strides = array<i32>} : memref<2048xf32, #tpu.memory_space<vmem>>, vector<16xf32>,
    %swap3A_97 = arith.constant 752 : index
    %swap3A_98 = tpu.vector_load %arg7[%swap3A_97] {strides = array<i32>} : memref<2048xf32, #tpu.memory_space<vmem>>, vector<16xf32>,
    tpu.vector_store %arg7[%swap3A_97], %broadcast_in_dim3A_3 {strides = array<i32>} : memref<2048xf32, #tpu.memory_space<vmem>>, vector<16xf32>,
    %swap3A_99 = arith.constant 768 : index
    %swap3A_100 = tpu.vector_load %arg7[%swap3A_99] {strides = array<i32>} : memref<2048xf32, #tpu.memory_space<vmem>>, vector<16xf32>,
    tpu.vector_store %arg7[%swap3A_99], %broadcast_in_dim3A_3 {strides = array<i32>} : memref<2048xf32, #tpu.memory_space<vmem>>, vector<16xf32>,
    %swap3A_101 = arith.constant 784 : index
    %swap3A_102 = tpu.vector_load %arg7[%swap3A_101] {strides = array<i32>} : memref<2048xf32, #tpu.memory_space<vmem>>, vector<16xf32>,
    tpu.vector_store %arg7[%swap3A_101], %broadcast_in_dim3A_3 {strides = array<i32>} : memref<2048xf32, #tpu.memory_space<vmem>>, vector<16xf32>,
    %swap3A_103 = arith.constant 800 : index
    %swap3A_104 = tpu.vector_load %arg7[%swap3A_103] {strides = array<i32>} : memref<2048xf32, #tpu.memory_space<vmem>>, vector<16xf32>,
    tpu.vector_store %arg7[%swap3A_103], %broadcast_in_dim3A_3 {strides = array<i32>} : memref<2048xf32, #tpu.memory_space<vmem>>, vector<16xf32>,
    %swap3A_105 = arith.constant 816 : index
    %swap3A_106 = tpu.vector_load %arg7[%swap3A_105] {strides = array<i32>} : memref<2048xf32, #tpu.memory_space<vmem>>, vector<16xf32>,
    tpu.vector_store %arg7[%swap3A_105], %broadcast_in_dim3A_3 {strides = array<i32>} : memref<2048xf32, #tpu.memory_space<vmem>>, vector<16xf32>,
    %swap3A_107 = arith.constant 832 : index
    %swap3A_108 = tpu.vector_load %arg7[%swap3A_107] {strides = array<i32>} : memref<2048xf32, #tpu.memory_space<vmem>>, vector<16xf32>,
    tpu.vector_store %arg7[%swap3A_107], %broadcast_in_dim3A_3 {strides = array<i32>} : memref<2048xf32, #tpu.memory_space<vmem>>, vector<16xf32>,
    %swap3A_109 = arith.constant 848 : index
    %swap3A_110 = tpu.vector_load %arg7[%swap3A_109] {strides = array<i32>} : memref<2048xf32, #tpu.memory_space<vmem>>, vector<16xf32>,
    tpu.vector_store %arg7[%swap3A_109], %broadcast_in_dim3A_3 {strides = array<i32>} : memref<2048xf32, #tpu.memory_space<vmem>>, vector<16xf32>,
    %swap3A_111 = arith.constant 864 : index
    %swap3A_112 = tpu.vector_load %arg7[%swap3A_111] {strides = array<i32>} : memref<2048xf32, #tpu.memory_space<vmem>>, vector<16xf32>,
    tpu.vector_store %arg7[%swap3A_111], %broadcast_in_dim3A_3 {strides = array<i32>} : memref<2048xf32, #tpu.memory_space<vmem>>, vector<16xf32>,
    %swap3A_113 = arith.constant 880 : index
    %swap3A_114 = tpu.vector_load %arg7[%swap3A_113] {strides = array<i32>} : memref<2048xf32, #tpu.memory_space<vmem>>, vector<16xf32>,
    tpu.vector_store %arg7[%swap3A_113], %broadcast_in_dim3A_3 {strides = array<i32>} : memref<2048xf32, #tpu.memory_space<vmem>>, vector<16xf32>,
    %swap3A_115 = arith.constant 896 : index
    %swap3A_116 = tpu.vector_load %arg7[%swap3A_115] {strides = array<i32>} : memref<2048xf32, #tpu.memory_space<vmem>>, vector<16xf32>,
    tpu.vector_store %arg7[%swap3A_115], %broadcast_in_dim3A_3 {strides = array<i32>} : memref<2048xf32, #tpu.memory_space<vmem>>, vector<16xf32>,
    %swap3A_117 = arith.constant 912 : index
    %swap3A_118 = tpu.vector_load %arg7[%swap3A_117] {strides = array<i32>} : memref<2048xf32, #tpu.memory_space<vmem>>, vector<16xf32>,
    tpu.vector_store %arg7[%swap3A_117], %broadcast_in_dim3A_3 {strides = array<i32>} : memref<2048xf32, #tpu.memory_space<vmem>>, vector<16xf32>,
    %swap3A_119 = arith.constant 928 : index
    %swap3A_120 = tpu.vector_load %arg7[%swap3A_119] {strides = array<i32>} : memref<2048xf32, #tpu.memory_space<vmem>>, vector<16xf32>,
    tpu.vector_store %arg7[%swap3A_119], %broadcast_in_dim3A_3 {strides = array<i32>} : memref<2048xf32, #tpu.memory_space<vmem>>, vector<16xf32>,
    %swap3A_121 = arith.constant 944 : index
    %swap3A_122 = tpu.vector_load %arg7[%swap3A_121] {strides = array<i32>} : memref<2048xf32, #tpu.memory_space<vmem>>, vector<16xf32>,
    tpu.vector_store %arg7[%swap3A_121], %broadcast_in_dim3A_3 {strides = array<i32>} : memref<2048xf32, #tpu.memory_space<vmem>>, vector<16xf32>,
    %swap3A_123 = arith.constant 960 : index
    %swap3A_124 = tpu.vector_load %arg7[%swap3A_123] {strides = array<i32>} : memref<2048xf32, #tpu.memory_space<vmem>>, vector<16xf32>,
    tpu.vector_store %arg7[%swap3A_123], %broadcast_in_dim3A_3 {strides = array<i32>} : memref<2048xf32, #tpu.memory_space<vmem>>, vector<16xf32>,
    %swap3A_125 = arith.constant 976 : index
    %swap3A_126 = tpu.vector_load %arg7[%swap3A_125] {strides = array<i32>} : memref<2048xf32, #tpu.memory_space<vmem>>, vector<16xf32>,
    tpu.vector_store %arg7[%swap3A_125], %broadcast_in_dim3A_3 {strides = array<i32>} : memref<2048xf32, #tpu.memory_space<vmem>>, vector<16xf32>,
    %swap3A_127 = arith.constant 992 : index
    %swap3A_128 = tpu.vector_load %arg7[%swap3A_127] {strides = array<i32>} : memref<2048xf32, #tpu.memory_space<vmem>>, vector<16xf32>,
    tpu.vector_store %arg7[%swap3A_127], %broadcast_in_dim3A_3 {strides = array<i32>} : memref<2048xf32, #tpu.memory_space<vmem>>, vector<16xf32>,
    %swap3A_129 = arith.constant 1008 : index
    %swap3A_130 = tpu.vector_load %arg7[%swap3A_129] {strides = array<i32>} : memref<2048xf32, #tpu.memory_space<vmem>>, vector<16xf32>,
    tpu.vector_store %arg7[%swap3A_129], %broadcast_in_dim3A_3 {strides = array<i32>} : memref<2048xf32, #tpu.memory_space<vmem>>, vector<16xf32>,
    %swap3A_131 = arith.constant 1024 : index
    %swap3A_132 = tpu.vector_load %arg7[%swap3A_131] {strides = array<i32>} : memref<2048xf32, #tpu.memory_space<vmem>>, vector<16xf32>,
    tpu.vector_store %arg7[%swap3A_131], %broadcast_in_dim3A_3 {strides = array<i32>} : memref<2048xf32, #tpu.memory_space<vmem>>, vector<16xf32>,
    %swap3A_133 = arith.constant 1040 : index
    %swap3A_134 = tpu.vector_load %arg7[%swap3A_133] {strides = array<i32>} : memref<2048xf32, #tpu.memory_space<vmem>>, vector<16xf32>,
    tpu.vector_store %arg7[%swap3A_133], %broadcast_in_dim3A_3 {strides = array<i32>} : memref<2048xf32, #tpu.memory_space<vmem>>, vector<16xf32>,
    %swap3A_135 = arith.constant 1056 : index
    %swap3A_136 = tpu.vector_load %arg7[%swap3A_135] {strides = array<i32>} : memref<2048xf32, #tpu.memory_space<vmem>>, vector<16xf32>,
    tpu.vector_store %arg7[%swap3A_135], %broadcast_in_dim3A_3 {strides = array<i32>} : memref<2048xf32, #tpu.memory_space<vmem>>, vector<16xf32>,
    %swap3A_137 = arith.constant 1072 : index
    %swap3A_138 = tpu.vector_load %arg7[%swap3A_137] {strides = array<i32>} : memref<2048xf32, #tpu.memory_space<vmem>>, vector<16xf32>,
    tpu.vector_store %arg7[%swap3A_137], %broadcast_in_dim3A_3 {strides = array<i32>} : memref<2048xf32, #tpu.memory_space<vmem>>, vector<16xf32>,
    %swap3A_139 = arith.constant 1088 : index
    %swap3A_140 = tpu.vector_load %arg7[%swap3A_139] {strides = array<i32>} : memref<2048xf32, #tpu.memory_space<vmem>>, vector<16xf32>,
    tpu.vector_store %arg7[%swap3A_139], %broadcast_in_dim3A_3 {strides = array<i32>} : memref<2048xf32, #tpu.memory_space<vmem>>, vector<16xf32>,
    %swap3A_141 = arith.constant 1104 : index
    %swap3A_142 = tpu.vector_load %arg7[%swap3A_141] {strides = array<i32>} : memref<2048xf32, #tpu.memory_space<vmem>>, vector<16xf32>,
    tpu.vector_store %arg7[%swap3A_141], %broadcast_in_dim3A_3 {strides = array<i32>} : memref<2048xf32, #tpu.memory_space<vmem>>, vector<16xf32>,
    %swap3A_143 = arith.constant 1120 : index
    %swap3A_144 = tpu.vector_load %arg7[%swap3A_143] {strides = array<i32>} : memref<2048xf32, #tpu.memory_space<vmem>>, vector<16xf32>,
    tpu.vector_store %arg7[%swap3A_143], %broadcast_in_dim3A_3 {strides = array<i32>} : memref<2048xf32, #tpu.memory_space<vmem>>, vector<16xf32>,
    %swap3A_145 = arith.constant 1136 : index
    %swap3A_146 = tpu.vector_load %arg7[%swap3A_145] {strides = array<i32>} : memref<2048xf32, #tpu.memory_space<vmem>>, vector<16xf32>,
    tpu.vector_store %arg7[%swap3A_145], %broadcast_in_dim3A_3 {strides = array<i32>} : memref<2048xf32, #tpu.memory_space<vmem>>, vector<16xf32>,
    %swap3A_147 = arith.constant 1152 : index
    %swap3A_148 = tpu.vector_load %arg7[%swap3A_147] {strides = array<i32>} : memref<2048xf32, #tpu.memory_space<vmem>>, vector<16xf32>,
    tpu.vector_store %arg7[%swap3A_147], %broadcast_in_dim3A_3 {strides = array<i32>} : memref<2048xf32, #tpu.memory_space<vmem>>, vector<16xf32>,
    %swap3A_149 = arith.constant 1168 : index
    %swap3A_150 = tpu.vector_load %arg7[%swap3A_149] {strides = array<i32>} : memref<2048xf32, #tpu.memory_space<vmem>>, vector<16xf32>,
    tpu.vector_store %arg7[%swap3A_149], %broadcast_in_dim3A_3 {strides = array<i32>} : memref<2048xf32, #tpu.memory_space<vmem>>, vector<16xf32>,
    %swap3A_151 = arith.constant 1184 : index
    %swap3A_152 = tpu.vector_load %arg7[%swap3A_151] {strides = array<i32>} : memref<2048xf32, #tpu.memory_space<vmem>>, vector<16xf32>,
    tpu.vector_store %arg7[%swap3A_151], %broadcast_in_dim3A_3 {strides = array<i32>} : memref<2048xf32, #tpu.memory_space<vmem>>, vector<16xf32>,
    %swap3A_153 = arith.constant 1200 : index
    %swap3A_154 = tpu.vector_load %arg7[%swap3A_153] {strides = array<i32>} : memref<2048xf32, #tpu.memory_space<vmem>>, vector<16xf32>,
    tpu.vector_store %arg7[%swap3A_153], %broadcast_in_dim3A_3 {strides = array<i32>} : memref<2048xf32, #tpu.memory_space<vmem>>, vector<16xf32>,
    %swap3A_155 = arith.constant 1216 : index
    %swap3A_156 = tpu.vector_load %arg7[%swap3A_155] {strides = array<i32>} : memref<2048xf32, #tpu.memory_space<vmem>>, vector<16xf32>,
    tpu.vector_store %arg7[%swap3A_155], %broadcast_in_dim3A_3 {strides = array<i32>} : memref<2048xf32, #tpu.memory_space<vmem>>, vector<16xf32>,
    %swap3A_157 = arith.constant 1232 : index
    %swap3A_158 = tpu.vector_load %arg7[%swap3A_157] {strides = array<i32>} : memref<2048xf32, #tpu.memory_space<vmem>>, vector<16xf32>,
    tpu.vector_store %arg7[%swap3A_157], %broadcast_in_dim3A_3 {strides = array<i32>} : memref<2048xf32, #tpu.memory_space<vmem>>, vector<16xf32>,
    %swap3A_159 = arith.constant 1248 : index
    %swap3A_160 = tpu.vector_load %arg7[%swap3A_159] {strides = array<i32>} : memref<2048xf32, #tpu.memory_space<vmem>>, vector<16xf32>,
    tpu.vector_store %arg7[%swap3A_159], %broadcast_in_dim3A_3 {strides = array<i32>} : memref<2048xf32, #tpu.memory_space<vmem>>, vector<16xf32>,
    %swap3A_161 = arith.constant 1264 : index
    %swap3A_162 = tpu.vector_load %arg7[%swap3A_161] {strides = array<i32>} : memref<2048xf32, #tpu.memory_space<vmem>>, vector<16xf32>,
    tpu.vector_store %arg7[%swap3A_161], %broadcast_in_dim3A_3 {strides = array<i32>} : memref<2048xf32, #tpu.memory_space<vmem>>, vector<16xf32>,
    %swap3A_163 = arith.constant 1280 : index
    %swap3A_164 = tpu.vector_load %arg7[%swap3A_163] {strides = array<i32>} : memref<2048xf32, #tpu.memory_space<vmem>>, vector<16xf32>,
    tpu.vector_store %arg7[%swap3A_163], %broadcast_in_dim3A_3 {strides = array<i32>} : memref<2048xf32, #tpu.memory_space<vmem>>, vector<16xf32>,
    %swap3A_165 = arith.constant 1296 : index
    %swap3A_166 = tpu.vector_load %arg7[%swap3A_165] {strides = array<i32>} : memref<2048xf32, #tpu.memory_space<vmem>>, vector<16xf32>,
    tpu.vector_store %arg7[%swap3A_165], %broadcast_in_dim3A_3 {strides = array<i32>} : memref<2048xf32, #tpu.memory_space<vmem>>, vector<16xf32>,
    %swap3A_167 = arith.constant 1312 : index
    %swap3A_168 = tpu.vector_load %arg7[%swap3A_167] {strides = array<i32>} : memref<2048xf32, #tpu.memory_space<vmem>>, vector<16xf32>,
    tpu.vector_store %arg7[%swap3A_167], %broadcast_in_dim3A_3 {strides = array<i32>} : memref<2048xf32, #tpu.memory_space<vmem>>, vector<16xf32>,
    %swap3A_169 = arith.constant 1328 : index
    %swap3A_170 = tpu.vector_load %arg7[%swap3A_169] {strides = array<i32>} : memref<2048xf32, #tpu.memory_space<vmem>>, vector<16xf32>,
    tpu.vector_store %arg7[%swap3A_169], %broadcast_in_dim3A_3 {strides = array<i32>} : memref<2048xf32, #tpu.memory_space<vmem>>, vector<16xf32>,
    %swap3A_171 = arith.constant 1344 : index
    %swap3A_172 = tpu.vector_load %arg7[%swap3A_171] {strides = array<i32>} : memref<2048xf32, #tpu.memory_space<vmem>>, vector<16xf32>,
    tpu.vector_store %arg7[%swap3A_171], %broadcast_in_dim3A_3 {strides = array<i32>} : memref<2048xf32, #tpu.memory_space<vmem>>, vector<16xf32>,
    %swap3A_173 = arith.constant 1360 : index
    %swap3A_174 = tpu.vector_load %arg7[%swap3A_173] {strides = array<i32>} : memref<2048xf32, #tpu.memory_space<vmem>>, vector<16xf32>,
    tpu.vector_store %arg7[%swap3A_173], %broadcast_in_dim3A_3 {strides = array<i32>} : memref<2048xf32, #tpu.memory_space<vmem>>, vector<16xf32>,
    %swap3A_175 = arith.constant 1376 : index
    %swap3A_176 = tpu.vector_load %arg7[%swap3A_175] {strides = array<i32>} : memref<2048xf32, #tpu.memory_space<vmem>>, vector<16xf32>,
    tpu.vector_store %arg7[%swap3A_175], %broadcast_in_dim3A_3 {strides = array<i32>} : memref<2048xf32, #tpu.memory_space<vmem>>, vector<16xf32>,
    %swap3A_177 = arith.constant 1392 : index
    %swap3A_178 = tpu.vector_load %arg7[%swap3A_177] {strides = array<i32>} : memref<2048xf32, #tpu.memory_space<vmem>>, vector<16xf32>,
    tpu.vector_store %arg7[%swap3A_177], %broadcast_in_dim3A_3 {strides = array<i32>} : memref<2048xf32, #tpu.memory_space<vmem>>, vector<16xf32>,
    %swap3A_179 = arith.constant 1408 : index
    %swap3A_180 = tpu.vector_load %arg7[%swap3A_179] {strides = array<i32>} : memref<2048xf32, #tpu.memory_space<vmem>>, vector<16xf32>,
    tpu.vector_store %arg7[%swap3A_179], %broadcast_in_dim3A_3 {strides = array<i32>} : memref<2048xf32, #tpu.memory_space<vmem>>, vector<16xf32>,
    %swap3A_181 = arith.constant 1424 : index
    %swap3A_182 = tpu.vector_load %arg7[%swap3A_181] {strides = array<i32>} : memref<2048xf32, #tpu.memory_space<vmem>>, vector<16xf32>,
    tpu.vector_store %arg7[%swap3A_181], %broadcast_in_dim3A_3 {strides = array<i32>} : memref<2048xf32, #tpu.memory_space<vmem>>, vector<16xf32>,
    %swap3A_183 = arith.constant 1440 : index
    %swap3A_184 = tpu.vector_load %arg7[%swap3A_183] {strides = array<i32>} : memref<2048xf32, #tpu.memory_space<vmem>>, vector<16xf32>,
    tpu.vector_store %arg7[%swap3A_183], %broadcast_in_dim3A_3 {strides = array<i32>} : memref<2048xf32, #tpu.memory_space<vmem>>, vector<16xf32>,
    %swap3A_185 = arith.constant 1456 : index
    %swap3A_186 = tpu.vector_load %arg7[%swap3A_185] {strides = array<i32>} : memref<2048xf32, #tpu.memory_space<vmem>>, vector<16xf32>,
    tpu.vector_store %arg7[%swap3A_185], %broadcast_in_dim3A_3 {strides = array<i32>} : memref<2048xf32, #tpu.memory_space<vmem>>, vector<16xf32>,
    %swap3A_187 = arith.constant 1472 : index
    %swap3A_188 = tpu.vector_load %arg7[%swap3A_187] {strides = array<i32>} : memref<2048xf32, #tpu.memory_space<vmem>>, vector<16xf32>,
    tpu.vector_store %arg7[%swap3A_187], %broadcast_in_dim3A_3 {strides = array<i32>} : memref<2048xf32, #tpu.memory_space<vmem>>, vector<16xf32>,
    %swap3A_189 = arith.constant 1488 : index
    %swap3A_190 = tpu.vector_load %arg7[%swap3A_189] {strides = array<i32>} : memref<2048xf32, #tpu.memory_space<vmem>>, vector<16xf32>,
    tpu.vector_store %arg7[%swap3A_189], %broadcast_in_dim3A_3 {strides = array<i32>} : memref<2048xf32, #tpu.memory_space<vmem>>, vector<16xf32>,
    %swap3A_191 = arith.constant 1504 : index
    %swap3A_192 = tpu.vector_load %arg7[%swap3A_191] {strides = array<i32>} : memref<2048xf32, #tpu.memory_space<vmem>>, vector<16xf32>,
    tpu.vector_store %arg7[%swap3A_191], %broadcast_in_dim3A_3 {strides = array<i32>} : memref<2048xf32, #tpu.memory_space<vmem>>, vector<16xf32>,
    %swap3A_193 = arith.constant 1520 : index
    %swap3A_194 = tpu.vector_load %arg7[%swap3A_193] {strides = array<i32>} : memref<2048xf32, #tpu.memory_space<vmem>>, vector<16xf32>,
    tpu.vector_store %arg7[%swap3A_193], %broadcast_in_dim3A_3 {strides = array<i32>} : memref<2048xf32, #tpu.memory_space<vmem>>, vector<16xf32>,
    %swap3A_195 = arith.constant 1536 : index
    %swap3A_196 = tpu.vector_load %arg7[%swap3A_195] {strides = array<i32>} : memref<2048xf32, #tpu.memory_space<vmem>>, vector<16xf32>,
    tpu.vector_store %arg7[%swap3A_195], %broadcast_in_dim3A_3 {strides = array<i32>} : memref<2048xf32, #tpu.memory_space<vmem>>, vector<16xf32>,
    %swap3A_197 = arith.constant 1552 : index
    %swap3A_198 = tpu.vector_load %arg7[%swap3A_197] {strides = array<i32>} : memref<2048xf32, #tpu.memory_space<vmem>>, vector<16xf32>,
    tpu.vector_store %arg7[%swap3A_197], %broadcast_in_dim3A_3 {strides = array<i32>} : memref<2048xf32, #tpu.memory_space<vmem>>, vector<16xf32>,
    %swap3A_199 = arith.constant 1568 : index
    %swap3A_200 = tpu.vector_load %arg7[%swap3A_199] {strides = array<i32>} : memref<2048xf32, #tpu.memory_space<vmem>>, vector<16xf32>,
    tpu.vector_store %arg7[%swap3A_199], %broadcast_in_dim3A_3 {strides = array<i32>} : memref<2048xf32, #tpu.memory_space<vmem>>, vector<16xf32>,
    %swap3A_201 = arith.constant 1584 : index
    %swap3A_202 = tpu.vector_load %arg7[%swap3A_201] {strides = array<i32>} : memref<2048xf32, #tpu.memory_space<vmem>>, vector<16xf32>,
    tpu.vector_store %arg7[%swap3A_201], %broadcast_in_dim3A_3 {strides = array<i32>} : memref<2048xf32, #tpu.memory_space<vmem>>, vector<16xf32>,
    %swap3A_203 = arith.constant 1600 : index
    %swap3A_204 = tpu.vector_load %arg7[%swap3A_203] {strides = array<i32>} : memref<2048xf32, #tpu.memory_space<vmem>>, vector<16xf32>,
    tpu.vector_store %arg7[%swap3A_203], %broadcast_in_dim3A_3 {strides = array<i32>} : memref<2048xf32, #tpu.memory_space<vmem>>, vector<16xf32>,
    %swap3A_205 = arith.constant 1616 : index
    %swap3A_206 = tpu.vector_load %arg7[%swap3A_205] {strides = array<i32>} : memref<2048xf32, #tpu.memory_space<vmem>>, vector<16xf32>,
    tpu.vector_store %arg7[%swap3A_205], %broadcast_in_dim3A_3 {strides = array<i32>} : memref<2048xf32, #tpu.memory_space<vmem>>, vector<16xf32>,
    %swap3A_207 = arith.constant 1632 : index
    %swap3A_208 = tpu.vector_load %arg7[%swap3A_207] {strides = array<i32>} : memref<2048xf32, #tpu.memory_space<vmem>>, vector<16xf32>,
    tpu.vector_store %arg7[%swap3A_207], %broadcast_in_dim3A_3 {strides = array<i32>} : memref<2048xf32, #tpu.memory_space<vmem>>, vector<16xf32>,
    %swap3A_209 = arith.constant 1648 : index
    %swap3A_210 = tpu.vector_load %arg7[%swap3A_209] {strides = array<i32>} : memref<2048xf32, #tpu.memory_space<vmem>>, vector<16xf32>,
    tpu.vector_store %arg7[%swap3A_209], %broadcast_in_dim3A_3 {strides = array<i32>} : memref<2048xf32, #tpu.memory_space<vmem>>, vector<16xf32>,
    %swap3A_211 = arith.constant 1664 : index
    %swap3A_212 = tpu.vector_load %arg7[%swap3A_211] {strides = array<i32>} : memref<2048xf32, #tpu.memory_space<vmem>>, vector<16xf32>,
    tpu.vector_store %arg7[%swap3A_211], %broadcast_in_dim3A_3 {strides = array<i32>} : memref<2048xf32, #tpu.memory_space<vmem>>, vector<16xf32>,
    %swap3A_213 = arith.constant 1680 : index
    %swap3A_214 = tpu.vector_load %arg7[%swap3A_213] {strides = array<i32>} : memref<2048xf32, #tpu.memory_space<vmem>>, vector<16xf32>,
    tpu.vector_store %arg7[%swap3A_213], %broadcast_in_dim3A_3 {strides = array<i32>} : memref<2048xf32, #tpu.memory_space<vmem>>, vector<16xf32>,
    %swap3A_215 = arith.constant 1696 : index
    %swap3A_216 = tpu.vector_load %arg7[%swap3A_215] {strides = array<i32>} : memref<2048xf32, #tpu.memory_space<vmem>>, vector<16xf32>,
    tpu.vector_store %arg7[%swap3A_215], %broadcast_in_dim3A_3 {strides = array<i32>} : memref<2048xf32, #tpu.memory_space<vmem>>, vector<16xf32>,
    %swap3A_217 = arith.constant 1712 : index
    %swap3A_218 = tpu.vector_load %arg7[%swap3A_217] {strides = array<i32>} : memref<2048xf32, #tpu.memory_space<vmem>>, vector<16xf32>,
    tpu.vector_store %arg7[%swap3A_217], %broadcast_in_dim3A_3 {strides = array<i32>} : memref<2048xf32, #tpu.memory_space<vmem>>, vector<16xf32>,
    %swap3A_219 = arith.constant 1728 : index
    %swap3A_220 = tpu.vector_load %arg7[%swap3A_219] {strides = array<i32>} : memref<2048xf32, #tpu.memory_space<vmem>>, vector<16xf32>,
    tpu.vector_store %arg7[%swap3A_219], %broadcast_in_dim3A_3 {strides = array<i32>} : memref<2048xf32, #tpu.memory_space<vmem>>, vector<16xf32>,
    %swap3A_221 = arith.constant 1744 : index
    %swap3A_222 = tpu.vector_load %arg7[%swap3A_221] {strides = array<i32>} : memref<2048xf32, #tpu.memory_space<vmem>>, vector<16xf32>,
    tpu.vector_store %arg7[%swap3A_221], %broadcast_in_dim3A_3 {strides = array<i32>} : memref<2048xf32, #tpu.memory_space<vmem>>, vector<16xf32>,
    %swap3A_223 = arith.constant 1760 : index
    %swap3A_224 = tpu.vector_load %arg7[%swap3A_223] {strides = array<i32>} : memref<2048xf32, #tpu.memory_space<vmem>>, vector<16xf32>,
    tpu.vector_store %arg7[%swap3A_223], %broadcast_in_dim3A_3 {strides = array<i32>} : memref<2048xf32, #tpu.memory_space<vmem>>, vector<16xf32>,
    %swap3A_225 = arith.constant 1776 : index
    %swap3A_226 = tpu.vector_load %arg7[%swap3A_225] {strides = array<i32>} : memref<2048xf32, #tpu.memory_space<vmem>>, vector<16xf32>,
    tpu.vector_store %arg7[%swap3A_225], %broadcast_in_dim3A_3 {strides = array<i32>} : memref<2048xf32, #tpu.memory_space<vmem>>, vector<16xf32>,
    %swap3A_227 = arith.constant 1792 : index
    %swap3A_228 = tpu.vector_load %arg7[%swap3A_227] {strides = array<i32>} : memref<2048xf32, #tpu.memory_space<vmem>>, vector<16xf32>,
    tpu.vector_store %arg7[%swap3A_227], %broadcast_in_dim3A_3 {strides = array<i32>} : memref<2048xf32, #tpu.memory_space<vmem>>, vector<16xf32>,
    %swap3A_229 = arith.constant 1808 : index
    %swap3A_230 = tpu.vector_load %arg7[%swap3A_229] {strides = array<i32>} : memref<2048xf32, #tpu.memory_space<vmem>>, vector<16xf32>,
    tpu.vector_store %arg7[%swap3A_229], %broadcast_in_dim3A_3 {strides = array<i32>} : memref<2048xf32, #tpu.memory_space<vmem>>, vector<16xf32>,
    %swap3A_231 = arith.constant 1824 : index
    %swap3A_232 = tpu.vector_load %arg7[%swap3A_231] {strides = array<i32>} : memref<2048xf32, #tpu.memory_space<vmem>>, vector<16xf32>,
    tpu.vector_store %arg7[%swap3A_231], %broadcast_in_dim3A_3 {strides = array<i32>} : memref<2048xf32, #tpu.memory_space<vmem>>, vector<16xf32>,
    %swap3A_233 = arith.constant 1840 : index
    %swap3A_234 = tpu.vector_load %arg7[%swap3A_233] {strides = array<i32>} : memref<2048xf32, #tpu.memory_space<vmem>>, vector<16xf32>,
    tpu.vector_store %arg7[%swap3A_233], %broadcast_in_dim3A_3 {strides = array<i32>} : memref<2048xf32, #tpu.memory_space<vmem>>, vector<16xf32>,
    %swap3A_235 = arith.constant 1856 : index
    %swap3A_236 = tpu.vector_load %arg7[%swap3A_235] {strides = array<i32>} : memref<2048xf32, #tpu.memory_space<vmem>>, vector<16xf32>,
    tpu.vector_store %arg7[%swap3A_235], %broadcast_in_dim3A_3 {strides = array<i32>} : memref<2048xf32, #tpu.memory_space<vmem>>, vector<16xf32>,
    %swap3A_237 = arith.constant 1872 : index
    %swap3A_238 = tpu.vector_load %arg7[%swap3A_237] {strides = array<i32>} : memref<2048xf32, #tpu.memory_space<vmem>>, vector<16xf32>,
    tpu.vector_store %arg7[%swap3A_237], %broadcast_in_dim3A_3 {strides = array<i32>} : memref<2048xf32, #tpu.memory_space<vmem>>, vector<16xf32>,
    %swap3A_239 = arith.constant 1888 : index
    %swap3A_240 = tpu.vector_load %arg7[%swap3A_239] {strides = array<i32>} : memref<2048xf32, #tpu.memory_space<vmem>>, vector<16xf32>,
    tpu.vector_store %arg7[%swap3A_239], %broadcast_in_dim3A_3 {strides = array<i32>} : memref<2048xf32, #tpu.memory_space<vmem>>, vector<16xf32>,
    %swap3A_241 = arith.constant 1904 : index
    %swap3A_242 = tpu.vector_load %arg7[%swap3A_241] {strides = array<i32>} : memref<2048xf32, #tpu.memory_space<vmem>>, vector<16xf32>,
    tpu.vector_store %arg7[%swap3A_241], %broadcast_in_dim3A_3 {strides = array<i32>} : memref<2048xf32, #tpu.memory_space<vmem>>, vector<16xf32>,
    %swap3A_243 = arith.constant 1920 : index
    %swap3A_244 = tpu.vector_load %arg7[%swap3A_243] {strides = array<i32>} : memref<2048xf32, #tpu.memory_space<vmem>>, vector<16xf32>,
    tpu.vector_store %arg7[%swap3A_243], %broadcast_in_dim3A_3 {strides = array<i32>} : memref<2048xf32, #tpu.memory_space<vmem>>, vector<16xf32>,
    %swap3A_245 = arith.constant 1936 : index
    %swap3A_246 = tpu.vector_load %arg7[%swap3A_245] {strides = array<i32>} : memref<2048xf32, #tpu.memory_space<vmem>>, vector<16xf32>,
    tpu.vector_store %arg7[%swap3A_245], %broadcast_in_dim3A_3 {strides = array<i32>} : memref<2048xf32, #tpu.memory_space<vmem>>, vector<16xf32>,
    %swap3A_247 = arith.constant 1952 : index
    %swap3A_248 = tpu.vector_load %arg7[%swap3A_247] {strides = array<i32>} : memref<2048xf32, #tpu.memory_space<vmem>>, vector<16xf32>,
    tpu.vector_store %arg7[%swap3A_247], %broadcast_in_dim3A_3 {strides = array<i32>} : memref<2048xf32, #tpu.memory_space<vmem>>, vector<16xf32>,
    %swap3A_249 = arith.constant 1968 : index
    %swap3A_250 = tpu.vector_load %arg7[%swap3A_249] {strides = array<i32>} : memref<2048xf32, #tpu.memory_space<vmem>>, vector<16xf32>,
    tpu.vector_store %arg7[%swap3A_249], %broadcast_in_dim3A_3 {strides = array<i32>} : memref<2048xf32, #tpu.memory_space<vmem>>, vector<16xf32>,
    %swap3A_251 = arith.constant 1984 : index
    %swap3A_252 = tpu.vector_load %arg7[%swap3A_251] {strides = array<i32>} : memref<2048xf32, #tpu.memory_space<vmem>>, vector<16xf32>,
    tpu.vector_store %arg7[%swap3A_251], %broadcast_in_dim3A_3 {strides = array<i32>} : memref<2048xf32, #tpu.memory_space<vmem>>, vector<16xf32>,
    %swap3A_253 = arith.constant 2000 : index
    %swap3A_254 = tpu.vector_load %arg7[%swap3A_253] {strides = array<i32>} : memref<2048xf32, #tpu.memory_space<vmem>>, vector<16xf32>,
    tpu.vector_store %arg7[%swap3A_253], %broadcast_in_dim3A_3 {strides = array<i32>} : memref<2048xf32, #tpu.memory_space<vmem>>, vector<16xf32>,
    %swap3A_255 = arith.constant 2016 : index
    %swap3A_256 = tpu.vector_load %arg7[%swap3A_255] {strides = array<i32>} : memref<2048xf32, #tpu.memory_space<vmem>>, vector<16xf32>,
    tpu.vector_store %arg7[%swap3A_255], %broadcast_in_dim3A_3 {strides = array<i32>} : memref<2048xf32, #tpu.memory_space<vmem>>, vector<16xf32>,
    %swap3A_257 = arith.constant 2032 : index
    %swap3A_258 = tpu.vector_load %arg7[%swap3A_257] {strides = array<i32>} : memref<2048xf32, #tpu.memory_space<vmem>>, vector<16xf32>,
    tpu.vector_store %arg7[%swap3A_257], %broadcast_in_dim3A_3 {strides = array<i32>} : memref<2048xf32, #tpu.memory_space<vmem>>, vector<16xf32>,
    %iota3A = tpu.iota {dimensions = array<i32: 0>} : vector<16xi32>
    %eq3A = arith.constant 0 : i32
    %eq3A_259 = vector.broadcast %eq3A : i32 to vector<16xi32>
    %eq3A_260 = arith.cmpi eq, %iota3A, %eq3A_259 : vector<16xi32>
    %eq3A_261 = arith.constant 1 : i32
    %eq3A_262 = vector.broadcast %eq3A_261 : i32 to vector<16xi32>
    %eq3A_263 = arith.cmpi eq, %iota3A, %eq3A_262 : vector<16xi32>
    %eq3A_264 = arith.constant 2 : i32
    %eq3A_265 = vector.broadcast %eq3A_264 : i32 to vector<16xi32>
    %eq3A_266 = arith.cmpi eq, %iota3A, %eq3A_265 : vector<16xi32>
    %eq3A_267 = arith.constant 3 : i32
    %eq3A_268 = vector.broadcast %eq3A_267 : i32 to vector<16xi32>
    %eq3A_269 = arith.cmpi eq, %iota3A, %eq3A_268 : vector<16xi32>
    %eq3A_270 = arith.constant 4 : i32
    %eq3A_271 = vector.broadcast %eq3A_270 : i32 to vector<16xi32>
    %eq3A_272 = arith.cmpi eq, %iota3A, %eq3A_271 : vector<16xi32>
    %eq3A_273 = arith.constant 5 : i32
    %eq3A_274 = vector.broadcast %eq3A_273 : i32 to vector<16xi32>
    %eq3A_275 = arith.cmpi eq, %iota3A, %eq3A_274 : vector<16xi32>
    %eq3A_276 = arith.constant 6 : i32
    %eq3A_277 = vector.broadcast %eq3A_276 : i32 to vector<16xi32>
    %eq3A_278 = arith.cmpi eq, %iota3A, %eq3A_277 : vector<16xi32>
    %eq3A_279 = arith.constant 7 : i32
    %eq3A_280 = vector.broadcast %eq3A_279 : i32 to vector<16xi32>
    %eq3A_281 = arith.cmpi eq, %iota3A, %eq3A_280 : vector<16xi32>
    %eq3A_282 = arith.constant 8 : i32
    %eq3A_283 = vector.broadcast %eq3A_282 : i32 to vector<16xi32>
    %eq3A_284 = arith.cmpi eq, %iota3A, %eq3A_283 : vector<16xi32>
    %eq3A_285 = arith.constant 9 : i32
    %eq3A_286 = vector.broadcast %eq3A_285 : i32 to vector<16xi32>
    %eq3A_287 = arith.cmpi eq, %iota3A, %eq3A_286 : vector<16xi32>
    %eq3A_288 = arith.constant 10 : i32
    %eq3A_289 = vector.broadcast %eq3A_288 : i32 to vector<16xi32>
    %eq3A_290 = arith.cmpi eq, %iota3A, %eq3A_289 : vector<16xi32>
    %eq3A_291 = arith.constant 11 : i32
    %eq3A_292 = vector.broadcast %eq3A_291 : i32 to vector<16xi32>
    %eq3A_293 = arith.cmpi eq, %iota3A, %eq3A_292 : vector<16xi32>
    %eq3A_294 = arith.constant 12 : i32
    %eq3A_295 = vector.broadcast %eq3A_294 : i32 to vector<16xi32>
    %eq3A_296 = arith.cmpi eq, %iota3A, %eq3A_295 : vector<16xi32>
    %eq3A_297 = arith.constant 13 : i32
    %eq3A_298 = vector.broadcast %eq3A_297 : i32 to vector<16xi32>
    %eq3A_299 = arith.cmpi eq, %iota3A, %eq3A_298 : vector<16xi32>
    %eq3A_300 = arith.constant 14 : i32
    %eq3A_301 = vector.broadcast %eq3A_300 : i32 to vector<16xi32>
    %eq3A_302 = arith.cmpi eq, %iota3A, %eq3A_301 : vector<16xi32>
    %eq3A_303 = arith.constant 15 : i32
    %eq3A_304 = vector.broadcast %eq3A_303 : i32 to vector<16xi32>
    %eq3A_305 = arith.cmpi eq, %iota3A, %eq3A_304 : vector<16xi32>
    %get3A = arith.constant 0 : i32
    %get3A_306 = arith.index_cast %get3A : i32 to index
    %get3A_307 = arith.constant 0 : index
    %get3A_308 = tpu.vector_load %arg5[%get3A_306, %get3A_307] {strides = array<i32>} : memref<8x32xi32, #tpu.memory_space<vmem>>, vector<16xi32>,
    %add3A_309 = arith.constant 0 : i32
    %add3A_310 = vector.broadcast %add3A_309 : i32 to vector<16xi32>
    %add3A_311 = arith.addi %get3A_308, %add3A_310 : vector<16xi32>
    %get3A_312 = arith.constant 0 : i32
    %get3A_313 = arith.index_cast %get3A_312 : i32 to index
    %get3A_314 = arith.constant 0 : index
    %get3A_315 = tpu.vector_load %arg6[%get3A_313, %get3A_314] {strides = array<i32>} : memref<8x32xf32, #tpu.memory_space<vmem>>, vector<16xf32>,
    tpu.vector_store_idx %arg7[%add3A_311], %get3A_315 masked %eq3A_260 {add = true} : memref<2048xf32, #tpu.memory_space<vmem>>[vector<16xi32>], vector<16xf32>, vector<16xi1>
    tpu.vector_store_idx %arg7[%add3A_311], %get3A_315 masked %eq3A_263 {add = true} : memref<2048xf32, #tpu.memory_space<vmem>>[vector<16xi32>], vector<16xf32>, vector<16xi1>
    tpu.vector_store_idx %arg7[%add3A_311], %get3A_315 masked %eq3A_266 {add = true} : memref<2048xf32, #tpu.memory_space<vmem>>[vector<16xi32>], vector<16xf32>, vector<16xi1>
    tpu.vector_store_idx %arg7[%add3A_311], %get3A_315 masked %eq3A_269 {add = true} : memref<2048xf32, #tpu.memory_space<vmem>>[vector<16xi32>], vector<16xf32>, vector<16xi1>
    tpu.vector_store_idx %arg7[%add3A_311], %get3A_315 masked %eq3A_272 {add = true} : memref<2048xf32, #tpu.memory_space<vmem>>[vector<16xi32>], vector<16xf32>, vector<16xi1>
    tpu.vector_store_idx %arg7[%add3A_311], %get3A_315 masked %eq3A_275 {add = true} : memref<2048xf32, #tpu.memory_space<vmem>>[vector<16xi32>], vector<16xf32>, vector<16xi1>
    tpu.vector_store_idx %arg7[%add3A_311], %get3A_315 masked %eq3A_278 {add = true} : memref<2048xf32, #tpu.memory_space<vmem>>[vector<16xi32>], vector<16xf32>, vector<16xi1>
    tpu.vector_store_idx %arg7[%add3A_311], %get3A_315 masked %eq3A_281 {add = true} : memref<2048xf32, #tpu.memory_space<vmem>>[vector<16xi32>], vector<16xf32>, vector<16xi1>
    tpu.vector_store_idx %arg7[%add3A_311], %get3A_315 masked %eq3A_284 {add = true} : memref<2048xf32, #tpu.memory_space<vmem>>[vector<16xi32>], vector<16xf32>, vector<16xi1>
    tpu.vector_store_idx %arg7[%add3A_311], %get3A_315 masked %eq3A_287 {add = true} : memref<2048xf32, #tpu.memory_space<vmem>>[vector<16xi32>], vector<16xf32>, vector<16xi1>
    tpu.vector_store_idx %arg7[%add3A_311], %get3A_315 masked %eq3A_290 {add = true} : memref<2048xf32, #tpu.memory_space<vmem>>[vector<16xi32>], vector<16xf32>, vector<16xi1>
    tpu.vector_store_idx %arg7[%add3A_311], %get3A_315 masked %eq3A_293 {add = true} : memref<2048xf32, #tpu.memory_space<vmem>>[vector<16xi32>], vector<16xf32>, vector<16xi1>
    tpu.vector_store_idx %arg7[%add3A_311], %get3A_315 masked %eq3A_296 {add = true} : memref<2048xf32, #tpu.memory_space<vmem>>[vector<16xi32>], vector<16xf32>, vector<16xi1>
    tpu.vector_store_idx %arg7[%add3A_311], %get3A_315 masked %eq3A_299 {add = true} : memref<2048xf32, #tpu.memory_space<vmem>>[vector<16xi32>], vector<16xf32>, vector<16xi1>
    tpu.vector_store_idx %arg7[%add3A_311], %get3A_315 masked %eq3A_302 {add = true} : memref<2048xf32, #tpu.memory_space<vmem>>[vector<16xi32>], vector<16xf32>, vector<16xi1>
    tpu.vector_store_idx %arg7[%add3A_311], %get3A_315 masked %eq3A_305 {add = true} : memref<2048xf32, #tpu.memory_space<vmem>>[vector<16xi32>], vector<16xf32>, vector<16xi1>
    %get3A_316 = arith.constant 0 : i32
    %get3A_317 = arith.index_cast %get3A_316 : i32 to index
    %get3A_318 = arith.constant 16 : index
    %get3A_319 = tpu.vector_load %arg5[%get3A_317, %get3A_318] {strides = array<i32>} : memref<8x32xi32, #tpu.memory_space<vmem>>, vector<16xi32>,
    %add3A_320 = arith.constant 0 : i32
    %add3A_321 = vector.broadcast %add3A_320 : i32 to vector<16xi32>
    %add3A_322 = arith.addi %get3A_319, %add3A_321 : vector<16xi32>
    %get3A_323 = arith.constant 0 : i32
    %get3A_324 = arith.index_cast %get3A_323 : i32 to index
    %get3A_325 = arith.constant 16 : index
    %get3A_326 = tpu.vector_load %arg6[%get3A_324, %get3A_325] {strides = array<i32>} : memref<8x32xf32, #tpu.memory_space<vmem>>, vector<16xf32>,
    tpu.vector_store_idx %arg7[%add3A_322], %get3A_326 masked %eq3A_260 {add = true} : memref<2048xf32, #tpu.memory_space<vmem>>[vector<16xi32>], vector<16xf32>, vector<16xi1>
    tpu.vector_store_idx %arg7[%add3A_322], %get3A_326 masked %eq3A_263 {add = true} : memref<2048xf32, #tpu.memory_space<vmem>>[vector<16xi32>], vector<16xf32>, vector<16xi1>
    tpu.vector_store_idx %arg7[%add3A_322], %get3A_326 masked %eq3A_266 {add = true} : memref<2048xf32, #tpu.memory_space<vmem>>[vector<16xi32>], vector<16xf32>, vector<16xi1>
    tpu.vector_store_idx %arg7[%add3A_322], %get3A_326 masked %eq3A_269 {add = true} : memref<2048xf32, #tpu.memory_space<vmem>>[vector<16xi32>], vector<16xf32>, vector<16xi1>
    tpu.vector_store_idx %arg7[%add3A_322], %get3A_326 masked %eq3A_272 {add = true} : memref<2048xf32, #tpu.memory_space<vmem>>[vector<16xi32>], vector<16xf32>, vector<16xi1>
    tpu.vector_store_idx %arg7[%add3A_322], %get3A_326 masked %eq3A_275 {add = true} : memref<2048xf32, #tpu.memory_space<vmem>>[vector<16xi32>], vector<16xf32>, vector<16xi1>
    tpu.vector_store_idx %arg7[%add3A_322], %get3A_326 masked %eq3A_278 {add = true} : memref<2048xf32, #tpu.memory_space<vmem>>[vector<16xi32>], vector<16xf32>, vector<16xi1>
    tpu.vector_store_idx %arg7[%add3A_322], %get3A_326 masked %eq3A_281 {add = true} : memref<2048xf32, #tpu.memory_space<vmem>>[vector<16xi32>], vector<16xf32>, vector<16xi1>
    tpu.vector_store_idx %arg7[%add3A_322], %get3A_326 masked %eq3A_284 {add = true} : memref<2048xf32, #tpu.memory_space<vmem>>[vector<16xi32>], vector<16xf32>, vector<16xi1>
    tpu.vector_store_idx %arg7[%add3A_322], %get3A_326 masked %eq3A_287 {add = true} : memref<2048xf32, #tpu.memory_space<vmem>>[vector<16xi32>], vector<16xf32>, vector<16xi1>
    tpu.vector_store_idx %arg7[%add3A_322], %get3A_326 masked %eq3A_290 {add = true} : memref<2048xf32, #tpu.memory_space<vmem>>[vector<16xi32>], vector<16xf32>, vector<16xi1>
    tpu.vector_store_idx %arg7[%add3A_322], %get3A_326 masked %eq3A_293 {add = true} : memref<2048xf32, #tpu.memory_space<vmem>>[vector<16xi32>], vector<16xf32>, vector<16xi1>
    tpu.vector_store_idx %arg7[%add3A_322], %get3A_326 masked %eq3A_296 {add = true} : memref<2048xf32, #tpu.memory_space<vmem>>[vector<16xi32>], vector<16xf32>, vector<16xi1>
    tpu.vector_store_idx %arg7[%add3A_322], %get3A_326 masked %eq3A_299 {add = true} : memref<2048xf32, #tpu.memory_space<vmem>>[vector<16xi32>], vector<16xf32>, vector<16xi1>
    tpu.vector_store_idx %arg7[%add3A_322], %get3A_326 masked %eq3A_302 {add = true} : memref<2048xf32, #tpu.memory_space<vmem>>[vector<16xi32>], vector<16xf32>, vector<16xi1>
    tpu.vector_store_idx %arg7[%add3A_322], %get3A_326 masked %eq3A_305 {add = true} : memref<2048xf32, #tpu.memory_space<vmem>>[vector<16xi32>], vector<16xf32>, vector<16xi1>
    %get3A_327 = arith.constant 1 : i32
    %get3A_328 = arith.index_cast %get3A_327 : i32 to index
    %get3A_329 = arith.constant 0 : index
    %get3A_330 = tpu.vector_load %arg5[%get3A_328, %get3A_329] {strides = array<i32>} : memref<8x32xi32, #tpu.memory_space<vmem>>, vector<16xi32>,
    %add3A_331 = arith.constant 256 : i32
    %add3A_332 = vector.broadcast %add3A_331 : i32 to vector<16xi32>
    %add3A_333 = arith.addi %get3A_330, %add3A_332 : vector<16xi32>
    %get3A_334 = arith.constant 1 : i32
    %get3A_335 = arith.index_cast %get3A_334 : i32 to index
    %get3A_336 = arith.constant 0 : index
    %get3A_337 = tpu.vector_load %arg6[%get3A_335, %get3A_336] {strides = array<i32>} : memref<8x32xf32, #tpu.memory_space<vmem>>, vector<16xf32>,
    tpu.vector_store_idx %arg7[%add3A_333], %get3A_337 masked %eq3A_260 {add = true} : memref<2048xf32, #tpu.memory_space<vmem>>[vector<16xi32>], vector<16xf32>, vector<16xi1>
    tpu.vector_store_idx %arg7[%add3A_333], %get3A_337 masked %eq3A_263 {add = true} : memref<2048xf32, #tpu.memory_space<vmem>>[vector<16xi32>], vector<16xf32>, vector<16xi1>
    tpu.vector_store_idx %arg7[%add3A_333], %get3A_337 masked %eq3A_266 {add = true} : memref<2048xf32, #tpu.memory_space<vmem>>[vector<16xi32>], vector<16xf32>, vector<16xi1>
    tpu.vector_store_idx %arg7[%add3A_333], %get3A_337 masked %eq3A_269 {add = true} : memref<2048xf32, #tpu.memory_space<vmem>>[vector<16xi32>], vector<16xf32>, vector<16xi1>
    tpu.vector_store_idx %arg7[%add3A_333], %get3A_337 masked %eq3A_272 {add = true} : memref<2048xf32, #tpu.memory_space<vmem>>[vector<16xi32>], vector<16xf32>, vector<16xi1>
    tpu.vector_store_idx %arg7[%add3A_333], %get3A_337 masked %eq3A_275 {add = true} : memref<2048xf32, #tpu.memory_space<vmem>>[vector<16xi32>], vector<16xf32>, vector<16xi1>
    tpu.vector_store_idx %arg7[%add3A_333], %get3A_337 masked %eq3A_278 {add = true} : memref<2048xf32, #tpu.memory_space<vmem>>[vector<16xi32>], vector<16xf32>, vector<16xi1>
    tpu.vector_store_idx %arg7[%add3A_333], %get3A_337 masked %eq3A_281 {add = true} : memref<2048xf32, #tpu.memory_space<vmem>>[vector<16xi32>], vector<16xf32>, vector<16xi1>
    tpu.vector_store_idx %arg7[%add3A_333], %get3A_337 masked %eq3A_284 {add = true} : memref<2048xf32, #tpu.memory_space<vmem>>[vector<16xi32>], vector<16xf32>, vector<16xi1>
    tpu.vector_store_idx %arg7[%add3A_333], %get3A_337 masked %eq3A_287 {add = true} : memref<2048xf32, #tpu.memory_space<vmem>>[vector<16xi32>], vector<16xf32>, vector<16xi1>
    tpu.vector_store_idx %arg7[%add3A_333], %get3A_337 masked %eq3A_290 {add = true} : memref<2048xf32, #tpu.memory_space<vmem>>[vector<16xi32>], vector<16xf32>, vector<16xi1>
    tpu.vector_store_idx %arg7[%add3A_333], %get3A_337 masked %eq3A_293 {add = true} : memref<2048xf32, #tpu.memory_space<vmem>>[vector<16xi32>], vector<16xf32>, vector<16xi1>
    tpu.vector_store_idx %arg7[%add3A_333], %get3A_337 masked %eq3A_296 {add = true} : memref<2048xf32, #tpu.memory_space<vmem>>[vector<16xi32>], vector<16xf32>, vector<16xi1>
    tpu.vector_store_idx %arg7[%add3A_333], %get3A_337 masked %eq3A_299 {add = true} : memref<2048xf32, #tpu.memory_space<vmem>>[vector<16xi32>], vector<16xf32>, vector<16xi1>
    tpu.vector_store_idx %arg7[%add3A_333], %get3A_337 masked %eq3A_302 {add = true} : memref<2048xf32, #tpu.memory_space<vmem>>[vector<16xi32>], vector<16xf32>, vector<16xi1>
    tpu.vector_store_idx %arg7[%add3A_333], %get3A_337 masked %eq3A_305 {add = true} : memref<2048xf32, #tpu.memory_space<vmem>>[vector<16xi32>], vector<16xf32>, vector<16xi1>
    %get3A_338 = arith.constant 1 : i32
    %get3A_339 = arith.index_cast %get3A_338 : i32 to index
    %get3A_340 = arith.constant 16 : index
    %get3A_341 = tpu.vector_load %arg5[%get3A_339, %get3A_340] {strides = array<i32>} : memref<8x32xi32, #tpu.memory_space<vmem>>, vector<16xi32>,
    %add3A_342 = arith.constant 256 : i32
    %add3A_343 = vector.broadcast %add3A_342 : i32 to vector<16xi32>
    %add3A_344 = arith.addi %get3A_341, %add3A_343 : vector<16xi32>
    %get3A_345 = arith.constant 1 : i32
    %get3A_346 = arith.index_cast %get3A_345 : i32 to index
    %get3A_347 = arith.constant 16 : index
    %get3A_348 = tpu.vector_load %arg6[%get3A_346, %get3A_347] {strides = array<i32>} : memref<8x32xf32, #tpu.memory_space<vmem>>, vector<16xf32>,
    tpu.vector_store_idx %arg7[%add3A_344], %get3A_348 masked %eq3A_260 {add = true} : memref<2048xf32, #tpu.memory_space<vmem>>[vector<16xi32>], vector<16xf32>, vector<16xi1>
    tpu.vector_store_idx %arg7[%add3A_344], %get3A_348 masked %eq3A_263 {add = true} : memref<2048xf32, #tpu.memory_space<vmem>>[vector<16xi32>], vector<16xf32>, vector<16xi1>
    tpu.vector_store_idx %arg7[%add3A_344], %get3A_348 masked %eq3A_266 {add = true} : memref<2048xf32, #tpu.memory_space<vmem>>[vector<16xi32>], vector<16xf32>, vector<16xi1>
    tpu.vector_store_idx %arg7[%add3A_344], %get3A_348 masked %eq3A_269 {add = true} : memref<2048xf32, #tpu.memory_space<vmem>>[vector<16xi32>], vector<16xf32>, vector<16xi1>
    tpu.vector_store_idx %arg7[%add3A_344], %get3A_348 masked %eq3A_272 {add = true} : memref<2048xf32, #tpu.memory_space<vmem>>[vector<16xi32>], vector<16xf32>, vector<16xi1>
    tpu.vector_store_idx %arg7[%add3A_344], %get3A_348 masked %eq3A_275 {add = true} : memref<2048xf32, #tpu.memory_space<vmem>>[vector<16xi32>], vector<16xf32>, vector<16xi1>
    tpu.vector_store_idx %arg7[%add3A_344], %get3A_348 masked %eq3A_278 {add = true} : memref<2048xf32, #tpu.memory_space<vmem>>[vector<16xi32>], vector<16xf32>, vector<16xi1>
    tpu.vector_store_idx %arg7[%add3A_344], %get3A_348 masked %eq3A_281 {add = true} : memref<2048xf32, #tpu.memory_space<vmem>>[vector<16xi32>], vector<16xf32>, vector<16xi1>
    tpu.vector_store_idx %arg7[%add3A_344], %get3A_348 masked %eq3A_284 {add = true} : memref<2048xf32, #tpu.memory_space<vmem>>[vector<16xi32>], vector<16xf32>, vector<16xi1>
    tpu.vector_store_idx %arg7[%add3A_344], %get3A_348 masked %eq3A_287 {add = true} : memref<2048xf32, #tpu.memory_space<vmem>>[vector<16xi32>], vector<16xf32>, vector<16xi1>
    tpu.vector_store_idx %arg7[%add3A_344], %get3A_348 masked %eq3A_290 {add = true} : memref<2048xf32, #tpu.memory_space<vmem>>[vector<16xi32>], vector<16xf32>, vector<16xi1>
    tpu.vector_store_idx %arg7[%add3A_344], %get3A_348 masked %eq3A_293 {add = true} : memref<2048xf32, #tpu.memory_space<vmem>>[vector<16xi32>], vector<16xf32>, vector<16xi1>
    tpu.vector_store_idx %arg7[%add3A_344], %get3A_348 masked %eq3A_296 {add = true} : memref<2048xf32, #tpu.memory_space<vmem>>[vector<16xi32>], vector<16xf32>, vector<16xi1>
    tpu.vector_store_idx %arg7[%add3A_344], %get3A_348 masked %eq3A_299 {add = true} : memref<2048xf32, #tpu.memory_space<vmem>>[vector<16xi32>], vector<16xf32>, vector<16xi1>
    tpu.vector_store_idx %arg7[%add3A_344], %get3A_348 masked %eq3A_302 {add = true} : memref<2048xf32, #tpu.memory_space<vmem>>[vector<16xi32>], vector<16xf32>, vector<16xi1>
    tpu.vector_store_idx %arg7[%add3A_344], %get3A_348 masked %eq3A_305 {add = true} : memref<2048xf32, #tpu.memory_space<vmem>>[vector<16xi32>], vector<16xf32>, vector<16xi1>
    %get3A_349 = arith.constant 2 : i32
    %get3A_350 = arith.index_cast %get3A_349 : i32 to index
    %get3A_351 = arith.constant 0 : index
    %get3A_352 = tpu.vector_load %arg5[%get3A_350, %get3A_351] {strides = array<i32>} : memref<8x32xi32, #tpu.memory_space<vmem>>, vector<16xi32>,
    %add3A_353 = arith.constant 512 : i32
    %add3A_354 = vector.broadcast %add3A_353 : i32 to vector<16xi32>
    %add3A_355 = arith.addi %get3A_352, %add3A_354 : vector<16xi32>
    %get3A_356 = arith.constant 2 : i32
    %get3A_357 = arith.index_cast %get3A_356 : i32 to index
    %get3A_358 = arith.constant 0 : index
    %get3A_359 = tpu.vector_load %arg6[%get3A_357, %get3A_358] {strides = array<i32>} : memref<8x32xf32, #tpu.memory_space<vmem>>, vector<16xf32>,
    tpu.vector_store_idx %arg7[%add3A_355], %get3A_359 masked %eq3A_260 {add = true} : memref<2048xf32, #tpu.memory_space<vmem>>[vector<16xi32>], vector<16xf32>, vector<16xi1>
    tpu.vector_store_idx %arg7[%add3A_355], %get3A_359 masked %eq3A_263 {add = true} : memref<2048xf32, #tpu.memory_space<vmem>>[vector<16xi32>], vector<16xf32>, vector<16xi1>
    tpu.vector_store_idx %arg7[%add3A_355], %get3A_359 masked %eq3A_266 {add = true} : memref<2048xf32, #tpu.memory_space<vmem>>[vector<16xi32>], vector<16xf32>, vector<16xi1>
    tpu.vector_store_idx %arg7[%add3A_355], %get3A_359 masked %eq3A_269 {add = true} : memref<2048xf32, #tpu.memory_space<vmem>>[vector<16xi32>], vector<16xf32>, vector<16xi1>
    tpu.vector_store_idx %arg7[%add3A_355], %get3A_359 masked %eq3A_272 {add = true} : memref<2048xf32, #tpu.memory_space<vmem>>[vector<16xi32>], vector<16xf32>, vector<16xi1>
    tpu.vector_store_idx %arg7[%add3A_355], %get3A_359 masked %eq3A_275 {add = true} : memref<2048xf32, #tpu.memory_space<vmem>>[vector<16xi32>], vector<16xf32>, vector<16xi1>
    tpu.vector_store_idx %arg7[%add3A_355], %get3A_359 masked %eq3A_278 {add = true} : memref<2048xf32, #tpu.memory_space<vmem>>[vector<16xi32>], vector<16xf32>, vector<16xi1>
    tpu.vector_store_idx %arg7[%add3A_355], %get3A_359 masked %eq3A_281 {add = true} : memref<2048xf32, #tpu.memory_space<vmem>>[vector<16xi32>], vector<16xf32>, vector<16xi1>
    tpu.vector_store_idx %arg7[%add3A_355], %get3A_359 masked %eq3A_284 {add = true} : memref<2048xf32, #tpu.memory_space<vmem>>[vector<16xi32>], vector<16xf32>, vector<16xi1>
    tpu.vector_store_idx %arg7[%add3A_355], %get3A_359 masked %eq3A_287 {add = true} : memref<2048xf32, #tpu.memory_space<vmem>>[vector<16xi32>], vector<16xf32>, vector<16xi1>
    tpu.vector_store_idx %arg7[%add3A_355], %get3A_359 masked %eq3A_290 {add = true} : memref<2048xf32, #tpu.memory_space<vmem>>[vector<16xi32>], vector<16xf32>, vector<16xi1>
    tpu.vector_store_idx %arg7[%add3A_355], %get3A_359 masked %eq3A_293 {add = true} : memref<2048xf32, #tpu.memory_space<vmem>>[vector<16xi32>], vector<16xf32>, vector<16xi1>
    tpu.vector_store_idx %arg7[%add3A_355], %get3A_359 masked %eq3A_296 {add = true} : memref<2048xf32, #tpu.memory_space<vmem>>[vector<16xi32>], vector<16xf32>, vector<16xi1>
    tpu.vector_store_idx %arg7[%add3A_355], %get3A_359 masked %eq3A_299 {add = true} : memref<2048xf32, #tpu.memory_space<vmem>>[vector<16xi32>], vector<16xf32>, vector<16xi1>
    tpu.vector_store_idx %arg7[%add3A_355], %get3A_359 masked %eq3A_302 {add = true} : memref<2048xf32, #tpu.memory_space<vmem>>[vector<16xi32>], vector<16xf32>, vector<16xi1>
    tpu.vector_store_idx %arg7[%add3A_355], %get3A_359 masked %eq3A_305 {add = true} : memref<2048xf32, #tpu.memory_space<vmem>>[vector<16xi32>], vector<16xf32>, vector<16xi1>
    %get3A_360 = arith.constant 2 : i32
    %get3A_361 = arith.index_cast %get3A_360 : i32 to index
    %get3A_362 = arith.constant 16 : index
    %get3A_363 = tpu.vector_load %arg5[%get3A_361, %get3A_362] {strides = array<i32>} : memref<8x32xi32, #tpu.memory_space<vmem>>, vector<16xi32>,
    %add3A_364 = arith.constant 512 : i32
    %add3A_365 = vector.broadcast %add3A_364 : i32 to vector<16xi32>
    %add3A_366 = arith.addi %get3A_363, %add3A_365 : vector<16xi32>
    %get3A_367 = arith.constant 2 : i32
    %get3A_368 = arith.index_cast %get3A_367 : i32 to index
    %get3A_369 = arith.constant 16 : index
    %get3A_370 = tpu.vector_load %arg6[%get3A_368, %get3A_369] {strides = array<i32>} : memref<8x32xf32, #tpu.memory_space<vmem>>, vector<16xf32>,
    tpu.vector_store_idx %arg7[%add3A_366], %get3A_370 masked %eq3A_260 {add = true} : memref<2048xf32, #tpu.memory_space<vmem>>[vector<16xi32>], vector<16xf32>, vector<16xi1>
    tpu.vector_store_idx %arg7[%add3A_366], %get3A_370 masked %eq3A_263 {add = true} : memref<2048xf32, #tpu.memory_space<vmem>>[vector<16xi32>], vector<16xf32>, vector<16xi1>
    tpu.vector_store_idx %arg7[%add3A_366], %get3A_370 masked %eq3A_266 {add = true} : memref<2048xf32, #tpu.memory_space<vmem>>[vector<16xi32>], vector<16xf32>, vector<16xi1>
    tpu.vector_store_idx %arg7[%add3A_366], %get3A_370 masked %eq3A_269 {add = true} : memref<2048xf32, #tpu.memory_space<vmem>>[vector<16xi32>], vector<16xf32>, vector<16xi1>
    tpu.vector_store_idx %arg7[%add3A_366], %get3A_370 masked %eq3A_272 {add = true} : memref<2048xf32, #tpu.memory_space<vmem>>[vector<16xi32>], vector<16xf32>, vector<16xi1>
    tpu.vector_store_idx %arg7[%add3A_366], %get3A_370 masked %eq3A_275 {add = true} : memref<2048xf32, #tpu.memory_space<vmem>>[vector<16xi32>], vector<16xf32>, vector<16xi1>
    tpu.vector_store_idx %arg7[%add3A_366], %get3A_370 masked %eq3A_278 {add = true} : memref<2048xf32, #tpu.memory_space<vmem>>[vector<16xi32>], vector<16xf32>, vector<16xi1>
    tpu.vector_store_idx %arg7[%add3A_366], %get3A_370 masked %eq3A_281 {add = true} : memref<2048xf32, #tpu.memory_space<vmem>>[vector<16xi32>], vector<16xf32>, vector<16xi1>
    tpu.vector_store_idx %arg7[%add3A_366], %get3A_370 masked %eq3A_284 {add = true} : memref<2048xf32, #tpu.memory_space<vmem>>[vector<16xi32>], vector<16xf32>, vector<16xi1>
    tpu.vector_store_idx %arg7[%add3A_366], %get3A_370 masked %eq3A_287 {add = true} : memref<2048xf32, #tpu.memory_space<vmem>>[vector<16xi32>], vector<16xf32>, vector<16xi1>
    tpu.vector_store_idx %arg7[%add3A_366], %get3A_370 masked %eq3A_290 {add = true} : memref<2048xf32, #tpu.memory_space<vmem>>[vector<16xi32>], vector<16xf32>, vector<16xi1>
    tpu.vector_store_idx %arg7[%add3A_366], %get3A_370 masked %eq3A_293 {add = true} : memref<2048xf32, #tpu.memory_space<vmem>>[vector<16xi32>], vector<16xf32>, vector<16xi1>
    tpu.vector_store_idx %arg7[%add3A_366], %get3A_370 masked %eq3A_296 {add = true} : memref<2048xf32, #tpu.memory_space<vmem>>[vector<16xi32>], vector<16xf32>, vector<16xi1>
    tpu.vector_store_idx %arg7[%add3A_366], %get3A_370 masked %eq3A_299 {add = true} : memref<2048xf32, #tpu.memory_space<vmem>>[vector<16xi32>], vector<16xf32>, vector<16xi1>
    tpu.vector_store_idx %arg7[%add3A_366], %get3A_370 masked %eq3A_302 {add = true} : memref<2048xf32, #tpu.memory_space<vmem>>[vector<16xi32>], vector<16xf32>, vector<16xi1>
    tpu.vector_store_idx %arg7[%add3A_366], %get3A_370 masked %eq3A_305 {add = true} : memref<2048xf32, #tpu.memory_space<vmem>>[vector<16xi32>], vector<16xf32>, vector<16xi1>
    %get3A_371 = arith.constant 3 : i32
    %get3A_372 = arith.index_cast %get3A_371 : i32 to index
    %get3A_373 = arith.constant 0 : index
    %get3A_374 = tpu.vector_load %arg5[%get3A_372, %get3A_373] {strides = array<i32>} : memref<8x32xi32, #tpu.memory_space<vmem>>, vector<16xi32>,
    %add3A_375 = arith.constant 768 : i32
    %add3A_376 = vector.broadcast %add3A_375 : i32 to vector<16xi32>
    %add3A_377 = arith.addi %get3A_374, %add3A_376 : vector<16xi32>
    %get3A_378 = arith.constant 3 : i32
    %get3A_379 = arith.index_cast %get3A_378 : i32 to index
    %get3A_380 = arith.constant 0 : index
    %get3A_381 = tpu.vector_load %arg6[%get3A_379, %get3A_380] {strides = array<i32>} : memref<8x32xf32, #tpu.memory_space<vmem>>, vector<16xf32>,
    tpu.vector_store_idx %arg7[%add3A_377], %get3A_381 masked %eq3A_260 {add = true} : memref<2048xf32, #tpu.memory_space<vmem>>[vector<16xi32>], vector<16xf32>, vector<16xi1>
    tpu.vector_store_idx %arg7[%add3A_377], %get3A_381 masked %eq3A_263 {add = true} : memref<2048xf32, #tpu.memory_space<vmem>>[vector<16xi32>], vector<16xf32>, vector<16xi1>
    tpu.vector_store_idx %arg7[%add3A_377], %get3A_381 masked %eq3A_266 {add = true} : memref<2048xf32, #tpu.memory_space<vmem>>[vector<16xi32>], vector<16xf32>, vector<16xi1>
    tpu.vector_store_idx %arg7[%add3A_377], %get3A_381 masked %eq3A_269 {add = true} : memref<2048xf32, #tpu.memory_space<vmem>>[vector<16xi32>], vector<16xf32>, vector<16xi1>
    tpu.vector_store_idx %arg7[%add3A_377], %get3A_381 masked %eq3A_272 {add = true} : memref<2048xf32, #tpu.memory_space<vmem>>[vector<16xi32>], vector<16xf32>, vector<16xi1>
    tpu.vector_store_idx %arg7[%add3A_377], %get3A_381 masked %eq3A_275 {add = true} : memref<2048xf32, #tpu.memory_space<vmem>>[vector<16xi32>], vector<16xf32>, vector<16xi1>
    tpu.vector_store_idx %arg7[%add3A_377], %get3A_381 masked %eq3A_278 {add = true} : memref<2048xf32, #tpu.memory_space<vmem>>[vector<16xi32>], vector<16xf32>, vector<16xi1>
    tpu.vector_store_idx %arg7[%add3A_377], %get3A_381 masked %eq3A_281 {add = true} : memref<2048xf32, #tpu.memory_space<vmem>>[vector<16xi32>], vector<16xf32>, vector<16xi1>
    tpu.vector_store_idx %arg7[%add3A_377], %get3A_381 masked %eq3A_284 {add = true} : memref<2048xf32, #tpu.memory_space<vmem>>[vector<16xi32>], vector<16xf32>, vector<16xi1>
    tpu.vector_store_idx %arg7[%add3A_377], %get3A_381 masked %eq3A_287 {add = true} : memref<2048xf32, #tpu.memory_space<vmem>>[vector<16xi32>], vector<16xf32>, vector<16xi1>
    tpu.vector_store_idx %arg7[%add3A_377], %get3A_381 masked %eq3A_290 {add = true} : memref<2048xf32, #tpu.memory_space<vmem>>[vector<16xi32>], vector<16xf32>, vector<16xi1>
    tpu.vector_store_idx %arg7[%add3A_377], %get3A_381 masked %eq3A_293 {add = true} : memref<2048xf32, #tpu.memory_space<vmem>>[vector<16xi32>], vector<16xf32>, vector<16xi1>
    tpu.vector_store_idx %arg7[%add3A_377], %get3A_381 masked %eq3A_296 {add = true} : memref<2048xf32, #tpu.memory_space<vmem>>[vector<16xi32>], vector<16xf32>, vector<16xi1>
    tpu.vector_store_idx %arg7[%add3A_377], %get3A_381 masked %eq3A_299 {add = true} : memref<2048xf32, #tpu.memory_space<vmem>>[vector<16xi32>], vector<16xf32>, vector<16xi1>
    tpu.vector_store_idx %arg7[%add3A_377], %get3A_381 masked %eq3A_302 {add = true} : memref<2048xf32, #tpu.memory_space<vmem>>[vector<16xi32>], vector<16xf32>, vector<16xi1>
    tpu.vector_store_idx %arg7[%add3A_377], %get3A_381 masked %eq3A_305 {add = true} : memref<2048xf32, #tpu.memory_space<vmem>>[vector<16xi32>], vector<16xf32>, vector<16xi1>
    %get3A_382 = arith.constant 3 : i32
    %get3A_383 = arith.index_cast %get3A_382 : i32 to index
    %get3A_384 = arith.constant 16 : index
    %get3A_385 = tpu.vector_load %arg5[%get3A_383, %get3A_384] {strides = array<i32>} : memref<8x32xi32, #tpu.memory_space<vmem>>, vector<16xi32>,
    %add3A_386 = arith.constant 768 : i32
    %add3A_387 = vector.broadcast %add3A_386 : i32 to vector<16xi32>
    %add3A_388 = arith.addi %get3A_385, %add3A_387 : vector<16xi32>
    %get3A_389 = arith.constant 3 : i32
    %get3A_390 = arith.index_cast %get3A_389 : i32 to index
    %get3A_391 = arith.constant 16 : index
    %get3A_392 = tpu.vector_load %arg6[%get3A_390, %get3A_391] {strides = array<i32>} : memref<8x32xf32, #tpu.memory_space<vmem>>, vector<16xf32>,
    tpu.vector_store_idx %arg7[%add3A_388], %get3A_392 masked %eq3A_260 {add = true} : memref<2048xf32, #tpu.memory_space<vmem>>[vector<16xi32>], vector<16xf32>, vector<16xi1>
    tpu.vector_store_idx %arg7[%add3A_388], %get3A_392 masked %eq3A_263 {add = true} : memref<2048xf32, #tpu.memory_space<vmem>>[vector<16xi32>], vector<16xf32>, vector<16xi1>
    tpu.vector_store_idx %arg7[%add3A_388], %get3A_392 masked %eq3A_266 {add = true} : memref<2048xf32, #tpu.memory_space<vmem>>[vector<16xi32>], vector<16xf32>, vector<16xi1>
    tpu.vector_store_idx %arg7[%add3A_388], %get3A_392 masked %eq3A_269 {add = true} : memref<2048xf32, #tpu.memory_space<vmem>>[vector<16xi32>], vector<16xf32>, vector<16xi1>
    tpu.vector_store_idx %arg7[%add3A_388], %get3A_392 masked %eq3A_272 {add = true} : memref<2048xf32, #tpu.memory_space<vmem>>[vector<16xi32>], vector<16xf32>, vector<16xi1>
    tpu.vector_store_idx %arg7[%add3A_388], %get3A_392 masked %eq3A_275 {add = true} : memref<2048xf32, #tpu.memory_space<vmem>>[vector<16xi32>], vector<16xf32>, vector<16xi1>
    tpu.vector_store_idx %arg7[%add3A_388], %get3A_392 masked %eq3A_278 {add = true} : memref<2048xf32, #tpu.memory_space<vmem>>[vector<16xi32>], vector<16xf32>, vector<16xi1>
    tpu.vector_store_idx %arg7[%add3A_388], %get3A_392 masked %eq3A_281 {add = true} : memref<2048xf32, #tpu.memory_space<vmem>>[vector<16xi32>], vector<16xf32>, vector<16xi1>
    tpu.vector_store_idx %arg7[%add3A_388], %get3A_392 masked %eq3A_284 {add = true} : memref<2048xf32, #tpu.memory_space<vmem>>[vector<16xi32>], vector<16xf32>, vector<16xi1>
    tpu.vector_store_idx %arg7[%add3A_388], %get3A_392 masked %eq3A_287 {add = true} : memref<2048xf32, #tpu.memory_space<vmem>>[vector<16xi32>], vector<16xf32>, vector<16xi1>
    tpu.vector_store_idx %arg7[%add3A_388], %get3A_392 masked %eq3A_290 {add = true} : memref<2048xf32, #tpu.memory_space<vmem>>[vector<16xi32>], vector<16xf32>, vector<16xi1>
    tpu.vector_store_idx %arg7[%add3A_388], %get3A_392 masked %eq3A_293 {add = true} : memref<2048xf32, #tpu.memory_space<vmem>>[vector<16xi32>], vector<16xf32>, vector<16xi1>
    tpu.vector_store_idx %arg7[%add3A_388], %get3A_392 masked %eq3A_296 {add = true} : memref<2048xf32, #tpu.memory_space<vmem>>[vector<16xi32>], vector<16xf32>, vector<16xi1>
    tpu.vector_store_idx %arg7[%add3A_388], %get3A_392 masked %eq3A_299 {add = true} : memref<2048xf32, #tpu.memory_space<vmem>>[vector<16xi32>], vector<16xf32>, vector<16xi1>
    tpu.vector_store_idx %arg7[%add3A_388], %get3A_392 masked %eq3A_302 {add = true} : memref<2048xf32, #tpu.memory_space<vmem>>[vector<16xi32>], vector<16xf32>, vector<16xi1>
    tpu.vector_store_idx %arg7[%add3A_388], %get3A_392 masked %eq3A_305 {add = true} : memref<2048xf32, #tpu.memory_space<vmem>>[vector<16xi32>], vector<16xf32>, vector<16xi1>
    %get3A_393 = arith.constant 4 : i32
    %get3A_394 = arith.index_cast %get3A_393 : i32 to index
    %get3A_395 = arith.constant 0 : index
    %get3A_396 = tpu.vector_load %arg5[%get3A_394, %get3A_395] {strides = array<i32>} : memref<8x32xi32, #tpu.memory_space<vmem>>, vector<16xi32>,
    %add3A_397 = arith.constant 1024 : i32
    %add3A_398 = vector.broadcast %add3A_397 : i32 to vector<16xi32>
    %add3A_399 = arith.addi %get3A_396, %add3A_398 : vector<16xi32>
    %get3A_400 = arith.constant 4 : i32
    %get3A_401 = arith.index_cast %get3A_400 : i32 to index
    %get3A_402 = arith.constant 0 : index
    %get3A_403 = tpu.vector_load %arg6[%get3A_401, %get3A_402] {strides = array<i32>} : memref<8x32xf32, #tpu.memory_space<vmem>>, vector<16xf32>,
    tpu.vector_store_idx %arg7[%add3A_399], %get3A_403 masked %eq3A_260 {add = true} : memref<2048xf32, #tpu.memory_space<vmem>>[vector<16xi32>], vector<16xf32>, vector<16xi1>
    tpu.vector_store_idx %arg7[%add3A_399], %get3A_403 masked %eq3A_263 {add = true} : memref<2048xf32, #tpu.memory_space<vmem>>[vector<16xi32>], vector<16xf32>, vector<16xi1>
    tpu.vector_store_idx %arg7[%add3A_399], %get3A_403 masked %eq3A_266 {add = true} : memref<2048xf32, #tpu.memory_space<vmem>>[vector<16xi32>], vector<16xf32>, vector<16xi1>
    tpu.vector_store_idx %arg7[%add3A_399], %get3A_403 masked %eq3A_269 {add = true} : memref<2048xf32, #tpu.memory_space<vmem>>[vector<16xi32>], vector<16xf32>, vector<16xi1>
    tpu.vector_store_idx %arg7[%add3A_399], %get3A_403 masked %eq3A_272 {add = true} : memref<2048xf32, #tpu.memory_space<vmem>>[vector<16xi32>], vector<16xf32>, vector<16xi1>
    tpu.vector_store_idx %arg7[%add3A_399], %get3A_403 masked %eq3A_275 {add = true} : memref<2048xf32, #tpu.memory_space<vmem>>[vector<16xi32>], vector<16xf32>, vector<16xi1>
    tpu.vector_store_idx %arg7[%add3A_399], %get3A_403 masked %eq3A_278 {add = true} : memref<2048xf32, #tpu.memory_space<vmem>>[vector<16xi32>], vector<16xf32>, vector<16xi1>
    tpu.vector_store_idx %arg7[%add3A_399], %get3A_403 masked %eq3A_281 {add = true} : memref<2048xf32, #tpu.memory_space<vmem>>[vector<16xi32>], vector<16xf32>, vector<16xi1>
    tpu.vector_store_idx %arg7[%add3A_399], %get3A_403 masked %eq3A_284 {add = true} : memref<2048xf32, #tpu.memory_space<vmem>>[vector<16xi32>], vector<16xf32>, vector<16xi1>
    tpu.vector_store_idx %arg7[%add3A_399], %get3A_403 masked %eq3A_287 {add = true} : memref<2048xf32, #tpu.memory_space<vmem>>[vector<16xi32>], vector<16xf32>, vector<16xi1>
    tpu.vector_store_idx %arg7[%add3A_399], %get3A_403 masked %eq3A_290 {add = true} : memref<2048xf32, #tpu.memory_space<vmem>>[vector<16xi32>], vector<16xf32>, vector<16xi1>
    tpu.vector_store_idx %arg7[%add3A_399], %get3A_403 masked %eq3A_293 {add = true} : memref<2048xf32, #tpu.memory_space<vmem>>[vector<16xi32>], vector<16xf32>, vector<16xi1>
    tpu.vector_store_idx %arg7[%add3A_399], %get3A_403 masked %eq3A_296 {add = true} : memref<2048xf32, #tpu.memory_space<vmem>>[vector<16xi32>], vector<16xf32>, vector<16xi1>
    tpu.vector_store_idx %arg7[%add3A_399], %get3A_403 masked %eq3A_299 {add = true} : memref<2048xf32, #tpu.memory_space<vmem>>[vector<16xi32>], vector<16xf32>, vector<16xi1>
    tpu.vector_store_idx %arg7[%add3A_399], %get3A_403 masked %eq3A_302 {add = true} : memref<2048xf32, #tpu.memory_space<vmem>>[vector<16xi32>], vector<16xf32>, vector<16xi1>
    tpu.vector_store_idx %arg7[%add3A_399], %get3A_403 masked %eq3A_305 {add = true} : memref<2048xf32, #tpu.memory_space<vmem>>[vector<16xi32>], vector<16xf32>, vector<16xi1>
    %get3A_404 = arith.constant 4 : i32
    %get3A_405 = arith.index_cast %get3A_404 : i32 to index
    %get3A_406 = arith.constant 16 : index
    %get3A_407 = tpu.vector_load %arg5[%get3A_405, %get3A_406] {strides = array<i32>} : memref<8x32xi32, #tpu.memory_space<vmem>>, vector<16xi32>,
    %add3A_408 = arith.constant 1024 : i32
    %add3A_409 = vector.broadcast %add3A_408 : i32 to vector<16xi32>
    %add3A_410 = arith.addi %get3A_407, %add3A_409 : vector<16xi32>
    %get3A_411 = arith.constant 4 : i32
    %get3A_412 = arith.index_cast %get3A_411 : i32 to index
    %get3A_413 = arith.constant 16 : index
    %get3A_414 = tpu.vector_load %arg6[%get3A_412, %get3A_413] {strides = array<i32>} : memref<8x32xf32, #tpu.memory_space<vmem>>, vector<16xf32>,
    tpu.vector_store_idx %arg7[%add3A_410], %get3A_414 masked %eq3A_260 {add = true} : memref<2048xf32, #tpu.memory_space<vmem>>[vector<16xi32>], vector<16xf32>, vector<16xi1>
    tpu.vector_store_idx %arg7[%add3A_410], %get3A_414 masked %eq3A_263 {add = true} : memref<2048xf32, #tpu.memory_space<vmem>>[vector<16xi32>], vector<16xf32>, vector<16xi1>
    tpu.vector_store_idx %arg7[%add3A_410], %get3A_414 masked %eq3A_266 {add = true} : memref<2048xf32, #tpu.memory_space<vmem>>[vector<16xi32>], vector<16xf32>, vector<16xi1>
    tpu.vector_store_idx %arg7[%add3A_410], %get3A_414 masked %eq3A_269 {add = true} : memref<2048xf32, #tpu.memory_space<vmem>>[vector<16xi32>], vector<16xf32>, vector<16xi1>
    tpu.vector_store_idx %arg7[%add3A_410], %get3A_414 masked %eq3A_272 {add = true} : memref<2048xf32, #tpu.memory_space<vmem>>[vector<16xi32>], vector<16xf32>, vector<16xi1>
    tpu.vector_store_idx %arg7[%add3A_410], %get3A_414 masked %eq3A_275 {add = true} : memref<2048xf32, #tpu.memory_space<vmem>>[vector<16xi32>], vector<16xf32>, vector<16xi1>
    tpu.vector_store_idx %arg7[%add3A_410], %get3A_414 masked %eq3A_278 {add = true} : memref<2048xf32, #tpu.memory_space<vmem>>[vector<16xi32>], vector<16xf32>, vector<16xi1>
    tpu.vector_store_idx %arg7[%add3A_410], %get3A_414 masked %eq3A_281 {add = true} : memref<2048xf32, #tpu.memory_space<vmem>>[vector<16xi32>], vector<16xf32>, vector<16xi1>
    tpu.vector_store_idx %arg7[%add3A_410], %get3A_414 masked %eq3A_284 {add = true} : memref<2048xf32, #tpu.memory_space<vmem>>[vector<16xi32>], vector<16xf32>, vector<16xi1>
    tpu.vector_store_idx %arg7[%add3A_410], %get3A_414 masked %eq3A_287 {add = true} : memref<2048xf32, #tpu.memory_space<vmem>>[vector<16xi32>], vector<16xf32>, vector<16xi1>
    tpu.vector_store_idx %arg7[%add3A_410], %get3A_414 masked %eq3A_290 {add = true} : memref<2048xf32, #tpu.memory_space<vmem>>[vector<16xi32>], vector<16xf32>, vector<16xi1>
    tpu.vector_store_idx %arg7[%add3A_410], %get3A_414 masked %eq3A_293 {add = true} : memref<2048xf32, #tpu.memory_space<vmem>>[vector<16xi32>], vector<16xf32>, vector<16xi1>
    tpu.vector_store_idx %arg7[%add3A_410], %get3A_414 masked %eq3A_296 {add = true} : memref<2048xf32, #tpu.memory_space<vmem>>[vector<16xi32>], vector<16xf32>, vector<16xi1>
    tpu.vector_store_idx %arg7[%add3A_410], %get3A_414 masked %eq3A_299 {add = true} : memref<2048xf32, #tpu.memory_space<vmem>>[vector<16xi32>], vector<16xf32>, vector<16xi1>
    tpu.vector_store_idx %arg7[%add3A_410], %get3A_414 masked %eq3A_302 {add = true} : memref<2048xf32, #tpu.memory_space<vmem>>[vector<16xi32>], vector<16xf32>, vector<16xi1>
    tpu.vector_store_idx %arg7[%add3A_410], %get3A_414 masked %eq3A_305 {add = true} : memref<2048xf32, #tpu.memory_space<vmem>>[vector<16xi32>], vector<16xf32>, vector<16xi1>
    %get3A_415 = arith.constant 5 : i32
    %get3A_416 = arith.index_cast %get3A_415 : i32 to index
    %get3A_417 = arith.constant 0 : index
    %get3A_418 = tpu.vector_load %arg5[%get3A_416, %get3A_417] {strides = array<i32>} : memref<8x32xi32, #tpu.memory_space<vmem>>, vector<16xi32>,
    %add3A_419 = arith.constant 1280 : i32
    %add3A_420 = vector.broadcast %add3A_419 : i32 to vector<16xi32>
    %add3A_421 = arith.addi %get3A_418, %add3A_420 : vector<16xi32>
    %get3A_422 = arith.constant 5 : i32
    %get3A_423 = arith.index_cast %get3A_422 : i32 to index
    %get3A_424 = arith.constant 0 : index
    %get3A_425 = tpu.vector_load %arg6[%get3A_423, %get3A_424] {strides = array<i32>} : memref<8x32xf32, #tpu.memory_space<vmem>>, vector<16xf32>,
    tpu.vector_store_idx %arg7[%add3A_421], %get3A_425 masked %eq3A_260 {add = true} : memref<2048xf32, #tpu.memory_space<vmem>>[vector<16xi32>], vector<16xf32>, vector<16xi1>
    tpu.vector_store_idx %arg7[%add3A_421], %get3A_425 masked %eq3A_263 {add = true} : memref<2048xf32, #tpu.memory_space<vmem>>[vector<16xi32>], vector<16xf32>, vector<16xi1>
    tpu.vector_store_idx %arg7[%add3A_421], %get3A_425 masked %eq3A_266 {add = true} : memref<2048xf32, #tpu.memory_space<vmem>>[vector<16xi32>], vector<16xf32>, vector<16xi1>
    tpu.vector_store_idx %arg7[%add3A_421], %get3A_425 masked %eq3A_269 {add = true} : memref<2048xf32, #tpu.memory_space<vmem>>[vector<16xi32>], vector<16xf32>, vector<16xi1>
    tpu.vector_store_idx %arg7[%add3A_421], %get3A_425 masked %eq3A_272 {add = true} : memref<2048xf32, #tpu.memory_space<vmem>>[vector<16xi32>], vector<16xf32>, vector<16xi1>
    tpu.vector_store_idx %arg7[%add3A_421], %get3A_425 masked %eq3A_275 {add = true} : memref<2048xf32, #tpu.memory_space<vmem>>[vector<16xi32>], vector<16xf32>, vector<16xi1>
    tpu.vector_store_idx %arg7[%add3A_421], %get3A_425 masked %eq3A_278 {add = true} : memref<2048xf32, #tpu.memory_space<vmem>>[vector<16xi32>], vector<16xf32>, vector<16xi1>
    tpu.vector_store_idx %arg7[%add3A_421], %get3A_425 masked %eq3A_281 {add = true} : memref<2048xf32, #tpu.memory_space<vmem>>[vector<16xi32>], vector<16xf32>, vector<16xi1>
    tpu.vector_store_idx %arg7[%add3A_421], %get3A_425 masked %eq3A_284 {add = true} : memref<2048xf32, #tpu.memory_space<vmem>>[vector<16xi32>], vector<16xf32>, vector<16xi1>
    tpu.vector_store_idx %arg7[%add3A_421], %get3A_425 masked %eq3A_287 {add = true} : memref<2048xf32, #tpu.memory_space<vmem>>[vector<16xi32>], vector<16xf32>, vector<16xi1>
    tpu.vector_store_idx %arg7[%add3A_421], %get3A_425 masked %eq3A_290 {add = true} : memref<2048xf32, #tpu.memory_space<vmem>>[vector<16xi32>], vector<16xf32>, vector<16xi1>
    tpu.vector_store_idx %arg7[%add3A_421], %get3A_425 masked %eq3A_293 {add = true} : memref<2048xf32, #tpu.memory_space<vmem>>[vector<16xi32>], vector<16xf32>, vector<16xi1>
    tpu.vector_store_idx %arg7[%add3A_421], %get3A_425 masked %eq3A_296 {add = true} : memref<2048xf32, #tpu.memory_space<vmem>>[vector<16xi32>], vector<16xf32>, vector<16xi1>
    tpu.vector_store_idx %arg7[%add3A_421], %get3A_425 masked %eq3A_299 {add = true} : memref<2048xf32, #tpu.memory_space<vmem>>[vector<16xi32>], vector<16xf32>, vector<16xi1>
    tpu.vector_store_idx %arg7[%add3A_421], %get3A_425 masked %eq3A_302 {add = true} : memref<2048xf32, #tpu.memory_space<vmem>>[vector<16xi32>], vector<16xf32>, vector<16xi1>
    tpu.vector_store_idx %arg7[%add3A_421], %get3A_425 masked %eq3A_305 {add = true} : memref<2048xf32, #tpu.memory_space<vmem>>[vector<16xi32>], vector<16xf32>, vector<16xi1>
    %get3A_426 = arith.constant 5 : i32
    %get3A_427 = arith.index_cast %get3A_426 : i32 to index
    %get3A_428 = arith.constant 16 : index
    %get3A_429 = tpu.vector_load %arg5[%get3A_427, %get3A_428] {strides = array<i32>} : memref<8x32xi32, #tpu.memory_space<vmem>>, vector<16xi32>,
    %add3A_430 = arith.constant 1280 : i32
    %add3A_431 = vector.broadcast %add3A_430 : i32 to vector<16xi32>
    %add3A_432 = arith.addi %get3A_429, %add3A_431 : vector<16xi32>
    %get3A_433 = arith.constant 5 : i32
    %get3A_434 = arith.index_cast %get3A_433 : i32 to index
    %get3A_435 = arith.constant 16 : index
    %get3A_436 = tpu.vector_load %arg6[%get3A_434, %get3A_435] {strides = array<i32>} : memref<8x32xf32, #tpu.memory_space<vmem>>, vector<16xf32>,
    tpu.vector_store_idx %arg7[%add3A_432], %get3A_436 masked %eq3A_260 {add = true} : memref<2048xf32, #tpu.memory_space<vmem>>[vector<16xi32>], vector<16xf32>, vector<16xi1>
    tpu.vector_store_idx %arg7[%add3A_432], %get3A_436 masked %eq3A_263 {add = true} : memref<2048xf32, #tpu.memory_space<vmem>>[vector<16xi32>], vector<16xf32>, vector<16xi1>
    tpu.vector_store_idx %arg7[%add3A_432], %get3A_436 masked %eq3A_266 {add = true} : memref<2048xf32, #tpu.memory_space<vmem>>[vector<16xi32>], vector<16xf32>, vector<16xi1>
    tpu.vector_store_idx %arg7[%add3A_432], %get3A_436 masked %eq3A_269 {add = true} : memref<2048xf32, #tpu.memory_space<vmem>>[vector<16xi32>], vector<16xf32>, vector<16xi1>
    tpu.vector_store_idx %arg7[%add3A_432], %get3A_436 masked %eq3A_272 {add = true} : memref<2048xf32, #tpu.memory_space<vmem>>[vector<16xi32>], vector<16xf32>, vector<16xi1>
    tpu.vector_store_idx %arg7[%add3A_432], %get3A_436 masked %eq3A_275 {add = true} : memref<2048xf32, #tpu.memory_space<vmem>>[vector<16xi32>], vector<16xf32>, vector<16xi1>
    tpu.vector_store_idx %arg7[%add3A_432], %get3A_436 masked %eq3A_278 {add = true} : memref<2048xf32, #tpu.memory_space<vmem>>[vector<16xi32>], vector<16xf32>, vector<16xi1>
    tpu.vector_store_idx %arg7[%add3A_432], %get3A_436 masked %eq3A_281 {add = true} : memref<2048xf32, #tpu.memory_space<vmem>>[vector<16xi32>], vector<16xf32>, vector<16xi1>
    tpu.vector_store_idx %arg7[%add3A_432], %get3A_436 masked %eq3A_284 {add = true} : memref<2048xf32, #tpu.memory_space<vmem>>[vector<16xi32>], vector<16xf32>, vector<16xi1>
    tpu.vector_store_idx %arg7[%add3A_432], %get3A_436 masked %eq3A_287 {add = true} : memref<2048xf32, #tpu.memory_space<vmem>>[vector<16xi32>], vector<16xf32>, vector<16xi1>
    tpu.vector_store_idx %arg7[%add3A_432], %get3A_436 masked %eq3A_290 {add = true} : memref<2048xf32, #tpu.memory_space<vmem>>[vector<16xi32>], vector<16xf32>, vector<16xi1>
    tpu.vector_store_idx %arg7[%add3A_432], %get3A_436 masked %eq3A_293 {add = true} : memref<2048xf32, #tpu.memory_space<vmem>>[vector<16xi32>], vector<16xf32>, vector<16xi1>
    tpu.vector_store_idx %arg7[%add3A_432], %get3A_436 masked %eq3A_296 {add = true} : memref<2048xf32, #tpu.memory_space<vmem>>[vector<16xi32>], vector<16xf32>, vector<16xi1>
    tpu.vector_store_idx %arg7[%add3A_432], %get3A_436 masked %eq3A_299 {add = true} : memref<2048xf32, #tpu.memory_space<vmem>>[vector<16xi32>], vector<16xf32>, vector<16xi1>
    tpu.vector_store_idx %arg7[%add3A_432], %get3A_436 masked %eq3A_302 {add = true} : memref<2048xf32, #tpu.memory_space<vmem>>[vector<16xi32>], vector<16xf32>, vector<16xi1>
    tpu.vector_store_idx %arg7[%add3A_432], %get3A_436 masked %eq3A_305 {add = true} : memref<2048xf32, #tpu.memory_space<vmem>>[vector<16xi32>], vector<16xf32>, vector<16xi1>
    %get3A_437 = arith.constant 6 : i32
    %get3A_438 = arith.index_cast %get3A_437 : i32 to index
    %get3A_439 = arith.constant 0 : index
    %get3A_440 = tpu.vector_load %arg5[%get3A_438, %get3A_439] {strides = array<i32>} : memref<8x32xi32, #tpu.memory_space<vmem>>, vector<16xi32>,
    %add3A_441 = arith.constant 1536 : i32
    %add3A_442 = vector.broadcast %add3A_441 : i32 to vector<16xi32>
    %add3A_443 = arith.addi %get3A_440, %add3A_442 : vector<16xi32>
    %get3A_444 = arith.constant 6 : i32
    %get3A_445 = arith.index_cast %get3A_444 : i32 to index
    %get3A_446 = arith.constant 0 : index
    %get3A_447 = tpu.vector_load %arg6[%get3A_445, %get3A_446] {strides = array<i32>} : memref<8x32xf32, #tpu.memory_space<vmem>>, vector<16xf32>,
    tpu.vector_store_idx %arg7[%add3A_443], %get3A_447 masked %eq3A_260 {add = true} : memref<2048xf32, #tpu.memory_space<vmem>>[vector<16xi32>], vector<16xf32>, vector<16xi1>
    tpu.vector_store_idx %arg7[%add3A_443], %get3A_447 masked %eq3A_263 {add = true} : memref<2048xf32, #tpu.memory_space<vmem>>[vector<16xi32>], vector<16xf32>, vector<16xi1>
    tpu.vector_store_idx %arg7[%add3A_443], %get3A_447 masked %eq3A_266 {add = true} : memref<2048xf32, #tpu.memory_space<vmem>>[vector<16xi32>], vector<16xf32>, vector<16xi1>
    tpu.vector_store_idx %arg7[%add3A_443], %get3A_447 masked %eq3A_269 {add = true} : memref<2048xf32, #tpu.memory_space<vmem>>[vector<16xi32>], vector<16xf32>, vector<16xi1>
    tpu.vector_store_idx %arg7[%add3A_443], %get3A_447 masked %eq3A_272 {add = true} : memref<2048xf32, #tpu.memory_space<vmem>>[vector<16xi32>], vector<16xf32>, vector<16xi1>
    tpu.vector_store_idx %arg7[%add3A_443], %get3A_447 masked %eq3A_275 {add = true} : memref<2048xf32, #tpu.memory_space<vmem>>[vector<16xi32>], vector<16xf32>, vector<16xi1>
    tpu.vector_store_idx %arg7[%add3A_443], %get3A_447 masked %eq3A_278 {add = true} : memref<2048xf32, #tpu.memory_space<vmem>>[vector<16xi32>], vector<16xf32>, vector<16xi1>
    tpu.vector_store_idx %arg7[%add3A_443], %get3A_447 masked %eq3A_281 {add = true} : memref<2048xf32, #tpu.memory_space<vmem>>[vector<16xi32>], vector<16xf32>, vector<16xi1>
    tpu.vector_store_idx %arg7[%add3A_443], %get3A_447 masked %eq3A_284 {add = true} : memref<2048xf32, #tpu.memory_space<vmem>>[vector<16xi32>], vector<16xf32>, vector<16xi1>
    tpu.vector_store_idx %arg7[%add3A_443], %get3A_447 masked %eq3A_287 {add = true} : memref<2048xf32, #tpu.memory_space<vmem>>[vector<16xi32>], vector<16xf32>, vector<16xi1>
    tpu.vector_store_idx %arg7[%add3A_443], %get3A_447 masked %eq3A_290 {add = true} : memref<2048xf32, #tpu.memory_space<vmem>>[vector<16xi32>], vector<16xf32>, vector<16xi1>
    tpu.vector_store_idx %arg7[%add3A_443], %get3A_447 masked %eq3A_293 {add = true} : memref<2048xf32, #tpu.memory_space<vmem>>[vector<16xi32>], vector<16xf32>, vector<16xi1>
    tpu.vector_store_idx %arg7[%add3A_443], %get3A_447 masked %eq3A_296 {add = true} : memref<2048xf32, #tpu.memory_space<vmem>>[vector<16xi32>], vector<16xf32>, vector<16xi1>
    tpu.vector_store_idx %arg7[%add3A_443], %get3A_447 masked %eq3A_299 {add = true} : memref<2048xf32, #tpu.memory_space<vmem>>[vector<16xi32>], vector<16xf32>, vector<16xi1>
    tpu.vector_store_idx %arg7[%add3A_443], %get3A_447 masked %eq3A_302 {add = true} : memref<2048xf32, #tpu.memory_space<vmem>>[vector<16xi32>], vector<16xf32>, vector<16xi1>
    tpu.vector_store_idx %arg7[%add3A_443], %get3A_447 masked %eq3A_305 {add = true} : memref<2048xf32, #tpu.memory_space<vmem>>[vector<16xi32>], vector<16xf32>, vector<16xi1>
    %get3A_448 = arith.constant 6 : i32
    %get3A_449 = arith.index_cast %get3A_448 : i32 to index
    %get3A_450 = arith.constant 16 : index
    %get3A_451 = tpu.vector_load %arg5[%get3A_449, %get3A_450] {strides = array<i32>} : memref<8x32xi32, #tpu.memory_space<vmem>>, vector<16xi32>,
    %add3A_452 = arith.constant 1536 : i32
    %add3A_453 = vector.broadcast %add3A_452 : i32 to vector<16xi32>
    %add3A_454 = arith.addi %get3A_451, %add3A_453 : vector<16xi32>
    %get3A_455 = arith.constant 6 : i32
    %get3A_456 = arith.index_cast %get3A_455 : i32 to index
    %get3A_457 = arith.constant 16 : index
    %get3A_458 = tpu.vector_load %arg6[%get3A_456, %get3A_457] {strides = array<i32>} : memref<8x32xf32, #tpu.memory_space<vmem>>, vector<16xf32>,
    tpu.vector_store_idx %arg7[%add3A_454], %get3A_458 masked %eq3A_260 {add = true} : memref<2048xf32, #tpu.memory_space<vmem>>[vector<16xi32>], vector<16xf32>, vector<16xi1>
    tpu.vector_store_idx %arg7[%add3A_454], %get3A_458 masked %eq3A_263 {add = true} : memref<2048xf32, #tpu.memory_space<vmem>>[vector<16xi32>], vector<16xf32>, vector<16xi1>
    tpu.vector_store_idx %arg7[%add3A_454], %get3A_458 masked %eq3A_266 {add = true} : memref<2048xf32, #tpu.memory_space<vmem>>[vector<16xi32>], vector<16xf32>, vector<16xi1>
    tpu.vector_store_idx %arg7[%add3A_454], %get3A_458 masked %eq3A_269 {add = true} : memref<2048xf32, #tpu.memory_space<vmem>>[vector<16xi32>], vector<16xf32>, vector<16xi1>
    tpu.vector_store_idx %arg7[%add3A_454], %get3A_458 masked %eq3A_272 {add = true} : memref<2048xf32, #tpu.memory_space<vmem>>[vector<16xi32>], vector<16xf32>, vector<16xi1>
    tpu.vector_store_idx %arg7[%add3A_454], %get3A_458 masked %eq3A_275 {add = true} : memref<2048xf32, #tpu.memory_space<vmem>>[vector<16xi32>], vector<16xf32>, vector<16xi1>
    tpu.vector_store_idx %arg7[%add3A_454], %get3A_458 masked %eq3A_278 {add = true} : memref<2048xf32, #tpu.memory_space<vmem>>[vector<16xi32>], vector<16xf32>, vector<16xi1>
    tpu.vector_store_idx %arg7[%add3A_454], %get3A_458 masked %eq3A_281 {add = true} : memref<2048xf32, #tpu.memory_space<vmem>>[vector<16xi32>], vector<16xf32>, vector<16xi1>
    tpu.vector_store_idx %arg7[%add3A_454], %get3A_458 masked %eq3A_284 {add = true} : memref<2048xf32, #tpu.memory_space<vmem>>[vector<16xi32>], vector<16xf32>, vector<16xi1>
    tpu.vector_store_idx %arg7[%add3A_454], %get3A_458 masked %eq3A_287 {add = true} : memref<2048xf32, #tpu.memory_space<vmem>>[vector<16xi32>], vector<16xf32>, vector<16xi1>
    tpu.vector_store_idx %arg7[%add3A_454], %get3A_458 masked %eq3A_290 {add = true} : memref<2048xf32, #tpu.memory_space<vmem>>[vector<16xi32>], vector<16xf32>, vector<16xi1>
    tpu.vector_store_idx %arg7[%add3A_454], %get3A_458 masked %eq3A_293 {add = true} : memref<2048xf32, #tpu.memory_space<vmem>>[vector<16xi32>], vector<16xf32>, vector<16xi1>
    tpu.vector_store_idx %arg7[%add3A_454], %get3A_458 masked %eq3A_296 {add = true} : memref<2048xf32, #tpu.memory_space<vmem>>[vector<16xi32>], vector<16xf32>, vector<16xi1>
    tpu.vector_store_idx %arg7[%add3A_454], %get3A_458 masked %eq3A_299 {add = true} : memref<2048xf32, #tpu.memory_space<vmem>>[vector<16xi32>], vector<16xf32>, vector<16xi1>
    tpu.vector_store_idx %arg7[%add3A_454], %get3A_458 masked %eq3A_302 {add = true} : memref<2048xf32, #tpu.memory_space<vmem>>[vector<16xi32>], vector<16xf32>, vector<16xi1>
    tpu.vector_store_idx %arg7[%add3A_454], %get3A_458 masked %eq3A_305 {add = true} : memref<2048xf32, #tpu.memory_space<vmem>>[vector<16xi32>], vector<16xf32>, vector<16xi1>
    %get3A_459 = arith.constant 7 : i32
    %get3A_460 = arith.index_cast %get3A_459 : i32 to index
    %get3A_461 = arith.constant 0 : index
    %get3A_462 = tpu.vector_load %arg5[%get3A_460, %get3A_461] {strides = array<i32>} : memref<8x32xi32, #tpu.memory_space<vmem>>, vector<16xi32>,
    %add3A_463 = arith.constant 1792 : i32
    %add3A_464 = vector.broadcast %add3A_463 : i32 to vector<16xi32>
    %add3A_465 = arith.addi %get3A_462, %add3A_464 : vector<16xi32>
    %get3A_466 = arith.constant 7 : i32
    %get3A_467 = arith.index_cast %get3A_466 : i32 to index
    %get3A_468 = arith.constant 0 : index
    %get3A_469 = tpu.vector_load %arg6[%get3A_467, %get3A_468] {strides = array<i32>} : memref<8x32xf32, #tpu.memory_space<vmem>>, vector<16xf32>,
    tpu.vector_store_idx %arg7[%add3A_465], %get3A_469 masked %eq3A_260 {add = true} : memref<2048xf32, #tpu.memory_space<vmem>>[vector<16xi32>], vector<16xf32>, vector<16xi1>
    tpu.vector_store_idx %arg7[%add3A_465], %get3A_469 masked %eq3A_263 {add = true} : memref<2048xf32, #tpu.memory_space<vmem>>[vector<16xi32>], vector<16xf32>, vector<16xi1>
    tpu.vector_store_idx %arg7[%add3A_465], %get3A_469 masked %eq3A_266 {add = true} : memref<2048xf32, #tpu.memory_space<vmem>>[vector<16xi32>], vector<16xf32>, vector<16xi1>
    tpu.vector_store_idx %arg7[%add3A_465], %get3A_469 masked %eq3A_269 {add = true} : memref<2048xf32, #tpu.memory_space<vmem>>[vector<16xi32>], vector<16xf32>, vector<16xi1>
    tpu.vector_store_idx %arg7[%add3A_465], %get3A_469 masked %eq3A_272 {add = true} : memref<2048xf32, #tpu.memory_space<vmem>>[vector<16xi32>], vector<16xf32>, vector<16xi1>
    tpu.vector_store_idx %arg7[%add3A_465], %get3A_469 masked %eq3A_275 {add = true} : memref<2048xf32, #tpu.memory_space<vmem>>[vector<16xi32>], vector<16xf32>, vector<16xi1>
    tpu.vector_store_idx %arg7[%add3A_465], %get3A_469 masked %eq3A_278 {add = true} : memref<2048xf32, #tpu.memory_space<vmem>>[vector<16xi32>], vector<16xf32>, vector<16xi1>
    tpu.vector_store_idx %arg7[%add3A_465], %get3A_469 masked %eq3A_281 {add = true} : memref<2048xf32, #tpu.memory_space<vmem>>[vector<16xi32>], vector<16xf32>, vector<16xi1>
    tpu.vector_store_idx %arg7[%add3A_465], %get3A_469 masked %eq3A_284 {add = true} : memref<2048xf32, #tpu.memory_space<vmem>>[vector<16xi32>], vector<16xf32>, vector<16xi1>
    tpu.vector_store_idx %arg7[%add3A_465], %get3A_469 masked %eq3A_287 {add = true} : memref<2048xf32, #tpu.memory_space<vmem>>[vector<16xi32>], vector<16xf32>, vector<16xi1>
    tpu.vector_store_idx %arg7[%add3A_465], %get3A_469 masked %eq3A_290 {add = true} : memref<2048xf32, #tpu.memory_space<vmem>>[vector<16xi32>], vector<16xf32>, vector<16xi1>
    tpu.vector_store_idx %arg7[%add3A_465], %get3A_469 masked %eq3A_293 {add = true} : memref<2048xf32, #tpu.memory_space<vmem>>[vector<16xi32>], vector<16xf32>, vector<16xi1>
    tpu.vector_store_idx %arg7[%add3A_465], %get3A_469 masked %eq3A_296 {add = true} : memref<2048xf32, #tpu.memory_space<vmem>>[vector<16xi32>], vector<16xf32>, vector<16xi1>
    tpu.vector_store_idx %arg7[%add3A_465], %get3A_469 masked %eq3A_299 {add = true} : memref<2048xf32, #tpu.memory_space<vmem>>[vector<16xi32>], vector<16xf32>, vector<16xi1>
    tpu.vector_store_idx %arg7[%add3A_465], %get3A_469 masked %eq3A_302 {add = true} : memref<2048xf32, #tpu.memory_space<vmem>>[vector<16xi32>], vector<16xf32>, vector<16xi1>
    tpu.vector_store_idx %arg7[%add3A_465], %get3A_469 masked %eq3A_305 {add = true} : memref<2048xf32, #tpu.memory_space<vmem>>[vector<16xi32>], vector<16xf32>, vector<16xi1>
    %get3A_470 = arith.constant 7 : i32
    %get3A_471 = arith.index_cast %get3A_470 : i32 to index
    %get3A_472 = arith.constant 16 : index
    %get3A_473 = tpu.vector_load %arg5[%get3A_471, %get3A_472] {strides = array<i32>} : memref<8x32xi32, #tpu.memory_space<vmem>>, vector<16xi32>,
    %add3A_474 = arith.constant 1792 : i32
    %add3A_475 = vector.broadcast %add3A_474 : i32 to vector<16xi32>
    %add3A_476 = arith.addi %get3A_473, %add3A_475 : vector<16xi32>
    %get3A_477 = arith.constant 7 : i32
    %get3A_478 = arith.index_cast %get3A_477 : i32 to index
    %get3A_479 = arith.constant 16 : index
    %get3A_480 = tpu.vector_load %arg6[%get3A_478, %get3A_479] {strides = array<i32>} : memref<8x32xf32, #tpu.memory_space<vmem>>, vector<16xf32>,
    tpu.vector_store_idx %arg7[%add3A_476], %get3A_480 masked %eq3A_260 {add = true} : memref<2048xf32, #tpu.memory_space<vmem>>[vector<16xi32>], vector<16xf32>, vector<16xi1>
    tpu.vector_store_idx %arg7[%add3A_476], %get3A_480 masked %eq3A_263 {add = true} : memref<2048xf32, #tpu.memory_space<vmem>>[vector<16xi32>], vector<16xf32>, vector<16xi1>
    tpu.vector_store_idx %arg7[%add3A_476], %get3A_480 masked %eq3A_266 {add = true} : memref<2048xf32, #tpu.memory_space<vmem>>[vector<16xi32>], vector<16xf32>, vector<16xi1>
    tpu.vector_store_idx %arg7[%add3A_476], %get3A_480 masked %eq3A_269 {add = true} : memref<2048xf32, #tpu.memory_space<vmem>>[vector<16xi32>], vector<16xf32>, vector<16xi1>
    tpu.vector_store_idx %arg7[%add3A_476], %get3A_480 masked %eq3A_272 {add = true} : memref<2048xf32, #tpu.memory_space<vmem>>[vector<16xi32>], vector<16xf32>, vector<16xi1>
    tpu.vector_store_idx %arg7[%add3A_476], %get3A_480 masked %eq3A_275 {add = true} : memref<2048xf32, #tpu.memory_space<vmem>>[vector<16xi32>], vector<16xf32>, vector<16xi1>
    tpu.vector_store_idx %arg7[%add3A_476], %get3A_480 masked %eq3A_278 {add = true} : memref<2048xf32, #tpu.memory_space<vmem>>[vector<16xi32>], vector<16xf32>, vector<16xi1>
    tpu.vector_store_idx %arg7[%add3A_476], %get3A_480 masked %eq3A_281 {add = true} : memref<2048xf32, #tpu.memory_space<vmem>>[vector<16xi32>], vector<16xf32>, vector<16xi1>
    tpu.vector_store_idx %arg7[%add3A_476], %get3A_480 masked %eq3A_284 {add = true} : memref<2048xf32, #tpu.memory_space<vmem>>[vector<16xi32>], vector<16xf32>, vector<16xi1>
    tpu.vector_store_idx %arg7[%add3A_476], %get3A_480 masked %eq3A_287 {add = true} : memref<2048xf32, #tpu.memory_space<vmem>>[vector<16xi32>], vector<16xf32>, vector<16xi1>
    tpu.vector_store_idx %arg7[%add3A_476], %get3A_480 masked %eq3A_290 {add = true} : memref<2048xf32, #tpu.memory_space<vmem>>[vector<16xi32>], vector<16xf32>, vector<16xi1>
    tpu.vector_store_idx %arg7[%add3A_476], %get3A_480 masked %eq3A_293 {add = true} : memref<2048xf32, #tpu.memory_space<vmem>>[vector<16xi32>], vector<16xf32>, vector<16xi1>
    tpu.vector_store_idx %arg7[%add3A_476], %get3A_480 masked %eq3A_296 {add = true} : memref<2048xf32, #tpu.memory_space<vmem>>[vector<16xi32>], vector<16xf32>, vector<16xi1>
    tpu.vector_store_idx %arg7[%add3A_476], %get3A_480 masked %eq3A_299 {add = true} : memref<2048xf32, #tpu.memory_space<vmem>>[vector<16xi32>], vector<16xf32>, vector<16xi1>
    tpu.vector_store_idx %arg7[%add3A_476], %get3A_480 masked %eq3A_302 {add = true} : memref<2048xf32, #tpu.memory_space<vmem>>[vector<16xi32>], vector<16xf32>, vector<16xi1>
    tpu.vector_store_idx %arg7[%add3A_476], %get3A_480 masked %eq3A_305 {add = true} : memref<2048xf32, #tpu.memory_space<vmem>>[vector<16xi32>], vector<16xf32>, vector<16xi1>
    %mul3A_481 = arith.constant 2048 : i32
    %mul3A_482 = arith.muli %add3A, %mul3A_481 : i32
    "tpu.region"() ({
      %run_scoped3A = tpu.sem_alloc : memref<!tpu.dma_semaphore, #tpu.memory_space<semaphore_mem>>
      %dma_start3A = tpu.memref_slice %arg4[%mul3A_482] : memref<65536xf32, #tpu.memory_space<hbm>> -> memref<2048xf32, #tpu.memory_space<hbm>>
      %dma_start3A_483 = tpu.memref_slice %arg4[%mul3A_482] : memref<65536xf32, #tpu.memory_space<hbm>> -> memref<2048xf32, #tpu.memory_space<hbm>>
      tpu.enqueue_dma source(%arg7 : memref<2048xf32, #tpu.memory_space<vmem>>) target(%dma_start3A_483 : memref<2048xf32, #tpu.memory_space<hbm>>) target_semaphore(%run_scoped3A : memref<!tpu.dma_semaphore, #tpu.memory_space<semaphore_mem>>)
      %dma_wait3A = tpu.memref_slice %arg4[%mul3A_482] : memref<65536xf32, #tpu.memory_space<hbm>> -> memref<2048xf32, #tpu.memory_space<hbm>>
      %dma_wait3A_484 = tpu.memref_slice %arg4[%mul3A_482] : memref<65536xf32, #tpu.memory_space<hbm>> -> memref<2048xf32, #tpu.memory_space<hbm>>
      tpu.wait_dma2 semaphore(%run_scoped3A : memref<!tpu.dma_semaphore, #tpu.memory_space<semaphore_mem>>) src(%arg7 : memref<2048xf32, #tpu.memory_space<vmem>>) dst(%dma_wait3A_484 : memref<2048xf32, #tpu.memory_space<hbm>>)
      tpu.yield
    }) : () -> ()
    return
  }
}

module attributes {stable_mosaic.version = 14 : i64} {
  func.func @_conv_body(%arg0: i32, %arg1: i32, %arg2: memref<256x192xf32, #tpu.memory_space<vmem>>, %arg3: memref<864x256xf32, #tpu.memory_space<vmem>>, %arg4: memref<1x16x2x113x192xbf16, #tpu.memory_space<vmem>>, %arg5: memref<1x4x2x113x192xbf16, #tpu.memory_space<vmem>>, %arg6: memref<1x192x16x112xf32, #tpu.memory_space<vmem>>, %arg7: memref<864x192xbf16, #tpu.memory_space<vmem>>) attributes {dimension_semantics = [#tpu.dimension_semantics<arbitrary>, #tpu.dimension_semantics<arbitrary>], iteration_bounds = array<i64: 4, 7>, scalar_prefetch = 0 : i64, scratch_operands = 1 : i64, tpu.core_type = #tpu.core_type<tc>, window_params = [{pipeline_mode = #tpu.pipeline_mode<synchronous>, transform_indices = @transform_0, window_bounds = array<i64: 256, 192>}, {pipeline_mode = #tpu.pipeline_mode<synchronous>, transform_indices = @transform_1, window_bounds = array<i64: 864, 256>}, {transform_indices = @transform_2, window_bounds = array<i64: 1, 16, 2, 113, 192>}, {transform_indices = @transform_3, window_bounds = array<i64: 1, 4, 2, 113, 192>}, {transform_indices = @transform_4, window_bounds = array<i64: 1, 192, 16, 112>}]} {
    %eq3A = arith.constant 0 : i32
    %eq3A_0 = arith.cmpi eq, %arg0, %eq3A : i32
    %eq3A_1 = arith.constant 0 : i32
    %eq3A_2 = arith.cmpi eq, %arg1, %eq3A_1 : i32
    %and3A = arith.andi %eq3A_0, %eq3A_2 : i1
    %convert_element_type3A = arith.extui %and3A : i1 to i32
    %cond3A = arith.constant 0 : i32
    %cond3A_3 = arith.cmpi ne, %convert_element_type3A, %cond3A : i32
    scf.if %cond3A_3 {
      %get3A_226 = arith.constant 0 : index
      %get3A_227 = arith.constant 0 : index
      %get3A_228 = vector.load %arg3[%get3A_226, %get3A_227] : memref<864x256xf32, #tpu.memory_space<vmem>>, vector<864x256xf32>
      %get3A_229 = arith.constant 0 : index
      %get3A_230 = arith.constant 0 : index
      %get3A_231 = vector.load %arg2[%get3A_229, %get3A_230] : memref<256x192xf32, #tpu.memory_space<vmem>>, vector<256x192xf32>
      %dot_general3A_232 = arith.constant dense<0.000000e+00> : vector<864x192xf32>
      %dot_general3A_233 = tpu.matmul %get3A_228, %get3A_231, %dot_general3A_232 {dimension_numbers = #tpu.dot_dimension_numbers<[1], [0], [0], [1], [0, 0, 1, 1], [], []>, transpose_lhs_hint = false} : vector<864x256xf32>, vector<256x192xf32>, vector<864x192xf32> -> vector<864x192xf32>
      %convert_element_type3A_234 = arith.truncf %dot_general3A_233 : vector<864x192xf32> to vector<864x192xbf16>
      %swap3A_235 = arith.constant 0 : index
      %swap3A_236 = arith.constant 0 : index
      %swap3A_237 = vector.load %arg7[%swap3A_235, %swap3A_236] : memref<864x192xbf16, #tpu.memory_space<vmem>>, vector<864x192xbf16>
      tpu.vector_store %arg7[%swap3A_235, %swap3A_236], %convert_element_type3A_234 {strides = array<i32>} : memref<864x192xbf16, #tpu.memory_space<vmem>>, vector<864x192xbf16>,
    } else {
    }
    %get3A = arith.constant 0 : index
    %get3A_4 = arith.constant 0 : index
    %get3A_5 = arith.constant 0 : index
    %get3A_6 = arith.constant 0 : index
    %get3A_7 = arith.constant 0 : index
    %get3A_8 = vector.load %arg4[%get3A, %get3A_4, %get3A_5, %get3A_6, %get3A_7] : memref<1x16x2x113x192xbf16, #tpu.memory_space<vmem>>, vector<1x16x2x113x192xbf16>
    %get3A_9 = vector.shape_cast %get3A_8 : vector<1x16x2x113x192xbf16> to vector<16x2x113x192xbf16>
    %slice3A = vector.extract_strided_slice %get3A_9 {offsets = [0, 0, 0, 0], sizes = [16, 1, 113, 192], strides = [1, 1, 1, 1]} : vector<16x2x113x192xbf16> to vector<16x1x113x192xbf16>
    %squeeze3A = vector.shape_cast %slice3A : vector<16x1x113x192xbf16> to vector<16x113x192xbf16>
    %slice3A_10 = vector.extract_strided_slice %get3A_9 {offsets = [0, 1, 0, 0], sizes = [16, 1, 113, 192], strides = [1, 1, 1, 1]} : vector<16x2x113x192xbf16> to vector<16x1x113x192xbf16>
    %squeeze3A_11 = vector.shape_cast %slice3A_10 : vector<16x1x113x192xbf16> to vector<16x113x192xbf16>
    %slice3A_12 = vector.extract_strided_slice %get3A_9 {offsets = [1, 0, 0, 0], sizes = [15, 1, 113, 192], strides = [1, 1, 1, 1]} : vector<16x2x113x192xbf16> to vector<15x1x113x192xbf16>
    %squeeze3A_13 = vector.shape_cast %slice3A_12 : vector<15x1x113x192xbf16> to vector<15x113x192xbf16>
    %get3A_14 = arith.constant 0 : index
    %get3A_15 = arith.constant 0 : index
    %get3A_16 = arith.constant 0 : index
    %get3A_17 = arith.constant 0 : index
    %get3A_18 = arith.constant 0 : index
    %get3A_19 = vector.load %arg5[%get3A_14, %get3A_15, %get3A_16, %get3A_17, %get3A_18] : memref<1x4x2x113x192xbf16, #tpu.memory_space<vmem>>, vector<1x1x1x113x192xbf16>
    %get3A_20 = vector.shape_cast %get3A_19 : vector<1x1x1x113x192xbf16> to vector<1x113x192xbf16>
    %concatenate3A = tpu.concatenate %squeeze3A_13, %get3A_20 in 0 : vector<15x113x192xbf16>, vector<1x113x192xbf16> -> vector<16x113x192xbf16>
    %broadcast_in_dim3A = arith.constant 0.000000e+00 : f32
    %broadcast_in_dim3A_21 = vector.broadcast %broadcast_in_dim3A : f32 to vector<1792x192xf32>
    %slice3A_22 = vector.extract_strided_slice %squeeze3A {offsets = [0, 0, 0], sizes = [16, 112, 192], strides = [1, 1, 1]} : vector<16x113x192xbf16> to vector<16x112x192xbf16>
    %reshape3A = vector.shape_cast %slice3A_22 : vector<16x112x192xbf16> to vector<1792x192xbf16>
    %get3A_23 = arith.constant 0 : index
    %get3A_24 = arith.constant 0 : index
    %get3A_25 = vector.load %arg7[%get3A_23, %get3A_24] : memref<864x192xbf16, #tpu.memory_space<vmem>>, vector<192x192xbf16>
    %dot_general3A = arith.constant dense<0.000000e+00> : vector<1792x192xf32>
    %dot_general3A_26 = tpu.matmul %reshape3A, %get3A_25, %dot_general3A {dimension_numbers = #tpu.dot_dimension_numbers<[1], [0], [0], [1], [0, 0, 1, 1], [], []>, transpose_lhs_hint = false} : vector<1792x192xbf16>, vector<192x192xbf16>, vector<1792x192xf32> -> vector<1792x192xf32>
    %add3A = arith.addf %broadcast_in_dim3A_21, %dot_general3A_26 : vector<1792x192xf32>
    %slice3A_27 = vector.extract_strided_slice %squeeze3A {offsets = [0, 1, 0], sizes = [16, 112, 96], strides = [1, 1, 1]} : vector<16x113x192xbf16> to vector<16x112x96xbf16>
    %reshape3A_28 = vector.shape_cast %slice3A_27 : vector<16x112x96xbf16> to vector<1792x96xbf16>
    %get3A_29 = arith.constant 192 : index
    %get3A_30 = arith.constant 0 : index
    %get3A_31 = vector.load %arg7[%get3A_29, %get3A_30] : memref<864x192xbf16, #tpu.memory_space<vmem>>, vector<96x192xbf16>
    %dot_general3A_32 = arith.constant dense<0.000000e+00> : vector<1792x192xf32>
    %dot_general3A_33 = tpu.matmul %reshape3A_28, %get3A_31, %dot_general3A_32 {dimension_numbers = #tpu.dot_dimension_numbers<[1], [0], [0], [1], [0, 0, 1, 1], [], []>, transpose_lhs_hint = false} : vector<1792x96xbf16>, vector<96x192xbf16>, vector<1792x192xf32> -> vector<1792x192xf32>
    %add3A_34 = arith.addf %add3A, %dot_general3A_33 : vector<1792x192xf32>
    %slice3A_35 = vector.extract_strided_slice %squeeze3A_11 {offsets = [0, 0, 0], sizes = [16, 112, 192], strides = [1, 1, 1]} : vector<16x113x192xbf16> to vector<16x112x192xbf16>
    %reshape3A_36 = vector.shape_cast %slice3A_35 : vector<16x112x192xbf16> to vector<1792x192xbf16>
    %get3A_37 = arith.constant 288 : index
    %get3A_38 = arith.constant 0 : index
    %get3A_39 = vector.load %arg7[%get3A_37, %get3A_38] : memref<864x192xbf16, #tpu.memory_space<vmem>>, vector<192x192xbf16>
    %dot_general3A_40 = arith.constant dense<0.000000e+00> : vector<1792x192xf32>
    %dot_general3A_41 = tpu.matmul %reshape3A_36, %get3A_39, %dot_general3A_40 {dimension_numbers = #tpu.dot_dimension_numbers<[1], [0], [0], [1], [0, 0, 1, 1], [], []>, transpose_lhs_hint = false} : vector<1792x192xbf16>, vector<192x192xbf16>, vector<1792x192xf32> -> vector<1792x192xf32>
    %add3A_42 = arith.addf %add3A_34, %dot_general3A_41 : vector<1792x192xf32>
    %slice3A_43 = vector.extract_strided_slice %squeeze3A_11 {offsets = [0, 1, 0], sizes = [16, 112, 96], strides = [1, 1, 1]} : vector<16x113x192xbf16> to vector<16x112x96xbf16>
    %reshape3A_44 = vector.shape_cast %slice3A_43 : vector<16x112x96xbf16> to vector<1792x96xbf16>
    %get3A_45 = arith.constant 480 : index
    %get3A_46 = arith.constant 0 : index
    %get3A_47 = vector.load %arg7[%get3A_45, %get3A_46] : memref<864x192xbf16, #tpu.memory_space<vmem>>, vector<96x192xbf16>
    %dot_general3A_48 = arith.constant dense<0.000000e+00> : vector<1792x192xf32>
    %dot_general3A_49 = tpu.matmul %reshape3A_44, %get3A_47, %dot_general3A_48 {dimension_numbers = #tpu.dot_dimension_numbers<[1], [0], [0], [1], [0, 0, 1, 1], [], []>, transpose_lhs_hint = false} : vector<1792x96xbf16>, vector<96x192xbf16>, vector<1792x192xf32> -> vector<1792x192xf32>
    %add3A_50 = arith.addf %add3A_42, %dot_general3A_49 : vector<1792x192xf32>
    %slice3A_51 = vector.extract_strided_slice %concatenate3A {offsets = [0, 0, 0], sizes = [16, 112, 192], strides = [1, 1, 1]} : vector<16x113x192xbf16> to vector<16x112x192xbf16>
    %reshape3A_52 = vector.shape_cast %slice3A_51 : vector<16x112x192xbf16> to vector<1792x192xbf16>
    %get3A_53 = arith.constant 576 : index
    %get3A_54 = arith.constant 0 : index
    %get3A_55 = vector.load %arg7[%get3A_53, %get3A_54] : memref<864x192xbf16, #tpu.memory_space<vmem>>, vector<192x192xbf16>
    %dot_general3A_56 = arith.constant dense<0.000000e+00> : vector<1792x192xf32>
    %dot_general3A_57 = tpu.matmul %reshape3A_52, %get3A_55, %dot_general3A_56 {dimension_numbers = #tpu.dot_dimension_numbers<[1], [0], [0], [1], [0, 0, 1, 1], [], []>, transpose_lhs_hint = false} : vector<1792x192xbf16>, vector<192x192xbf16>, vector<1792x192xf32> -> vector<1792x192xf32>
    %add3A_58 = arith.addf %add3A_50, %dot_general3A_57 : vector<1792x192xf32>
    %slice3A_59 = vector.extract_strided_slice %concatenate3A {offsets = [0, 1, 0], sizes = [16, 112, 96], strides = [1, 1, 1]} : vector<16x113x192xbf16> to vector<16x112x96xbf16>
    %reshape3A_60 = vector.shape_cast %slice3A_59 : vector<16x112x96xbf16> to vector<1792x96xbf16>
    %get3A_61 = arith.constant 768 : index
    %get3A_62 = arith.constant 0 : index
    %get3A_63 = vector.load %arg7[%get3A_61, %get3A_62] : memref<864x192xbf16, #tpu.memory_space<vmem>>, vector<96x192xbf16>
    %dot_general3A_64 = arith.constant dense<0.000000e+00> : vector<1792x192xf32>
    %dot_general3A_65 = tpu.matmul %reshape3A_60, %get3A_63, %dot_general3A_64 {dimension_numbers = #tpu.dot_dimension_numbers<[1], [0], [0], [1], [0, 0, 1, 1], [], []>, transpose_lhs_hint = false} : vector<1792x96xbf16>, vector<96x192xbf16>, vector<1792x192xf32> -> vector<1792x192xf32>
    %add3A_66 = arith.addf %add3A_58, %dot_general3A_65 : vector<1792x192xf32>
    %reshape3A_67 = vector.shape_cast %add3A_66 : vector<1792x192xf32> to vector<16x112x192xf32>
    %slice3A_68 = vector.extract_strided_slice %reshape3A_67 {offsets = [0, 0, 0], sizes = [1, 112, 192], strides = [1, 1, 1]} : vector<16x112x192xf32> to vector<1x112x192xf32>
    %squeeze3A_69 = vector.shape_cast %slice3A_68 : vector<1x112x192xf32> to vector<112x192xf32>
    %transpose3A = tpu.transpose %squeeze3A_69, [1, 0] : vector<112x192xf32> -> vector<192x112xf32>
    %swap3A = arith.constant 0 : index
    %swap3A_70 = arith.constant 0 : index
    %swap3A_71 = arith.constant 0 : index
    %swap3A_72 = arith.constant 0 : index
    %swap3A_73 = vector.load %arg6[%swap3A, %swap3A_70, %swap3A_71, %swap3A_72] : memref<1x192x16x112xf32, #tpu.memory_space<vmem>>, vector<1x192x1x112xf32>
    %swap3A_74 = vector.shape_cast %swap3A_73 : vector<1x192x1x112xf32> to vector<192x112xf32>
    %swap3A_75 = vector.shape_cast %transpose3A : vector<192x112xf32> to vector<1x192x1x112xf32>
    tpu.vector_store %arg6[%swap3A, %swap3A_70, %swap3A_71, %swap3A_72], %swap3A_75 {strides = array<i32>} : memref<1x192x16x112xf32, #tpu.memory_space<vmem>>, vector<1x192x1x112xf32>,
    %slice3A_76 = vector.extract_strided_slice %reshape3A_67 {offsets = [1, 0, 0], sizes = [1, 112, 192], strides = [1, 1, 1]} : vector<16x112x192xf32> to vector<1x112x192xf32>
    %squeeze3A_77 = vector.shape_cast %slice3A_76 : vector<1x112x192xf32> to vector<112x192xf32>
    %transpose3A_78 = tpu.transpose %squeeze3A_77, [1, 0] : vector<112x192xf32> -> vector<192x112xf32>
    %swap3A_79 = arith.constant 0 : index
    %swap3A_80 = arith.constant 0 : index
    %swap3A_81 = arith.constant 1 : index
    %swap3A_82 = arith.constant 0 : index
    %swap3A_83 = vector.load %arg6[%swap3A_79, %swap3A_80, %swap3A_81, %swap3A_82] : memref<1x192x16x112xf32, #tpu.memory_space<vmem>>, vector<1x192x1x112xf32>
    %swap3A_84 = vector.shape_cast %swap3A_83 : vector<1x192x1x112xf32> to vector<192x112xf32>
    %swap3A_85 = vector.shape_cast %transpose3A_78 : vector<192x112xf32> to vector<1x192x1x112xf32>
    tpu.vector_store %arg6[%swap3A_79, %swap3A_80, %swap3A_81, %swap3A_82], %swap3A_85 {strides = array<i32>} : memref<1x192x16x112xf32, #tpu.memory_space<vmem>>, vector<1x192x1x112xf32>,
    %slice3A_86 = vector.extract_strided_slice %reshape3A_67 {offsets = [2, 0, 0], sizes = [1, 112, 192], strides = [1, 1, 1]} : vector<16x112x192xf32> to vector<1x112x192xf32>
    %squeeze3A_87 = vector.shape_cast %slice3A_86 : vector<1x112x192xf32> to vector<112x192xf32>
    %transpose3A_88 = tpu.transpose %squeeze3A_87, [1, 0] : vector<112x192xf32> -> vector<192x112xf32>
    %swap3A_89 = arith.constant 0 : index
    %swap3A_90 = arith.constant 0 : index
    %swap3A_91 = arith.constant 2 : index
    %swap3A_92 = arith.constant 0 : index
    %swap3A_93 = vector.load %arg6[%swap3A_89, %swap3A_90, %swap3A_91, %swap3A_92] : memref<1x192x16x112xf32, #tpu.memory_space<vmem>>, vector<1x192x1x112xf32>
    %swap3A_94 = vector.shape_cast %swap3A_93 : vector<1x192x1x112xf32> to vector<192x112xf32>
    %swap3A_95 = vector.shape_cast %transpose3A_88 : vector<192x112xf32> to vector<1x192x1x112xf32>
    tpu.vector_store %arg6[%swap3A_89, %swap3A_90, %swap3A_91, %swap3A_92], %swap3A_95 {strides = array<i32>} : memref<1x192x16x112xf32, #tpu.memory_space<vmem>>, vector<1x192x1x112xf32>,
    %slice3A_96 = vector.extract_strided_slice %reshape3A_67 {offsets = [3, 0, 0], sizes = [1, 112, 192], strides = [1, 1, 1]} : vector<16x112x192xf32> to vector<1x112x192xf32>
    %squeeze3A_97 = vector.shape_cast %slice3A_96 : vector<1x112x192xf32> to vector<112x192xf32>
    %transpose3A_98 = tpu.transpose %squeeze3A_97, [1, 0] : vector<112x192xf32> -> vector<192x112xf32>
    %swap3A_99 = arith.constant 0 : index
    %swap3A_100 = arith.constant 0 : index
    %swap3A_101 = arith.constant 3 : index
    %swap3A_102 = arith.constant 0 : index
    %swap3A_103 = vector.load %arg6[%swap3A_99, %swap3A_100, %swap3A_101, %swap3A_102] : memref<1x192x16x112xf32, #tpu.memory_space<vmem>>, vector<1x192x1x112xf32>
    %swap3A_104 = vector.shape_cast %swap3A_103 : vector<1x192x1x112xf32> to vector<192x112xf32>
    %swap3A_105 = vector.shape_cast %transpose3A_98 : vector<192x112xf32> to vector<1x192x1x112xf32>
    tpu.vector_store %arg6[%swap3A_99, %swap3A_100, %swap3A_101, %swap3A_102], %swap3A_105 {strides = array<i32>} : memref<1x192x16x112xf32, #tpu.memory_space<vmem>>, vector<1x192x1x112xf32>,
    %slice3A_106 = vector.extract_strided_slice %reshape3A_67 {offsets = [4, 0, 0], sizes = [1, 112, 192], strides = [1, 1, 1]} : vector<16x112x192xf32> to vector<1x112x192xf32>
    %squeeze3A_107 = vector.shape_cast %slice3A_106 : vector<1x112x192xf32> to vector<112x192xf32>
    %transpose3A_108 = tpu.transpose %squeeze3A_107, [1, 0] : vector<112x192xf32> -> vector<192x112xf32>
    %swap3A_109 = arith.constant 0 : index
    %swap3A_110 = arith.constant 0 : index
    %swap3A_111 = arith.constant 4 : index
    %swap3A_112 = arith.constant 0 : index
    %swap3A_113 = vector.load %arg6[%swap3A_109, %swap3A_110, %swap3A_111, %swap3A_112] : memref<1x192x16x112xf32, #tpu.memory_space<vmem>>, vector<1x192x1x112xf32>
    %swap3A_114 = vector.shape_cast %swap3A_113 : vector<1x192x1x112xf32> to vector<192x112xf32>
    %swap3A_115 = vector.shape_cast %transpose3A_108 : vector<192x112xf32> to vector<1x192x1x112xf32>
    tpu.vector_store %arg6[%swap3A_109, %swap3A_110, %swap3A_111, %swap3A_112], %swap3A_115 {strides = array<i32>} : memref<1x192x16x112xf32, #tpu.memory_space<vmem>>, vector<1x192x1x112xf32>,
    %slice3A_116 = vector.extract_strided_slice %reshape3A_67 {offsets = [5, 0, 0], sizes = [1, 112, 192], strides = [1, 1, 1]} : vector<16x112x192xf32> to vector<1x112x192xf32>
    %squeeze3A_117 = vector.shape_cast %slice3A_116 : vector<1x112x192xf32> to vector<112x192xf32>
    %transpose3A_118 = tpu.transpose %squeeze3A_117, [1, 0] : vector<112x192xf32> -> vector<192x112xf32>
    %swap3A_119 = arith.constant 0 : index
    %swap3A_120 = arith.constant 0 : index
    %swap3A_121 = arith.constant 5 : index
    %swap3A_122 = arith.constant 0 : index
    %swap3A_123 = vector.load %arg6[%swap3A_119, %swap3A_120, %swap3A_121, %swap3A_122] : memref<1x192x16x112xf32, #tpu.memory_space<vmem>>, vector<1x192x1x112xf32>
    %swap3A_124 = vector.shape_cast %swap3A_123 : vector<1x192x1x112xf32> to vector<192x112xf32>
    %swap3A_125 = vector.shape_cast %transpose3A_118 : vector<192x112xf32> to vector<1x192x1x112xf32>
    tpu.vector_store %arg6[%swap3A_119, %swap3A_120, %swap3A_121, %swap3A_122], %swap3A_125 {strides = array<i32>} : memref<1x192x16x112xf32, #tpu.memory_space<vmem>>, vector<1x192x1x112xf32>,
    %slice3A_126 = vector.extract_strided_slice %reshape3A_67 {offsets = [6, 0, 0], sizes = [1, 112, 192], strides = [1, 1, 1]} : vector<16x112x192xf32> to vector<1x112x192xf32>
    %squeeze3A_127 = vector.shape_cast %slice3A_126 : vector<1x112x192xf32> to vector<112x192xf32>
    %transpose3A_128 = tpu.transpose %squeeze3A_127, [1, 0] : vector<112x192xf32> -> vector<192x112xf32>
    %swap3A_129 = arith.constant 0 : index
    %swap3A_130 = arith.constant 0 : index
    %swap3A_131 = arith.constant 6 : index
    %swap3A_132 = arith.constant 0 : index
    %swap3A_133 = vector.load %arg6[%swap3A_129, %swap3A_130, %swap3A_131, %swap3A_132] : memref<1x192x16x112xf32, #tpu.memory_space<vmem>>, vector<1x192x1x112xf32>
    %swap3A_134 = vector.shape_cast %swap3A_133 : vector<1x192x1x112xf32> to vector<192x112xf32>
    %swap3A_135 = vector.shape_cast %transpose3A_128 : vector<192x112xf32> to vector<1x192x1x112xf32>
    tpu.vector_store %arg6[%swap3A_129, %swap3A_130, %swap3A_131, %swap3A_132], %swap3A_135 {strides = array<i32>} : memref<1x192x16x112xf32, #tpu.memory_space<vmem>>, vector<1x192x1x112xf32>,
    %slice3A_136 = vector.extract_strided_slice %reshape3A_67 {offsets = [7, 0, 0], sizes = [1, 112, 192], strides = [1, 1, 1]} : vector<16x112x192xf32> to vector<1x112x192xf32>
    %squeeze3A_137 = vector.shape_cast %slice3A_136 : vector<1x112x192xf32> to vector<112x192xf32>
    %transpose3A_138 = tpu.transpose %squeeze3A_137, [1, 0] : vector<112x192xf32> -> vector<192x112xf32>
    %swap3A_139 = arith.constant 0 : index
    %swap3A_140 = arith.constant 0 : index
    %swap3A_141 = arith.constant 7 : index
    %swap3A_142 = arith.constant 0 : index
    %swap3A_143 = vector.load %arg6[%swap3A_139, %swap3A_140, %swap3A_141, %swap3A_142] : memref<1x192x16x112xf32, #tpu.memory_space<vmem>>, vector<1x192x1x112xf32>
    %swap3A_144 = vector.shape_cast %swap3A_143 : vector<1x192x1x112xf32> to vector<192x112xf32>
    %swap3A_145 = vector.shape_cast %transpose3A_138 : vector<192x112xf32> to vector<1x192x1x112xf32>
    tpu.vector_store %arg6[%swap3A_139, %swap3A_140, %swap3A_141, %swap3A_142], %swap3A_145 {strides = array<i32>} : memref<1x192x16x112xf32, #tpu.memory_space<vmem>>, vector<1x192x1x112xf32>,
    %slice3A_146 = vector.extract_strided_slice %reshape3A_67 {offsets = [8, 0, 0], sizes = [1, 112, 192], strides = [1, 1, 1]} : vector<16x112x192xf32> to vector<1x112x192xf32>
    %squeeze3A_147 = vector.shape_cast %slice3A_146 : vector<1x112x192xf32> to vector<112x192xf32>
    %transpose3A_148 = tpu.transpose %squeeze3A_147, [1, 0] : vector<112x192xf32> -> vector<192x112xf32>
    %swap3A_149 = arith.constant 0 : index
    %swap3A_150 = arith.constant 0 : index
    %swap3A_151 = arith.constant 8 : index
    %swap3A_152 = arith.constant 0 : index
    %swap3A_153 = vector.load %arg6[%swap3A_149, %swap3A_150, %swap3A_151, %swap3A_152] : memref<1x192x16x112xf32, #tpu.memory_space<vmem>>, vector<1x192x1x112xf32>
    %swap3A_154 = vector.shape_cast %swap3A_153 : vector<1x192x1x112xf32> to vector<192x112xf32>
    %swap3A_155 = vector.shape_cast %transpose3A_148 : vector<192x112xf32> to vector<1x192x1x112xf32>
    tpu.vector_store %arg6[%swap3A_149, %swap3A_150, %swap3A_151, %swap3A_152], %swap3A_155 {strides = array<i32>} : memref<1x192x16x112xf32, #tpu.memory_space<vmem>>, vector<1x192x1x112xf32>,
    %slice3A_156 = vector.extract_strided_slice %reshape3A_67 {offsets = [9, 0, 0], sizes = [1, 112, 192], strides = [1, 1, 1]} : vector<16x112x192xf32> to vector<1x112x192xf32>
    %squeeze3A_157 = vector.shape_cast %slice3A_156 : vector<1x112x192xf32> to vector<112x192xf32>
    %transpose3A_158 = tpu.transpose %squeeze3A_157, [1, 0] : vector<112x192xf32> -> vector<192x112xf32>
    %swap3A_159 = arith.constant 0 : index
    %swap3A_160 = arith.constant 0 : index
    %swap3A_161 = arith.constant 9 : index
    %swap3A_162 = arith.constant 0 : index
    %swap3A_163 = vector.load %arg6[%swap3A_159, %swap3A_160, %swap3A_161, %swap3A_162] : memref<1x192x16x112xf32, #tpu.memory_space<vmem>>, vector<1x192x1x112xf32>
    %swap3A_164 = vector.shape_cast %swap3A_163 : vector<1x192x1x112xf32> to vector<192x112xf32>
    %swap3A_165 = vector.shape_cast %transpose3A_158 : vector<192x112xf32> to vector<1x192x1x112xf32>
    tpu.vector_store %arg6[%swap3A_159, %swap3A_160, %swap3A_161, %swap3A_162], %swap3A_165 {strides = array<i32>} : memref<1x192x16x112xf32, #tpu.memory_space<vmem>>, vector<1x192x1x112xf32>,
    %slice3A_166 = vector.extract_strided_slice %reshape3A_67 {offsets = [10, 0, 0], sizes = [1, 112, 192], strides = [1, 1, 1]} : vector<16x112x192xf32> to vector<1x112x192xf32>
    %squeeze3A_167 = vector.shape_cast %slice3A_166 : vector<1x112x192xf32> to vector<112x192xf32>
    %transpose3A_168 = tpu.transpose %squeeze3A_167, [1, 0] : vector<112x192xf32> -> vector<192x112xf32>
    %swap3A_169 = arith.constant 0 : index
    %swap3A_170 = arith.constant 0 : index
    %swap3A_171 = arith.constant 10 : index
    %swap3A_172 = arith.constant 0 : index
    %swap3A_173 = vector.load %arg6[%swap3A_169, %swap3A_170, %swap3A_171, %swap3A_172] : memref<1x192x16x112xf32, #tpu.memory_space<vmem>>, vector<1x192x1x112xf32>
    %swap3A_174 = vector.shape_cast %swap3A_173 : vector<1x192x1x112xf32> to vector<192x112xf32>
    %swap3A_175 = vector.shape_cast %transpose3A_168 : vector<192x112xf32> to vector<1x192x1x112xf32>
    tpu.vector_store %arg6[%swap3A_169, %swap3A_170, %swap3A_171, %swap3A_172], %swap3A_175 {strides = array<i32>} : memref<1x192x16x112xf32, #tpu.memory_space<vmem>>, vector<1x192x1x112xf32>,
    %slice3A_176 = vector.extract_strided_slice %reshape3A_67 {offsets = [11, 0, 0], sizes = [1, 112, 192], strides = [1, 1, 1]} : vector<16x112x192xf32> to vector<1x112x192xf32>
    %squeeze3A_177 = vector.shape_cast %slice3A_176 : vector<1x112x192xf32> to vector<112x192xf32>
    %transpose3A_178 = tpu.transpose %squeeze3A_177, [1, 0] : vector<112x192xf32> -> vector<192x112xf32>
    %swap3A_179 = arith.constant 0 : index
    %swap3A_180 = arith.constant 0 : index
    %swap3A_181 = arith.constant 11 : index
    %swap3A_182 = arith.constant 0 : index
    %swap3A_183 = vector.load %arg6[%swap3A_179, %swap3A_180, %swap3A_181, %swap3A_182] : memref<1x192x16x112xf32, #tpu.memory_space<vmem>>, vector<1x192x1x112xf32>
    %swap3A_184 = vector.shape_cast %swap3A_183 : vector<1x192x1x112xf32> to vector<192x112xf32>
    %swap3A_185 = vector.shape_cast %transpose3A_178 : vector<192x112xf32> to vector<1x192x1x112xf32>
    tpu.vector_store %arg6[%swap3A_179, %swap3A_180, %swap3A_181, %swap3A_182], %swap3A_185 {strides = array<i32>} : memref<1x192x16x112xf32, #tpu.memory_space<vmem>>, vector<1x192x1x112xf32>,
    %slice3A_186 = vector.extract_strided_slice %reshape3A_67 {offsets = [12, 0, 0], sizes = [1, 112, 192], strides = [1, 1, 1]} : vector<16x112x192xf32> to vector<1x112x192xf32>
    %squeeze3A_187 = vector.shape_cast %slice3A_186 : vector<1x112x192xf32> to vector<112x192xf32>
    %transpose3A_188 = tpu.transpose %squeeze3A_187, [1, 0] : vector<112x192xf32> -> vector<192x112xf32>
    %swap3A_189 = arith.constant 0 : index
    %swap3A_190 = arith.constant 0 : index
    %swap3A_191 = arith.constant 12 : index
    %swap3A_192 = arith.constant 0 : index
    %swap3A_193 = vector.load %arg6[%swap3A_189, %swap3A_190, %swap3A_191, %swap3A_192] : memref<1x192x16x112xf32, #tpu.memory_space<vmem>>, vector<1x192x1x112xf32>
    %swap3A_194 = vector.shape_cast %swap3A_193 : vector<1x192x1x112xf32> to vector<192x112xf32>
    %swap3A_195 = vector.shape_cast %transpose3A_188 : vector<192x112xf32> to vector<1x192x1x112xf32>
    tpu.vector_store %arg6[%swap3A_189, %swap3A_190, %swap3A_191, %swap3A_192], %swap3A_195 {strides = array<i32>} : memref<1x192x16x112xf32, #tpu.memory_space<vmem>>, vector<1x192x1x112xf32>,
    %slice3A_196 = vector.extract_strided_slice %reshape3A_67 {offsets = [13, 0, 0], sizes = [1, 112, 192], strides = [1, 1, 1]} : vector<16x112x192xf32> to vector<1x112x192xf32>
    %squeeze3A_197 = vector.shape_cast %slice3A_196 : vector<1x112x192xf32> to vector<112x192xf32>
    %transpose3A_198 = tpu.transpose %squeeze3A_197, [1, 0] : vector<112x192xf32> -> vector<192x112xf32>
    %swap3A_199 = arith.constant 0 : index
    %swap3A_200 = arith.constant 0 : index
    %swap3A_201 = arith.constant 13 : index
    %swap3A_202 = arith.constant 0 : index
    %swap3A_203 = vector.load %arg6[%swap3A_199, %swap3A_200, %swap3A_201, %swap3A_202] : memref<1x192x16x112xf32, #tpu.memory_space<vmem>>, vector<1x192x1x112xf32>
    %swap3A_204 = vector.shape_cast %swap3A_203 : vector<1x192x1x112xf32> to vector<192x112xf32>
    %swap3A_205 = vector.shape_cast %transpose3A_198 : vector<192x112xf32> to vector<1x192x1x112xf32>
    tpu.vector_store %arg6[%swap3A_199, %swap3A_200, %swap3A_201, %swap3A_202], %swap3A_205 {strides = array<i32>} : memref<1x192x16x112xf32, #tpu.memory_space<vmem>>, vector<1x192x1x112xf32>,
    %slice3A_206 = vector.extract_strided_slice %reshape3A_67 {offsets = [14, 0, 0], sizes = [1, 112, 192], strides = [1, 1, 1]} : vector<16x112x192xf32> to vector<1x112x192xf32>
    %squeeze3A_207 = vector.shape_cast %slice3A_206 : vector<1x112x192xf32> to vector<112x192xf32>
    %transpose3A_208 = tpu.transpose %squeeze3A_207, [1, 0] : vector<112x192xf32> -> vector<192x112xf32>
    %swap3A_209 = arith.constant 0 : index
    %swap3A_210 = arith.constant 0 : index
    %swap3A_211 = arith.constant 14 : index
    %swap3A_212 = arith.constant 0 : index
    %swap3A_213 = vector.load %arg6[%swap3A_209, %swap3A_210, %swap3A_211, %swap3A_212] : memref<1x192x16x112xf32, #tpu.memory_space<vmem>>, vector<1x192x1x112xf32>
    %swap3A_214 = vector.shape_cast %swap3A_213 : vector<1x192x1x112xf32> to vector<192x112xf32>
    %swap3A_215 = vector.shape_cast %transpose3A_208 : vector<192x112xf32> to vector<1x192x1x112xf32>
    tpu.vector_store %arg6[%swap3A_209, %swap3A_210, %swap3A_211, %swap3A_212], %swap3A_215 {strides = array<i32>} : memref<1x192x16x112xf32, #tpu.memory_space<vmem>>, vector<1x192x1x112xf32>,
    %slice3A_216 = vector.extract_strided_slice %reshape3A_67 {offsets = [15, 0, 0], sizes = [1, 112, 192], strides = [1, 1, 1]} : vector<16x112x192xf32> to vector<1x112x192xf32>
    %squeeze3A_217 = vector.shape_cast %slice3A_216 : vector<1x112x192xf32> to vector<112x192xf32>
    %transpose3A_218 = tpu.transpose %squeeze3A_217, [1, 0] : vector<112x192xf32> -> vector<192x112xf32>
    %swap3A_219 = arith.constant 0 : index
    %swap3A_220 = arith.constant 0 : index
    %swap3A_221 = arith.constant 15 : index
    %swap3A_222 = arith.constant 0 : index
    %swap3A_223 = vector.load %arg6[%swap3A_219, %swap3A_220, %swap3A_221, %swap3A_222] : memref<1x192x16x112xf32, #tpu.memory_space<vmem>>, vector<1x192x1x112xf32>
    %swap3A_224 = vector.shape_cast %swap3A_223 : vector<1x192x1x112xf32> to vector<192x112xf32>
    %swap3A_225 = vector.shape_cast %transpose3A_218 : vector<192x112xf32> to vector<1x192x1x112xf32>
    tpu.vector_store %arg6[%swap3A_219, %swap3A_220, %swap3A_221, %swap3A_222], %swap3A_225 {strides = array<i32>} : memref<1x192x16x112xf32, #tpu.memory_space<vmem>>, vector<1x192x1x112xf32>,
    return
  }
  func.func @transform_0(%arg0: i32, %arg1: i32) -> (i32, i32) {
    %c0_i32 = arith.constant 0 : i32
    %c0_i32_0 = arith.constant 0 : i32
    %c0_i32_1 = arith.constant 0 : i32
    return %c0_i32, %c0_i32_0 : i32, i32
  }
  func.func @transform_1(%arg0: i32, %arg1: i32) -> (i32, i32) {
    %c0_i32 = arith.constant 0 : i32
    %c0_i32_0 = arith.constant 0 : i32
    %c0_i32_1 = arith.constant 0 : i32
    return %c0_i32, %c0_i32_0 : i32, i32
  }
  func.func @transform_2(%arg0: i32, %arg1: i32) -> (i32, i32, i32, i32, i32) {
    %c0_i32 = arith.constant 0 : i32
    %c0_i32_0 = arith.constant 0 : i32
    %c0_i32_1 = arith.constant 0 : i32
    %c0_i32_2 = arith.constant 0 : i32
    return %arg0, %arg1, %c0_i32, %c0_i32_0, %c0_i32_1 : i32, i32, i32, i32, i32
  }
  func.func @transform_3(%arg0: i32, %arg1: i32) -> (i32, i32, i32, i32, i32) {
    %mul3A = arith.constant 4 : i32
    %mul3A_0 = arith.muli %mul3A, %arg1 : i32
    %add3A = arith.constant 4 : i32
    %add3A_1 = arith.addi %mul3A_0, %add3A : i32
    %min3A = arith.constant 28 : i32
    %min3A_2 = arith.minsi %add3A_1, %min3A : i32
    %c0_i32 = arith.constant 0 : i32
    %c0_i32_3 = arith.constant 0 : i32
    %c0_i32_4 = arith.constant 0 : i32
    %c0_i32_5 = arith.constant 0 : i32
    return %arg0, %min3A_2, %c0_i32, %c0_i32_3, %c0_i32_4 : i32, i32, i32, i32, i32
  }
  func.func @transform_4(%arg0: i32, %arg1: i32) -> (i32, i32, i32, i32) {
    %c0_i32 = arith.constant 0 : i32
    %c0_i32_0 = arith.constant 0 : i32
    %c0_i32_1 = arith.constant 0 : i32
    return %arg0, %c0_i32, %arg1, %c0_i32_0 : i32, i32, i32, i32
  }
}

</mosaic_0001>

<sc_bundles>
// kernel: gather_offload_async_start
scs
__scs_entry_jumppad:
0x0: {  	(pc) =	sbr.rel $0x88, $3  }
0x1: {  	(tag) =	ssettag $0x0;
	lr =	simm.s32 $0x1  }
0x2: {  	[smem:$0x3F9D] =	sst lr;
	_ =	strace $0xD0000000  }
0x3: {  	_ = 	snop  }
0x4: {  	_ = 	snop  }
0x5: {  	_ = 	snop  }
0x6: {  	_ = 	snop  }
0x7: {  	_ = 	snop  }
__scs_overlays_trampoline_lowered:
0x8: {  	[smem:$0x3FAC] =	sst s0  }
0x9: {  	[smem:$0x3FAD] =	sst s1  }
0xa: {  	[smem:$0x3FAE] =	sst s2  }
0xb: {  	[smem:$0x3FAF] =	sst s3  }
0xc: {  	[smem:$0x3FB0] =	sst s4  }
0xd: {  	[smem:$0x3FB1] =	sst s5  }
0xe: {  	[smem:$0x3FB2] =	sst s6  }
0xf: {  	[smem:$0x3FB3] =	sst s7  }
0x10: {  	[smem:$0x3FB4] =	sst s8  }
0x11: {  	[smem:$0x3FB5] =	sst s9;
	s0 =	simm.s32 @!p0 $0x0  }
0x12: {  	s1 =	sld [smem:$0x3F9B];
	s0 =	simm.s32 @p0 $0x1  }
0x13: {  	[smem:$0x3FB6] =	sst s0;
	s0 =	simm.s32 @!p1 $0x0  }
0x14: {  	s2 =	sld [smem:$0x3F9A];
	s0 =	simm.s32 @p1 $0x1  }
0x15: {  	[smem:$0x3FB7] =	sst s0;
	s0 =	simm.s32 @!p2 $0x0  }
0x16: {  	s3 =	sld [smem:$0x3FDB];
	s0 =	simm.s32 @p2 $0x1  }
0x17: {  	s4 =	simm.s32 $0x1BF5;
	[smem:$0x3FB9] =	sst s0  }
0x18: {  	s0 =	sld [smem:$0x3F9C];
	_ =	swait.ge [sflag:s4], $0x0  }
0x19: {  	s7 =	sld [smem:$0x3F9D]  }
0x1a: {  	s8 =	sadd.s32 $0xFFFFE003, lr  }
0x1b: {  	s9 =	sadd.s32 $0xFFFFFEF7, lr;
	s5 =	simm.s32 $0xFFFFFFFF;
	p2 =	slt.u32 s8, $0xFFFFF086  }
0x1c: {  	p1 =	slt.u32 s9, $0xF7A;
	s5 =	simm.s32 @!p2 $0x0  }
0x1d: {  	s5 =	simm.s32 @p1 $0x1;
	p0 =	seq.s32 s7, s2  }
0x1e: {  	s7 =	smul.u32 @!p0 $0xF7A, s2;
	p2 =	seq.s32 @!p0 s5, $0x0  }
0x1f: {  	s9 =	smul.u32 $0xF7A, s1;
	s8 =	simm.s32 @!p0 $0x1BF5;
	p2 =	por !p2, p0  }
0x20: {  	[sflag:s8] =	ssyncset.s32 @!p0 $0xFFFFF086;
	s6 =	sadd.s32 @!p0 s3, s7;
	s7 =	simm.s32 @!p0 $0x108  }
0x21: {  	s3 =	sadd.s32 s3, s9;
	s6 =	sadd.s32 @!p0 $0x88, s6;
	s7 =	simm.s32 @p2 $0x1082  }
0x22: {  	[simem:s7], [sflag:s8] =	dma.local @!p0 [hbm:s6], $0xF7A  }
0x23: {  	s9 =	sor.u32 $0xD0000000, s2;
	s6 =	simm.s32 $0x108;
	_ =	swait.ge @!p0 [sflag:s8], $0x0  }
0x24: {  	s3 =	sadd.s32 $0x88, s3;
	s6 =	simm.s32 @!p1 $0x1082;
	[sflag:s4] =	ssyncset.s32 $0xFFFFF086  }
0x25: {  	[simem:s6], [sflag:s4] =	dma.local [hbm:s3], $0xF7A  }
0x26: {  	[smem:$0x3F9D] =	sst s1;
	(tag) =	ssettag s2;
	_ =	strace s9  }
0x27: {  	s1 =	sld [smem:$0x3FAD]  }
0x28: {  	s2 =	sld [smem:$0x3FAE]  }
0x29: {  	s4 =	sld [smem:$0x3FB0]  }
0x2a: {  	p0 =	seq.s32 s5, $0x0;
	s5 =	sld [smem:$0x3FB1]  }
0x2b: {  	s6 =	sld [smem:$0x3FB2]  }
0x2c: {  	s7 =	sld [smem:$0x3FB3]  }
0x2d: {  	s3 =	simm.s32 $0x108;
	s8 =	sld [smem:$0x3FB4]  }
0x2e: {  	s3 =	simm.s32 @!p0 $0x1082;
	s9 =	sld [smem:$0x3FB5]  }
0x2f: {  	lr =	sadd.s32 s0, s3;
	s0 =	sld [smem:$0x3FAC]  }
0x30: {  	s3 =	sld [smem:$0x3FAF]  }
0x31: {  	[smem:$0x3FB8] =	sst s10  }
0x32: {  	s10 =	sld [smem:$0x3FB6];
	_ =	sdelay $0x3  }
0x33: {  	p0 =	seq.s32 s10, $0x1;
	s10 =	sld [smem:$0x3FB8];
	_ =	sdelay $0x3  }
0x34: {  	[smem:$0x3FB8] =	sst s10  }
0x35: {  	s10 =	sld [smem:$0x3FB7];
	_ =	sdelay $0x3  }
0x36: {  	p1 =	seq.s32 s10, $0x1;
	s10 =	sld [smem:$0x3FB8];
	_ =	sdelay $0x3  }
0x37: {  	[smem:$0x3FB8] =	sst s10  }
0x38: {  	s10 =	sld [smem:$0x3FB9]  }
0x39: {  	_ = 	snop;
	(pc) =	sbr.ind lr, $3  }
0x3a: {  	_ = 	snop  }
0x3b: {  	_ = 	snop  }
0x3c: {  	p2 =	seq.s32 s10, $0x1;
	s10 =	sld [smem:$0x3FB8]  }
0x3d: {  	_ =	shalt  }
0x3e: {  	_ =	shalt  }
0x3f: {  	_ =	shalt  }
0x40: {  	_ =	shalt  }
0x41: {  	_ =	shalt  }
0x42: {  	_ =	shalt  }
0x43: {  	_ =	shalt  }
0x44: {  	_ =	shalt  }
0x45: {  	_ =	shalt  }
0x46: {  	_ =	shalt  }
0x47: {  	_ =	shalt  }
0x48: {  	_ =	shalt  }
0x49: {  	_ =	shalt  }
0x4a: {  	_ =	shalt  }
0x4b: {  	_ =	shalt  }
0x4c: {  	_ =	shalt  }
0x4d: {  	_ =	shalt  }
0x4e: {  	_ =	shalt  }
0x4f: {  	_ =	shalt  }
0x50: {  	_ =	shalt  }
0x51: {  	_ =	shalt  }
0x52: {  	_ =	shalt  }
0x53: {  	_ =	shalt  }
0x54: {  	_ =	shalt  }
0x55: {  	_ =	shalt  }
0x56: {  	_ =	shalt  }
0x57: {  	_ =	shalt  }
0x58: {  	_ =	shalt  }
0x59: {  	_ =	shalt  }
0x5a: {  	_ =	shalt  }
0x5b: {  	_ =	shalt  }
0x5c: {  	_ =	shalt  }
0x5d: {  	_ =	shalt  }
0x5e: {  	_ =	shalt  }
0x5f: {  	_ =	shalt  }
0x60: {  	_ =	shalt  }
0x61: {  	_ =	shalt  }
0x62: {  	_ =	shalt  }
0x63: {  	_ =	shalt  }
0x64: {  	_ =	shalt  }
0x65: {  	_ =	shalt  }
0x66: {  	_ =	shalt  }
0x67: {  	_ =	shalt  }
0x68: {  	_ =	shalt  }
0x69: {  	_ =	shalt  }
0x6a: {  	_ =	shalt  }
0x6b: {  	_ =	shalt  }
0x6c: {  	_ =	shalt  }
0x6d: {  	_ =	shalt  }
0x6e: {  	_ =	shalt  }
0x6f: {  	_ =	shalt  }
0x70: {  	_ =	shalt  }
0x71: {  	_ =	shalt  }
0x72: {  	_ =	shalt  }
0x73: {  	_ =	shalt  }
0x74: {  	_ =	shalt  }
0x75: {  	_ =	shalt  }
0x76: {  	_ =	shalt  }
0x77: {  	_ =	shalt  }
0x78: {  	_ =	shalt  }
0x79: {  	_ =	shalt  }
0x7a: {  	_ =	shalt  }
0x7b: {  	_ =	shalt  }
0x7c: {  	_ =	shalt  }
0x7d: {  	_ =	shalt  }
0x7e: {  	_ =	shalt  }
0x7f: {  	_ =	shalt  }
0x80: {  	_ =	shalt  }
0x81: {  	_ =	shalt  }
0x82: {  	_ =	shalt  }
0x83: {  	_ =	shalt  }
0x84: {  	_ =	shalt  }
0x85: {  	_ =	shalt  }
0x86: {  	_ =	shalt  }
0x87: {  	_ =	shalt  }
.Lfunc_end0:
.L_simem_size_0:
called_computation.1_lowered:
.L_overlay_start_0:
0x88: {  	s2 =	sld [smem:$0x3FD9]  }
0x89: {  	s3 =	sld [smem:$0x3FFE];
	_ =	sdelay $0x1  }
0x8a: {  	s1 =	srdreg.scid  }
0x8b: {  	s0 =	sand.u32 $0x1, s1  }
0x8c: {  	s17 =	sshll.u32 s0, $0xA;
	s2 =	sadd.s32 s3, s2  }
0x8d: {  	s2 =	sadd.s32 s2, s17  }
0x8e: {  	[smem:$0x3FC4] =	sst s2  }
0x8f: {  	_ = 	snop  }
0x90: {  	s2 =	sld [smem:$0x3FC7];
	(tm) =	ssettm $0x1  }
0x91: {  	s18 =	sld [smem:$0x3FFB];
	_ =	sdelay $0x3  }
0x92: {  	_ =	strace s18  }
0x93: {  	s3 =	sld [smem:$0x3FFC];
	_ =	sdelay $0x3  }
0x94: {  	_ =	strace s3  }
0x95: {  	s3 =	sld [smem:$0x3FFD];
	_ =	sdelay $0x3  }
0x96: {  	_ =	strace s3  }
0x97: {  	_ =	strace $0x8FFFFFFF  }
0x98: {  	s19 =	sld [smem:$0x3FDB];
	_ =	sdelay $0x1  }
0x99: {  	s4 =	simm.s32 $_scs_section_size  }
0x9a: {  	s5 =	simm.s32 $_size__tile_overlayer_lowered;
	s6 =	simm.s32 $_tile_overlayer_lowered  }
0x9b: {  	s22 =	simm.s32 $0x1BFF;
	s21 =	sshll.u32 s6, $0x1;
	s3 =	sadd.s32 s4, s19  }
0x9c: {  	s7 =	simm.s32 $0x0;
	s20 =	sshll.u32 s5, $0x1;
	s5 =	sadd.s32 s21, s3  }
0x9d: {  	[timem:s7], [sflag:s22] =	dma.local [hbm:s5], s20  }
0x9e: {  	_ =	swait.ge [sflag:s22], s20  }
0x9f: {  	s4 =	ssub.s32 $0x0, s20;
	[sflag:s22] =	ssyncset.done $0x0  }
0xa0: {  	[sflag:s22] =	ssyncadd.s32 s4;
	_ =	sdelay $0x1  }
0xa1: {  	s23 =	simm.s32 $0x1B8B  }
0xa2: {  	_ =	swait.ge [sflag:s23], $0x1  }
0xa3: {  	[sflag:s23] =	ssyncset.done $0x0  }
0xa4: {  	s25 =	simm.s32 $0x1B8E;
	s24 =	sld [smem:$0x3FFE];
	[sflag:s23] =	ssyncadd.s32 $0xFFFFFFFF  }
0xa5: {  	s26 =	simm.s32 $execute0_lowered;
	[smem:$0x3FD2] =	sst s25  }
0xa6: {  	s5 =	sshll.u32 s26, $0x1;
	_ =	strace $0x80000046;
	[dreg:$0x1] =	wrdreg $0xFFFFFFFF  }
0xa7: {  	s28 =	simm.s32 $_size_execute0_lowered;
	s3 =	sadd.s32 s3, s5;
	[dreg:$0x0] =	wrdreg $0x0  }
0xa8: {  	s5 =	sshll.u32 s28, $0x1;
	[dreg:$0x2] =	wrdreg s3  }
0xa9: {  	[dreg:$0x3] =	wrdreg s5  }
0xaa: {  	[dreg:$0x4] =	wrdreg $0xC0  }
0xab: {  	_ =	task [dreg:s7], $0x5FFFF  }
0xac: {  	[dreg:$0x1] =	wrdreg $0xFFFFFFFF  }
0xad: {  	[dreg:$0x0] =	wrdreg $0x60  }
0xae: {  	[dreg:$0x2] =	wrdreg s2  }
0xaf: {  	[dreg:$0x3] =	wrdreg s24  }
0xb0: {  	[dreg:$0x4] =	wrdreg $0xA  }
0xb1: {  	_ =	task.clear_ibuf [dreg:s7], $0x5FFFF;
	_ =	strace $0x90000046  }
0xb2: {  	s29 =	simm.s32 $0xA;
	_ =	strace $0x80000048  }
0xb3: {  	_ =	swait.ge [sflag:s29], $0x1  }
0xb4: {  	[sflag:s29] =	ssyncadd.s32 $0xFFFFFFFF  }
0xb5: {  	_ =	strace $0x90000048  }
0xb6: {  	_ =	sfence  }
0xb7: {  	s30 =	sld [smem:$0x0];
	_ =	sdelay $0x2  }
0xb8: {  	s31 =	sshll.u32 s1, $0xD;
	s1 =	sshrl.u32 s1, $0x2  }
0xb9: {  	s3 =	sand.u32 $0x4000, s31;
	s1 =	sadd.s32 s1, s30  }
0xba: {  	s0 =	sor.u32 s3, s0;
	s1 =	sshll.u32 s1, $0x11  }
0xbb: {  	s0 =	sor.u32 s1, s0  }
0xbc: {  	s0 =	sadd.s32 $0x8F2B, s0  }
0xbd: {  	[sflag:s0] =	ssyncadd.remote.s32 $0x1  }
0xbe: {  	_ =	sfence.sel $0xFFFF  }
0xbf: {  	[dreg:$0x0] =	wrdreg $0xFFFFFFFF;
	(pc) =	sbr.abs _section_cstart, $3  }
0xc0: {  	[dreg:$0x1] =	wrdreg $0xFFFFFFFF  }
0xc1: {  	_ =	task.clear_ibuf [dreg:s7], $0x2FFFF;
	_ =	strace $0x9FFFFFFF  }
0xc2: {  	(tm) =	ssettm $0x7FFFFFFF  }
0xc3: {  	_ =	shalt  }
tec
execute0_lowered:
.L_overlay_start_1:
0x0: {  	(tag) =	ssettag $0x1  }
0x1: {  	s2 =	rddreg [dreg:$0x0];
	s0 =	stileid.u32  }
0x2: {  	s1 =	srdreg.scid;
	s8 =	rddreg [dreg:$0x1]  }
0x3: {  	s5 =	simm.s32 $0x1;
	s9 =	simm.s32 $0x1;
	s10 =	simm.s32 $0x3  }
0x4: {  	s13 =	simm.s32 $0x0;
	s3 =	sand.u32 $0x1, s1;
	s4 =	sshll.u32 s0, $0x1  }
0x5: {  	s12 =	simm.s32 $0x0;
	s1 =	rddreg [dreg:$0x2];
	s6 =	sor.u32 s4, s3  }
0x6: {  	_ =	strace $0x80000047;
	s3 =	sadd.s32 $0x600, s8;
	s4 =	smul.u32 $0x90, s6  }
0x7: {  	[sflag:s5] =	ssyncpa.u1 $0x0;
	p0 =	slt.u32 s6, $0x5;
	s6 =	simm.s32 $0x1200  }
.Ltmp0:
0x8: {  	s6 =	simm.s32 @!p0 $0x0;
	s7 =	ssub.s32 $0x1440, s4;
	(pc) =	sbr.rel .LBB2_1-.Ltmp0, $4  }
0x9: {  	s9 =	simm.s32 @!p0 $0x0;
	p0 =	sne.s32 s7, s6;
	s7 =	simm.s32 $0x1  }
0xa: {  	s8 =	sadd.s32 $0xA00, s8;
	s6 =	simm.s32 $0x2;
	s7 =	simm.s32 @!p0 $0x0  }
0xb: {  	s11 =	smov.u32 s4;
	[sflag:s6] =	ssyncpa.u1 $0x0;
	s7 =	sadd.s32 s9, s7  }
0xc: {  	vm0 =	vmmov $0xffff;
	[sflag:s10] =	ssyncpa.u1 $0x0;
	s10 =	simm.s32 $0x0;
	s9 =	sadd.s32 $0x1, s7  }
.LBB2_4:
0xd: {  	v0 =	vand.u32 $0xFF, v0;
	v3 =	vand.u32 $0x3, v3;
	v4 =	vand.u32 $0x3, v4  }
0xe: {  	v0 =	vsel vm1, $0xFFFFFFFF, v0;
	v4 =	vsel vm1, $0xFFFFFFFF, v4;
	v3 =	vmul.u32 $0xC00, v3  }
0xf: {  	v5 =	vand.u32 $0x7F, v0;
	v6 =	vand.u32 $0xFFFFFC00, v4;
	v0 =	vshll.u32 v0, $0x2  }
0x10: {  	v2 =	vadd.s32 v2, v3;
	v0 =	vand.u32 $0xFFFFFE00, v0;
	v62 =	vor.u32 v5, v6  }
0x11: {  	v4 =	vshll.u32 v4, $0x7;
	v2 =	vsel vm1, $0xFFFFF000, v2;
	v0 =	vadd.s32 v0, v62  }
0x12: {  	v63 =	vand.u32 $0x180, v4;
	v0 =	vadd.s32 v2, v0  }
0x13: {  	v0 =	vor.u32 v63, v0;
	_ =	sdelay $0x1  }
0x14: {  	(ifvalue) =	ssetifvalue $0x7FFFFFFF;
	s15 =	sadd.s32 $0x10, s15  }
0x15: {  	[tilespmem:s15], [sflag:$0x1] =	stream.indirect_vreg.gather [hbm4b:s2+s10], $0x1, v1, vm0, $0x4038;
	[tilespmem:$0x240] =	vst v63  }
0x16: {  	(ifvalue) =	ssetifvalue $0x7FFFFFFF;
	s15 =	sadd.s32 $0x10, s15  }
0x17: {  	[tilespmem:s15], [sflag:$0x1] =	stream.indirect_vreg.gather [hbm4b:s2+s10], $0x1, v0, vm0, $0x4038;
	[tilespmem:$0x240] =	vst v63  }
0x18: {  	_ =	swait.ge [sflag:s5], $0x90  }
0x19: {  	s30 =	sshrl.u32 s13, $0x3;
	[sflag:s5] =	ssyncset.done $0x0  }
0x1a: {  	s31 =	sand.u32 $0x7, s13;
	s15 =	sadd.s32 s8, s30;
	[sflag:s5] =	ssyncadd.s32 $0xFFFFFF70  }
0x1b: {  	[hbm4b:s15+s31] =	stream.linear.scatter [tilespmem:s14], [sflag:$0x3], $0x90, $0x38;
	[tilespmem:$0x240] =	vst v63  }
.LBB2_5:
0x1c: {  	s15 =	sadd.s32 $0x1200, s11  }
0x1d: {  	p1 =	sgt.s32 s15, $0x143F  }
0x1e: {  	s15 =	smov.u32 @p1 s4;
	p1 =	sne.s32 s12, s9  }
.Ltmp1:
0x1f: {  	p0 =	slt.u32 s12, $0x2;
	(pc) =	sbr.rel @!p1 .LBB2_6-.Ltmp1, $4  }
0x20: {  	s14 =	simm.s32 @!p0 $0x3  }
0x21: {  	_ =	swait.ge @!p0 [sflag:s14], $0x90  }
0x22: {  	s16 =	sadd.s32 $0x1, s12;
	s13 =	smov.u32 s11;
	[sflag:s14] =	ssyncset.done @!p0 $0x0  }
0x23: {  	s12 =	smov.u32 s16;
	s11 =	smov.u32 s15;
	[sflag:s14] =	ssyncadd.s32 @!p0 $0xFFFFFF70  }
.LBB2_1:
0x24: {  	p0 =	sge.u32 s12, s7  }
0x25: {  	s14 =	sxor.u32 @!p0 $0x1, s12  }
0x26: {  	s14 =	smul.u32 @!p0 $0x240, s14  }
0x27: {  	s31 =	sadd.s32 $0xFFFFFFFF, s12;
	s15 =	sshrl.u32 @!p0 s11, $0x3  }
0x28: {  	s16 =	sand.u32 @!p0 $0x7, s11;
	s15 =	sadd.s32 @!p0 s3, s15;
	s14 =	sshra.s32 @!p0 s14, $0x2  }
0x29: {  	[tilespmem:s14], [sflag:$0x2] =	stream.linear.gather @!p0 [hbm4b:s15+s16], $0x90, $0x38;
	[tilespmem:$0x240] =	vst v63  }
0x2a: {  	p0 =	sge.u32 s31, s7  }
.Ltmp2:
0x2b: {  	_ = 	snop;
	(pc) =	sbr.rel @p0 .LBB2_5-.Ltmp2, $1  }
0x2c: {  	_ =	sdelay $0x3  }
0x2d: {  	s14 =	sand.u32 $0x1, s12  }
0x2e: {  	_ =	swait.ge [sflag:s6], $0x90;
	p0 =	seq.s32 s14, $0x1;
	s14 =	simm.s32 $0x90  }
0x2f: {  	[sflag:s6] =	ssyncset.done $0x0;
	s14 =	simm.s32 @!p0 $0x0  }
0x30: {  	[sflag:s6] =	ssyncadd.s32 $0xFFFFFF70;
	(ifvalue) =	ssetifvalue $0x7FFFFFFF;
	v0 =	vld.msk [tilespmem:s14+$0x0 ss:$0x1], $0xffff;
	_ =	sdelay $0x4  }
0x31: {  	v1 =	vand.u32 $0xC00, v0;
	vm1 =	veq.s32 v0, $0x80000000;
	v3 =	vshrl.u32 v0, $0xC  }
0x32: {  	s15 =	sadd.s32 $0x10, s14;
	v2 =	vshrl.u32 v0, $0x8;
	v0 =	vand.u32 $0xFF, v0;
	v3 =	vand.u32 $0x3, v3  }
0x33: {  	v4 =	vld.msk [tilespmem:s15+$0x0 ss:$0x1], $0xffff;
	v2 =	vand.u32 $0x3, v2;
	v0 =	vsel vm1, $0xFFFFFFFF, v0;
	v3 =	vsel vm1, $0xFFFFFFFF, v3  }
0x34: {  	v2 =	vmul.u32 $0xC00, v2;
	v5 =	vand.u32 $0x7F, v0;
	v0 =	vshll.u32 v0, $0x2  }
0x35: {  	v6 =	vand.u32 $0xFFFFFC00, v3;
	v0 =	vand.u32 $0xFFFFFE00, v0  }
0x36: {  	v3 =	vshll.u32 v3, $0x7;
	v1 =	vadd.s32 v1, v2;
	v2 =	vor.u32 v5, v6  }
0x37: {  	v1 =	vsel vm1, $0xFFFFF000, v1;
	v0 =	vadd.s32 v0, v2;
	v2 =	vand.u32 $0x180, v3  }
0x38: {  	vm1 =	veq.s32 v4, $0x80000000;
	v3 =	vshrl.u32 v4, $0xC;
	v0 =	vadd.s32 v1, v0  }
0x39: {  	v1 =	vand.u32 $0xC00, v4;
	v2 =	vor.u32 v2, v0;
	v0 =	vshrl.u32 v4, $0x8  }
0x3a: {  	s15 =	sadd.s32 $0x10, s15;
	v3 =	vand.u32 $0x3, v3;
	v4 =	vand.u32 $0xFF, v4;
	v5 =	vand.u32 $0x3, v0  }
0x3b: {  	v3 =	vsel vm1, $0xFFFFFFFF, v3;
	v0 =	vld.msk [tilespmem:s15+$0x0 ss:$0x1], $0xffff;
	v4 =	vsel vm1, $0xFFFFFFFF, v4;
	v5 =	vmul.u32 $0xC00, v5  }
0x3c: {  	v7 =	vand.u32 $0xFFFFFC00, v3;
	v6 =	vand.u32 $0x7F, v4;
	v4 =	vshll.u32 v4, $0x2  }
0x3d: {  	v4 =	vand.u32 $0xFFFFFE00, v4;
	v1 =	vadd.s32 v1, v5;
	v5 =	vor.u32 v6, v7  }
0x3e: {  	v3 =	vshll.u32 v3, $0x7;
	v1 =	vsel vm1, $0xFFFFF000, v1;
	v4 =	vadd.s32 v4, v5  }
0x3f: {  	s14 =	sor.u32 $0x120, s14;
	(ifvalue) =	ssetifvalue $0x7FFFFFFF;
	v3 =	vand.u32 $0x180, v3;
	v1 =	vadd.s32 v1, v4  }
0x40: {  	[tilespmem:s14], [sflag:$0x1] =	stream.indirect_vreg.gather [hbm4b:s2+s10], $0x1, v2, vm0, $0x4038;
	v2 =	vand.u32 $0xC00, v0;
	v1 =	vor.u32 v3, v1;
	[tilespmem:$0x240] =	vst v63  }
0x41: {  	s16 =	simm.s32 $0x20;
	s17 =	sadd.s32 $0x10, s15;
	s15 =	smov.u32 s14;
	vm1 =	veq.s32 v0, $0x80000000;
	v4 =	vshrl.u32 v0, $0xC;
	v3 =	vshrl.u32 v0, $0x8  }
.LBB2_3:
0x42: {  	v5 =	vand.u32 $0xFF, v0;
	v0 =	vld.msk [tilespmem:s17+$0x0 ss:$0x1], $0xffff;
	v3 =	vand.u32 $0x3, v3;
	v4 =	vand.u32 $0x3, v4  }
0x43: {  	s16 =	sadd.s32 $0x10, s16;
	v5 =	vsel vm1, $0xFFFFFFFF, v5;
	v4 =	vsel vm1, $0xFFFFFFFF, v4;
	v3 =	vmul.u32 $0xC00, v3  }
0x44: {  	s15 =	sadd.s32 $0x10, s15;
	p0 =	slt.u32 s16, $0x80;
	v6 =	vand.u32 $0x7F, v5;
	v7 =	vand.u32 $0xFFFFFC00, v4;
	v5 =	vshll.u32 v5, $0x2;
	(ifvalue) =	ssetifvalue $0x7FFFFFFF  }
0x45: {  	[tilespmem:s15], [sflag:$0x1] =	stream.indirect_vreg.gather [hbm4b:s2+s10], $0x1, v1, vm0, $0x4038;
	[tilespmem:$0x240] =	vst v63  }
.Ltmp3:
0x46: {  	v2 =	vadd.s32 v2, v3;
	v3 =	vand.u32 $0xFFFFFE00, v5;
	v5 =	vor.u32 v6, v7;
	(pc) =	sbr.rel @p0 .LBB2_3-.Ltmp3, $4  }
0x47: {  	v1 =	vsel vm1, $0xFFFFF000, v2;
	v2 =	vshll.u32 v4, $0x7;
	v3 =	vadd.s32 v3, v5  }
0x48: {  	v4 =	vand.u32 $0x180, v2;
	v1 =	vadd.s32 v1, v3  }
0x49: {  	v2 =	vand.u32 $0xC00, v0;
	v1 =	vor.u32 v4, v1  }
0x4a: {  	s17 =	sadd.s32 $0x10, s17;
	vm1 =	veq.s32 v0, $0x80000000;
	v3 =	vshrl.u32 v0, $0x8;
	v4 =	vshrl.u32 v0, $0xC  }
.Ltmp4:
0x4b: {  	_ = 	snop;
	(pc) =	sbr.rel .LBB2_4-.Ltmp4, $1  }
0x4c: {  	_ =	sdelay $0x3  }
.LBB2_6:
0x4d: {  	_ =	sfence.sel $0x180000  }
0x4e: {  	s2 =	simm.s32 $0x2;
	[bflag:$0x0] =	sbarrier.arrive $0xFFFF  }
0x4f: {  	s30 =	simm.s32 $0x3;
	[sflag:s2] =	ssyncpa.u1 $0x1  }
0x50: {  	s31 =	simm.s32 $0x1;
	[sflag:s30] =	ssyncpa.u1 $0x1  }
0x51: {  	[sflag:s31] =	ssyncpa.u1 $0x1  }
0x52: {  	p0 =	sne.s32 s0, $0x0;
	_ =	strace $0x90000047  }
0x53: {  	s0 =	sadd.s32 @!p0 $0x100000, s1;
	[bflag:$0x2] =	sbarrier.arrive $0xFFFF  }
0x54: {  	[sflag:s0] =	ssyncadd.tile.s32 @!p0 $0x1;
	_ =	shalt  }
.Lfunc_end2:
_tile_overlayer_lowered:
.L_overlay_start_2:
0x55: {  	(tag) =	ssettag $0x2  }
0x56: {  	s0 =	rddreg [dreg:$0x0];
	s2 =	stileid.u32  }
0x57: {  	s1 =	rddreg [dreg:$0x1];
	p0 =	sne.s32 s2, $0x0  }
0x58: {  	s3 =	rddreg [dreg:$0x2];
	[bflag:$0x3] =	sbarrier.arrive $0xFFFF;
	s2 =	simm.s32 @!p0 $0x1C01  }
0x59: {  	[timem:s3], [sflag:s2] =	dma.local @!p0 [hbm:s0], s1  }
0x5a: {  	s0 =	simm.s32 @!p0 $0x1  }
0x5b: {  	_ =	swait.ge @!p0 [sflag:s0], s1  }
0x5c: {  	s1 =	ssub.s32 @!p0 $0x0, s1;
	[sflag:s0] =	ssyncset.done @!p0 $0x0  }
0x5d: {  	[sflag:s0] =	ssyncadd.s32 @!p0 s1  }
0x5e: {  	[bflag:$0x3] =	sbarrier.arrive $0xFFFF  }
0x5f: {  	_ =	shalt  }

// kernel: kernel.4.cloned.1.call-start
scs
__scs_entry_jumppad:
0x0: {  	(pc) =	sbr.rel $0x88, $3  }
0x1: {  	(tag) =	ssettag $0x0;
	lr =	simm.s32 $0x1  }
0x2: {  	[smem:$0x3F9D] =	sst lr;
	_ =	strace $0xD0000000  }
0x3: {  	_ = 	snop  }
0x4: {  	_ = 	snop  }
0x5: {  	_ = 	snop  }
0x6: {  	_ = 	snop  }
0x7: {  	_ = 	snop  }
__scs_overlays_trampoline_lowered:
0x8: {  	[smem:$0x3FAC] =	sst s0  }
0x9: {  	[smem:$0x3FAD] =	sst s1  }
0xa: {  	[smem:$0x3FAE] =	sst s2  }
0xb: {  	[smem:$0x3FAF] =	sst s3  }
0xc: {  	[smem:$0x3FB0] =	sst s4  }
0xd: {  	[smem:$0x3FB1] =	sst s5  }
0xe: {  	[smem:$0x3FB2] =	sst s6  }
0xf: {  	[smem:$0x3FB3] =	sst s7  }
0x10: {  	[smem:$0x3FB4] =	sst s8  }
0x11: {  	[smem:$0x3FB5] =	sst s9;
	s0 =	simm.s32 @!p0 $0x0  }
0x12: {  	s1 =	sld [smem:$0x3F9B];
	s0 =	simm.s32 @p0 $0x1  }
0x13: {  	[smem:$0x3FB6] =	sst s0;
	s0 =	simm.s32 @!p1 $0x0  }
0x14: {  	s2 =	sld [smem:$0x3F9A];
	s0 =	simm.s32 @p1 $0x1  }
0x15: {  	[smem:$0x3FB7] =	sst s0;
	s0 =	simm.s32 @!p2 $0x0  }
0x16: {  	s3 =	sld [smem:$0x3FDB];
	s0 =	simm.s32 @p2 $0x1  }
0x17: {  	s4 =	simm.s32 $0x1BF5;
	[smem:$0x3FB9] =	sst s0  }
0x18: {  	s0 =	sld [smem:$0x3F9C];
	_ =	swait.ge [sflag:s4], $0x0  }
0x19: {  	s7 =	sld [smem:$0x3F9D]  }
0x1a: {  	s8 =	sadd.s32 $0xFFFFE003, lr  }
0x1b: {  	s9 =	sadd.s32 $0xFFFFFEF7, lr;
	s5 =	simm.s32 $0xFFFFFFFF;
	p2 =	slt.u32 s8, $0xFFFFF086  }
0x1c: {  	p1 =	slt.u32 s9, $0xF7A;
	s5 =	simm.s32 @!p2 $0x0  }
0x1d: {  	s5 =	simm.s32 @p1 $0x1;
	p0 =	seq.s32 s7, s2  }
0x1e: {  	s7 =	smul.u32 @!p0 $0xF7A, s2;
	p2 =	seq.s32 @!p0 s5, $0x0  }
0x1f: {  	s9 =	smul.u32 $0xF7A, s1;
	s8 =	simm.s32 @!p0 $0x1BF5;
	p2 =	por !p2, p0  }
0x20: {  	[sflag:s8] =	ssyncset.s32 @!p0 $0xFFFFF086;
	s6 =	sadd.s32 @!p0 s3, s7;
	s7 =	simm.s32 @!p0 $0x108  }
0x21: {  	s3 =	sadd.s32 s3, s9;
	s6 =	sadd.s32 @!p0 $0x88, s6;
	s7 =	simm.s32 @p2 $0x1082  }
0x22: {  	[simem:s7], [sflag:s8] =	dma.local @!p0 [hbm:s6], $0xF7A  }
0x23: {  	s9 =	sor.u32 $0xD0000000, s2;
	s6 =	simm.s32 $0x108;
	_ =	swait.ge @!p0 [sflag:s8], $0x0  }
0x24: {  	s3 =	sadd.s32 $0x88, s3;
	s6 =	simm.s32 @!p1 $0x1082;
	[sflag:s4] =	ssyncset.s32 $0xFFFFF086  }
0x25: {  	[simem:s6], [sflag:s4] =	dma.local [hbm:s3], $0xF7A  }
0x26: {  	[smem:$0x3F9D] =	sst s1;
	(tag) =	ssettag s2;
	_ =	strace s9  }
0x27: {  	s1 =	sld [smem:$0x3FAD]  }
0x28: {  	s2 =	sld [smem:$0x3FAE]  }
0x29: {  	s4 =	sld [smem:$0x3FB0]  }
0x2a: {  	p0 =	seq.s32 s5, $0x0;
	s5 =	sld [smem:$0x3FB1]  }
0x2b: {  	s6 =	sld [smem:$0x3FB2]  }
0x2c: {  	s7 =	sld [smem:$0x3FB3]  }
0x2d: {  	s3 =	simm.s32 $0x108;
	s8 =	sld [smem:$0x3FB4]  }
0x2e: {  	s3 =	simm.s32 @!p0 $0x1082;
	s9 =	sld [smem:$0x3FB5]  }
0x2f: {  	lr =	sadd.s32 s0, s3;
	s0 =	sld [smem:$0x3FAC]  }
0x30: {  	s3 =	sld [smem:$0x3FAF]  }
0x31: {  	[smem:$0x3FB8] =	sst s10  }
0x32: {  	s10 =	sld [smem:$0x3FB6];
	_ =	sdelay $0x3  }
0x33: {  	p0 =	seq.s32 s10, $0x1;
	s10 =	sld [smem:$0x3FB8];
	_ =	sdelay $0x3  }
0x34: {  	[smem:$0x3FB8] =	sst s10  }
0x35: {  	s10 =	sld [smem:$0x3FB7];
	_ =	sdelay $0x3  }
0x36: {  	p1 =	seq.s32 s10, $0x1;
	s10 =	sld [smem:$0x3FB8];
	_ =	sdelay $0x3  }
0x37: {  	[smem:$0x3FB8] =	sst s10  }
0x38: {  	s10 =	sld [smem:$0x3FB9]  }
0x39: {  	_ = 	snop;
	(pc) =	sbr.ind lr, $3  }
0x3a: {  	_ = 	snop  }
0x3b: {  	_ = 	snop  }
0x3c: {  	p2 =	seq.s32 s10, $0x1;
	s10 =	sld [smem:$0x3FB8]  }
0x3d: {  	_ =	shalt  }
0x3e: {  	_ =	shalt  }
0x3f: {  	_ =	shalt  }
0x40: {  	_ =	shalt  }
0x41: {  	_ =	shalt  }
0x42: {  	_ =	shalt  }
0x43: {  	_ =	shalt  }
0x44: {  	_ =	shalt  }
0x45: {  	_ =	shalt  }
0x46: {  	_ =	shalt  }
0x47: {  	_ =	shalt  }
0x48: {  	_ =	shalt  }
0x49: {  	_ =	shalt  }
0x4a: {  	_ =	shalt  }
0x4b: {  	_ =	shalt  }
0x4c: {  	_ =	shalt  }
0x4d: {  	_ =	shalt  }
0x4e: {  	_ =	shalt  }
0x4f: {  	_ =	shalt  }
0x50: {  	_ =	shalt  }
0x51: {  	_ =	shalt  }
0x52: {  	_ =	shalt  }
0x53: {  	_ =	shalt  }
0x54: {  	_ =	shalt  }
0x55: {  	_ =	shalt  }
0x56: {  	_ =	shalt  }
0x57: {  	_ =	shalt  }
0x58: {  	_ =	shalt  }
0x59: {  	_ =	shalt  }
0x5a: {  	_ =	shalt  }
0x5b: {  	_ =	shalt  }
0x5c: {  	_ =	shalt  }
0x5d: {  	_ =	shalt  }
0x5e: {  	_ =	shalt  }
0x5f: {  	_ =	shalt  }
0x60: {  	_ =	shalt  }
0x61: {  	_ =	shalt  }
0x62: {  	_ =	shalt  }
0x63: {  	_ =	shalt  }
0x64: {  	_ =	shalt  }
0x65: {  	_ =	shalt  }
0x66: {  	_ =	shalt  }
0x67: {  	_ =	shalt  }
0x68: {  	_ =	shalt  }
0x69: {  	_ =	shalt  }
0x6a: {  	_ =	shalt  }
0x6b: {  	_ =	shalt  }
0x6c: {  	_ =	shalt  }
0x6d: {  	_ =	shalt  }
0x6e: {  	_ =	shalt  }
0x6f: {  	_ =	shalt  }
0x70: {  	_ =	shalt  }
0x71: {  	_ =	shalt  }
0x72: {  	_ =	shalt  }
0x73: {  	_ =	shalt  }
0x74: {  	_ =	shalt  }
0x75: {  	_ =	shalt  }
0x76: {  	_ =	shalt  }
0x77: {  	_ =	shalt  }
0x78: {  	_ =	shalt  }
0x79: {  	_ =	shalt  }
0x7a: {  	_ =	shalt  }
0x7b: {  	_ =	shalt  }
0x7c: {  	_ =	shalt  }
0x7d: {  	_ =	shalt  }
0x7e: {  	_ =	shalt  }
0x7f: {  	_ =	shalt  }
0x80: {  	_ =	shalt  }
0x81: {  	_ =	shalt  }
0x82: {  	_ =	shalt  }
0x83: {  	_ =	shalt  }
0x84: {  	_ =	shalt  }
0x85: {  	_ =	shalt  }
0x86: {  	_ =	shalt  }
0x87: {  	_ =	shalt  }
.Lfunc_end0:
.L_simem_size_0:
called_computation.2_lowered:
.L_overlay_start_0:
0x88: {  	s2 =	sld [smem:$0x3FD9]  }
0x89: {  	s3 =	sld [smem:$0x3FFE];
	_ =	sdelay $0x1  }
0x8a: {  	s1 =	srdreg.scid  }
0x8b: {  	s0 =	sand.u32 $0x1, s1  }
0x8c: {  	s17 =	sshll.u32 s0, $0xA;
	s2 =	sadd.s32 s3, s2  }
0x8d: {  	s2 =	sadd.s32 s2, s17  }
0x8e: {  	[smem:$0x3FC4] =	sst s2  }
0x8f: {  	_ = 	snop  }
0x90: {  	(tm) =	ssettm $0x1  }
0x91: {  	s18 =	sld [smem:$0x3FFB];
	_ =	sdelay $0x3  }
0x92: {  	_ =	strace s18  }
0x93: {  	s2 =	sld [smem:$0x3FFC];
	_ =	sdelay $0x3  }
0x94: {  	_ =	strace s2  }
0x95: {  	s2 =	sld [smem:$0x3FFD];
	_ =	sdelay $0x3  }
0x96: {  	_ =	strace s2  }
0x97: {  	_ =	strace $0x8FFFFFFF  }
0x98: {  	s19 =	sld [smem:$0x3FDB];
	_ =	sdelay $0x1  }
0x99: {  	s20 =	simm.s32 $_scs_section_size  }
0x9a: {  	s4 =	simm.s32 $_size__tile_overlayer_lowered;
	s5 =	simm.s32 $_tile_overlayer_lowered  }
0x9b: {  	s6 =	simm.s32 $0x1BFF;
	s21 =	sshll.u32 s5, $0x1;
	s3 =	sadd.s32 s20, s19  }
0x9c: {  	s22 =	simm.s32 $0x0;
	s4 =	sshll.u32 s4, $0x1;
	s5 =	sadd.s32 s21, s3  }
0x9d: {  	[timem:s22], [sflag:s6] =	dma.local [hbm:s5], s4  }
0x9e: {  	_ =	swait.ge [sflag:s6], s4  }
0x9f: {  	s4 =	ssub.s32 $0x0, s4;
	[sflag:s6] =	ssyncset.done $0x0  }
0xa0: {  	[sflag:s6] =	ssyncadd.s32 s4;
	_ =	sdelay $0x1  }
0xa1: {  	s23 =	simm.s32 $0x1B8B  }
0xa2: {  	_ =	swait.ge [sflag:s23], $0x1  }
0xa3: {  	[sflag:s23] =	ssyncset.done $0x0  }
0xa4: {  	[sflag:s23] =	ssyncadd.s32 $0xFFFFFFFF  }
0xa5: {  	s4 =	sld [smem:$0x0]  }
0xa6: {  	s5 =	sand.u32 $0xFFFFFFFE, s1  }
0xa7: {  	p0 =	sne.s32 s1, s5  }
0xa8: {  	s5 =	sshll.u32 @p0 s5, $0xE  }
0xa9: {  	s5 =	sadd.s32 @p0 $0x11B8D, s5;
	s6 =	sshll.u32 @p0 s4, $0x11  }
0xaa: {  	s5 =	sor.u32 @p0 s6, s5  }
0xab: {  	[sflag:s5] =	ssyncadd.remote.s32 @p0 $0x1;
	_ =	sdelay $0x1  }
0xac: {  	s5 =	simm.s32 @p0 $0x1B8D  }
0xad: {  	_ =	swait.eq @p0 [sflag:s5], $0x1  }
0xae: {  	[sflag:s5] =	ssyncadd.s32 @p0 $0xFFFFFFFF  }
0xaf: {  	s6 =	sshll.u32 @!p0 s1, $0xE  }
0xb0: {  	s6 =	sor.u32 @!p0 $0x4000, s6;
	s5 =	simm.s32 @!p0 $0x1B8D  }
0xb1: {  	s4 =	sshll.u32 @!p0 s4, $0x11;
	s6 =	sadd.s32 @!p0 $0x11B8D, s6;
	_ =	swait.eq @!p0 [sflag:s5], $0x1  }
0xb2: {  	s4 =	sor.u32 @!p0 s4, s6;
	[sflag:s5] =	ssyncadd.s32 @!p0 $0xFFFFFFFF  }
0xb3: {  	s25 =	simm.s32 $0x1B8E;
	s24 =	sld [smem:$0x3FFE];
	[sflag:s4] =	ssyncadd.remote.s32 @!p0 $0x1  }
0xb4: {  	s26 =	simm.s32 $execute0_lowered;
	[smem:$0x3FD2] =	sst s25  }
0xb5: {  	s5 =	sshll.u32 s26, $0x1;
	_ =	strace $0x8000004C;
	[dreg:$0x1] =	wrdreg $0xFFFFFFFF  }
0xb6: {  	s28 =	simm.s32 $_size_execute0_lowered;
	s3 =	sadd.s32 s3, s5;
	[dreg:$0x0] =	wrdreg $0x0  }
0xb7: {  	s5 =	sshll.u32 s28, $0x1;
	[dreg:$0x2] =	wrdreg s3  }
0xb8: {  	[dreg:$0x3] =	wrdreg s5  }
0xb9: {  	[dreg:$0x4] =	wrdreg $0xC0  }
0xba: {  	_ =	task [dreg:s22], $0x5FFFF  }
0xbb: {  	[dreg:$0x1] =	wrdreg $0xFFFFFFFF  }
0xbc: {  	[dreg:$0x0] =	wrdreg $0x60  }
0xbd: {  	[dreg:$0x2] =	wrdreg s24  }
0xbe: {  	[dreg:$0x3] =	wrdreg $0xA  }
0xbf: {  	_ =	task.clear_ibuf [dreg:s22], $0x4FFFF;
	_ =	strace $0x9000004C  }
0xc0: {  	s29 =	simm.s32 $0xA;
	_ =	strace $0x8000004E  }
0xc1: {  	_ =	swait.ge [sflag:s29], $0x1  }
0xc2: {  	[sflag:s29] =	ssyncadd.s32 $0xFFFFFFFF  }
0xc3: {  	_ =	strace $0x9000004E  }
0xc4: {  	_ =	sfence  }
0xc5: {  	s30 =	sld [smem:$0x0];
	_ =	sdelay $0x2  }
0xc6: {  	s31 =	sshll.u32 s1, $0xD;
	s1 =	sshrl.u32 s1, $0x2  }
0xc7: {  	s4 =	sand.u32 $0x4000, s31;
	s1 =	sadd.s32 s1, s30  }
0xc8: {  	s0 =	sor.u32 s4, s0;
	s1 =	sshll.u32 s1, $0x11  }
0xc9: {  	s0 =	sor.u32 s1, s0  }
0xca: {  	s0 =	sadd.s32 $0x8F2B, s0  }
0xcb: {  	[sflag:s0] =	ssyncadd.remote.s32 $0x1  }
0xcc: {  	_ =	sfence.sel $0xFFFF  }
0xcd: {  	[dreg:$0x0] =	wrdreg $0xFFFFFFFF;
	(pc) =	sbr.abs _section_cstart, $3  }
0xce: {  	[dreg:$0x1] =	wrdreg $0xFFFFFFFF  }
0xcf: {  	_ =	task.clear_ibuf [dreg:s22], $0x2FFFF;
	_ =	strace $0x9FFFFFFF  }
0xd0: {  	(tm) =	ssettm $0x7FFFFFFF  }
0xd1: {  	_ =	shalt  }
tec
execute0_lowered:
.L_overlay_start_1:
0x0: {  	(tag) =	ssettag $0x1  }
0x1: {  	s1 =	srdreg.scid  }
0x2: {  	s0 =	stileid.u32;
	s4 =	rddreg [dreg:$0x0]  }
0x3: {  	s2 =	simm.s32 $0x0;
	s3 =	sand.u32 $0x1, s1;
	s1 =	rddreg [dreg:$0x1]  }
0x4: {  	vm0 =	vcmask $0x704;
	s9 =	simm.s32 $0x800;
	s5 =	sshll.u32 s0, $0x1;
	[smem:$0x7FF] =	sst s2  }
0x5: {  	vm1 =	vcmask $0xB08;
	vm2 =	vcmask $0xF0C;
	vm3 =	vcmask $0x1310;
	s5 =	sor.u32 s3, s5;
	_ =	strace $0x8000004D;
	s7 =	ssub.s32 $0x2, s3  }
0x6: {  	vm4 =	vcmask $0x1714;
	vm5 =	vcmask $0x1B18;
	vm6 =	vcmask $0x1F1C;
	s6 =	sshll.u32 s5, $0x7;
	s5 =	sshll.u32 s5, $0x8;
	s8 =	sshrl.u32 s7, $0x1  }
0x7: {  	vm7 =	vcmask $0x2320;
	vm8 =	vcmask $0x2724;
	vm9 =	vcmask $0x2B28;
	s6 =	sadd.s32 s6, s4;
	s7 =	ssub.s32 s7, s8;
	s8 =	simm.s32 $0x400  }
0x8: {  	v0 =	vimm.f32 $0.0e+00;
	vm10 =	vcmask $0x2F2C;
	vm11 =	vcmask $0x3330;
	s5 =	sadd.s32 s5, s4;
	s3 =	sadd.s32 $0x189E00, s6;
	s4 =	sadd.s32 $0x188E00, s6  }
0x9: {  	vm12 =	vcmask $0x3734;
	vm13 =	vcmask $0x3B38;
	vm14 =	vcmask $0x3F3C;
	s5 =	sadd.s32 $0x18AE00, s5;
	s6 =	smax.u32 s7, $0x1;
	s7 =	simm.s32 $0x1  }
.LBB2_1:
0xa: {  	[tilespmem:s2], [sflag:$0x1] =	stream.linear.gather [hbm4b:s3+s2], $0x400, $0x38;
	[tilespmem:$0x1000] =	vst v63  }
0xb: {  	_ =	swait.ge [sflag:s7], $0x400  }
0xc: {  	[sflag:s7] =	ssyncset.done $0x0  }
0xd: {  	[sflag:s7] =	ssyncadd.s32 $0xFFFFFC00  }
0xe: {  	[tilespmem:s8], [sflag:$0x1] =	stream.linear.gather [hbm4b:s4+s2], $0x400, $0x38;
	[tilespmem:$0x1000] =	vst v63  }
0xf: {  	_ =	swait.ge [sflag:s7], $0x400  }
0x10: {  	[sflag:s7] =	ssyncset.done $0x0  }
0x11: {  	[sflag:s7] =	ssyncadd.s32 $0xFFFFFC00  }
0x12: {  	[tilespmem:$0x800] =	vst v0  }
0x13: {  	[tilespmem:$0x810] =	vst v0  }
0x14: {  	[tilespmem:$0x820] =	vst v0  }
0x15: {  	[tilespmem:$0x830] =	vst v0  }
0x16: {  	[tilespmem:$0x840] =	vst v0  }
0x17: {  	[tilespmem:$0x850] =	vst v0  }
0x18: {  	[tilespmem:$0x860] =	vst v0  }
0x19: {  	[tilespmem:$0x870] =	vst v0  }
0x1a: {  	[tilespmem:$0x880] =	vst v0  }
0x1b: {  	[tilespmem:$0x890] =	vst v0  }
0x1c: {  	[tilespmem:$0x8A0] =	vst v0  }
0x1d: {  	[tilespmem:$0x8B0] =	vst v0  }
0x1e: {  	[tilespmem:$0x8C0] =	vst v0  }
0x1f: {  	[tilespmem:$0x8D0] =	vst v0  }
0x20: {  	[tilespmem:$0x8E0] =	vst v0  }
0x21: {  	[tilespmem:$0x8F0] =	vst v0  }
0x22: {  	[tilespmem:$0x900] =	vst v0  }
0x23: {  	[tilespmem:$0x910] =	vst v0  }
0x24: {  	[tilespmem:$0x920] =	vst v0  }
0x25: {  	[tilespmem:$0x930] =	vst v0  }
0x26: {  	[tilespmem:$0x940] =	vst v0  }
0x27: {  	[tilespmem:$0x950] =	vst v0  }
0x28: {  	[tilespmem:$0x960] =	vst v0  }
0x29: {  	[tilespmem:$0x970] =	vst v0  }
0x2a: {  	[tilespmem:$0x980] =	vst v0  }
0x2b: {  	[tilespmem:$0x990] =	vst v0  }
0x2c: {  	[tilespmem:$0x9A0] =	vst v0  }
0x2d: {  	[tilespmem:$0x9B0] =	vst v0  }
0x2e: {  	[tilespmem:$0x9C0] =	vst v0  }
0x2f: {  	[tilespmem:$0x9D0] =	vst v0  }
0x30: {  	[tilespmem:$0x9E0] =	vst v0  }
0x31: {  	[tilespmem:$0x9F0] =	vst v0  }
0x32: {  	[tilespmem:$0xA00] =	vst v0  }
0x33: {  	[tilespmem:$0xA10] =	vst v0  }
0x34: {  	[tilespmem:$0xA20] =	vst v0  }
0x35: {  	[tilespmem:$0xA30] =	vst v0  }
0x36: {  	[tilespmem:$0xA40] =	vst v0  }
0x37: {  	[tilespmem:$0xA50] =	vst v0  }
0x38: {  	[tilespmem:$0xA60] =	vst v0  }
0x39: {  	[tilespmem:$0xA70] =	vst v0  }
0x3a: {  	[tilespmem:$0xA80] =	vst v0  }
0x3b: {  	[tilespmem:$0xA90] =	vst v0  }
0x3c: {  	[tilespmem:$0xAA0] =	vst v0  }
0x3d: {  	[tilespmem:$0xAB0] =	vst v0  }
0x3e: {  	[tilespmem:$0xAC0] =	vst v0  }
0x3f: {  	[tilespmem:$0xAD0] =	vst v0  }
0x40: {  	[tilespmem:$0xAE0] =	vst v0  }
0x41: {  	[tilespmem:$0xAF0] =	vst v0  }
0x42: {  	[tilespmem:$0xB00] =	vst v0  }
0x43: {  	[tilespmem:$0xB10] =	vst v0  }
0x44: {  	[tilespmem:$0xB20] =	vst v0  }
0x45: {  	[tilespmem:$0xB30] =	vst v0  }
0x46: {  	[tilespmem:$0xB40] =	vst v0  }
0x47: {  	[tilespmem:$0xB50] =	vst v0  }
0x48: {  	[tilespmem:$0xB60] =	vst v0  }
0x49: {  	[tilespmem:$0xB70] =	vst v0  }
0x4a: {  	[tilespmem:$0xB80] =	vst v0  }
0x4b: {  	[tilespmem:$0xB90] =	vst v0  }
0x4c: {  	[tilespmem:$0xBA0] =	vst v0  }
0x4d: {  	[tilespmem:$0xBB0] =	vst v0  }
0x4e: {  	[tilespmem:$0xBC0] =	vst v0  }
0x4f: {  	[tilespmem:$0xBD0] =	vst v0  }
0x50: {  	[tilespmem:$0xBE0] =	vst v0  }
0x51: {  	[tilespmem:$0xBF0] =	vst v0  }
0x52: {  	[tilespmem:$0xC00] =	vst v0  }
0x53: {  	[tilespmem:$0xC10] =	vst v0  }
0x54: {  	[tilespmem:$0xC20] =	vst v0  }
0x55: {  	[tilespmem:$0xC30] =	vst v0  }
0x56: {  	[tilespmem:$0xC40] =	vst v0  }
0x57: {  	[tilespmem:$0xC50] =	vst v0  }
0x58: {  	[tilespmem:$0xC60] =	vst v0  }
0x59: {  	[tilespmem:$0xC70] =	vst v0  }
0x5a: {  	[tilespmem:$0xC80] =	vst v0  }
0x5b: {  	[tilespmem:$0xC90] =	vst v0  }
0x5c: {  	[tilespmem:$0xCA0] =	vst v0  }
0x5d: {  	[tilespmem:$0xCB0] =	vst v0  }
0x5e: {  	[tilespmem:$0xCC0] =	vst v0  }
0x5f: {  	[tilespmem:$0xCD0] =	vst v0  }
0x60: {  	[tilespmem:$0xCE0] =	vst v0  }
0x61: {  	[tilespmem:$0xCF0] =	vst v0  }
0x62: {  	[tilespmem:$0xD00] =	vst v0  }
0x63: {  	[tilespmem:$0xD10] =	vst v0  }
0x64: {  	[tilespmem:$0xD20] =	vst v0  }
0x65: {  	[tilespmem:$0xD30] =	vst v0  }
0x66: {  	[tilespmem:$0xD40] =	vst v0  }
0x67: {  	[tilespmem:$0xD50] =	vst v0  }
0x68: {  	[tilespmem:$0xD60] =	vst v0  }
0x69: {  	[tilespmem:$0xD70] =	vst v0  }
0x6a: {  	[tilespmem:$0xD80] =	vst v0  }
0x6b: {  	[tilespmem:$0xD90] =	vst v0  }
0x6c: {  	[tilespmem:$0xDA0] =	vst v0  }
0x6d: {  	[tilespmem:$0xDB0] =	vst v0  }
0x6e: {  	[tilespmem:$0xDC0] =	vst v0  }
0x6f: {  	[tilespmem:$0xDD0] =	vst v0  }
0x70: {  	[tilespmem:$0xDE0] =	vst v0  }
0x71: {  	[tilespmem:$0xDF0] =	vst v0  }
0x72: {  	[tilespmem:$0xE00] =	vst v0  }
0x73: {  	[tilespmem:$0xE10] =	vst v0  }
0x74: {  	[tilespmem:$0xE20] =	vst v0  }
0x75: {  	[tilespmem:$0xE30] =	vst v0  }
0x76: {  	[tilespmem:$0xE40] =	vst v0  }
0x77: {  	[tilespmem:$0xE50] =	vst v0  }
0x78: {  	[tilespmem:$0xE60] =	vst v0  }
0x79: {  	[tilespmem:$0xE70] =	vst v0  }
0x7a: {  	[tilespmem:$0xE80] =	vst v0  }
0x7b: {  	[tilespmem:$0xE90] =	vst v0  }
0x7c: {  	[tilespmem:$0xEA0] =	vst v0  }
0x7d: {  	[tilespmem:$0xEB0] =	vst v0  }
0x7e: {  	[tilespmem:$0xEC0] =	vst v0  }
0x7f: {  	[tilespmem:$0xED0] =	vst v0  }
0x80: {  	[tilespmem:$0xEE0] =	vst v0  }
0x81: {  	[tilespmem:$0xEF0] =	vst v0  }
0x82: {  	[tilespmem:$0xF00] =	vst v0  }
0x83: {  	[tilespmem:$0xF10] =	vst v0  }
0x84: {  	[tilespmem:$0xF20] =	vst v0  }
0x85: {  	[tilespmem:$0xF30] =	vst v0  }
0x86: {  	[tilespmem:$0xF40] =	vst v0  }
0x87: {  	[tilespmem:$0xF50] =	vst v0  }
0x88: {  	[tilespmem:$0xF60] =	vst v0  }
0x89: {  	[tilespmem:$0xF70] =	vst v0  }
0x8a: {  	[tilespmem:$0xF80] =	vst v0;
	v1 =	vld [tilespmem:$0x0]  }
0x8b: {  	[tilespmem:$0xF90] =	vst v0  }
0x8c: {  	[tilespmem:$0xFA0] =	vst v0  }
0x8d: {  	[tilespmem:$0xFB0] =	vst v0;
	v2 =	vld [tilespmem:$0x400]  }
0x8e: {  	[tilespmem:$0xFC0] =	vst v0  }
0x8f: {  	[tilespmem:$0xFD0] =	vst v0  }
0x90: {  	[tilespmem:$0xFE0] =	vst v0  }
0x91: {  	[tilespmem:$0xFF0] =	vst v0  }
0x92: {  	[tilespmem:v1+s9+$0x0] =	vst.idx.add.f32.msk $0x1, v2  }
0x93: {  	[tilespmem:v1+s9+$0x0] =	vst.idx.add.f32.msk vm0, v2  }
0x94: {  	[tilespmem:v1+s9+$0x0] =	vst.idx.add.f32.msk vm1, v2  }
0x95: {  	[tilespmem:v1+s9+$0x0] =	vst.idx.add.f32.msk vm2, v2  }
0x96: {  	[tilespmem:v1+s9+$0x0] =	vst.idx.add.f32.msk vm3, v2  }
0x97: {  	[tilespmem:v1+s9+$0x0] =	vst.idx.add.f32.msk vm4, v2  }
0x98: {  	[tilespmem:v1+s9+$0x0] =	vst.idx.add.f32.msk vm5, v2  }
0x99: {  	[tilespmem:v1+s9+$0x0] =	vst.idx.add.f32.msk vm6, v2  }
0x9a: {  	[tilespmem:v1+s9+$0x0] =	vst.idx.add.f32.msk vm7, v2  }
0x9b: {  	[tilespmem:v1+s9+$0x0] =	vst.idx.add.f32.msk vm8, v2  }
0x9c: {  	[tilespmem:v1+s9+$0x0] =	vst.idx.add.f32.msk vm9, v2  }
0x9d: {  	[tilespmem:v1+s9+$0x0] =	vst.idx.add.f32.msk vm10, v2  }
0x9e: {  	[tilespmem:v1+s9+$0x0] =	vst.idx.add.f32.msk vm11, v2  }
0x9f: {  	[tilespmem:v1+s9+$0x0] =	vst.idx.add.f32.msk vm12, v2  }
0xa0: {  	[tilespmem:v1+s9+$0x0] =	vst.idx.add.f32.msk vm13, v2  }
0xa1: {  	[tilespmem:v1+s9+$0x0] =	vst.idx.add.f32.msk vm14, v2  }
0xa2: {  	v1 =	vld [tilespmem:$0x10];
	_ =	sdelay $0x2  }
0xa3: {  	v2 =	vld [tilespmem:$0x410];
	_ =	sdelay $0x4  }
0xa4: {  	[tilespmem:v1+s9+$0x0] =	vst.idx.add.f32.msk $0x1, v2  }
0xa5: {  	[tilespmem:v1+s9+$0x0] =	vst.idx.add.f32.msk vm0, v2  }
0xa6: {  	[tilespmem:v1+s9+$0x0] =	vst.idx.add.f32.msk vm1, v2  }
0xa7: {  	[tilespmem:v1+s9+$0x0] =	vst.idx.add.f32.msk vm2, v2  }
0xa8: {  	[tilespmem:v1+s9+$0x0] =	vst.idx.add.f32.msk vm3, v2  }
0xa9: {  	[tilespmem:v1+s9+$0x0] =	vst.idx.add.f32.msk vm4, v2  }
0xaa: {  	[tilespmem:v1+s9+$0x0] =	vst.idx.add.f32.msk vm5, v2  }
0xab: {  	[tilespmem:v1+s9+$0x0] =	vst.idx.add.f32.msk vm6, v2  }
0xac: {  	[tilespmem:v1+s9+$0x0] =	vst.idx.add.f32.msk vm7, v2  }
0xad: {  	[tilespmem:v1+s9+$0x0] =	vst.idx.add.f32.msk vm8, v2  }
0xae: {  	[tilespmem:v1+s9+$0x0] =	vst.idx.add.f32.msk vm9, v2  }
0xaf: {  	[tilespmem:v1+s9+$0x0] =	vst.idx.add.f32.msk vm10, v2  }
0xb0: {  	[tilespmem:v1+s9+$0x0] =	vst.idx.add.f32.msk vm11, v2  }
0xb1: {  	[tilespmem:v1+s9+$0x0] =	vst.idx.add.f32.msk vm12, v2  }
0xb2: {  	[tilespmem:v1+s9+$0x0] =	vst.idx.add.f32.msk vm13, v2  }
0xb3: {  	[tilespmem:v1+s9+$0x0] =	vst.idx.add.f32.msk vm14, v2  }
0xb4: {  	v1 =	vld [tilespmem:$0x80];
	_ =	sdelay $0x4  }
0xb5: {  	v2 =	vld [tilespmem:$0x480];
	v1 =	vadd.s32 $0x100, v1;
	_ =	sdelay $0x4  }
0xb6: {  	[tilespmem:v1+s9+$0x0] =	vst.idx.add.f32.msk $0x1, v2  }
0xb7: {  	[tilespmem:v1+s9+$0x0] =	vst.idx.add.f32.msk vm0, v2  }
0xb8: {  	[tilespmem:v1+s9+$0x0] =	vst.idx.add.f32.msk vm1, v2  }
0xb9: {  	[tilespmem:v1+s9+$0x0] =	vst.idx.add.f32.msk vm2, v2  }
0xba: {  	[tilespmem:v1+s9+$0x0] =	vst.idx.add.f32.msk vm3, v2  }
0xbb: {  	[tilespmem:v1+s9+$0x0] =	vst.idx.add.f32.msk vm4, v2  }
0xbc: {  	[tilespmem:v1+s9+$0x0] =	vst.idx.add.f32.msk vm5, v2  }
0xbd: {  	[tilespmem:v1+s9+$0x0] =	vst.idx.add.f32.msk vm6, v2  }
0xbe: {  	[tilespmem:v1+s9+$0x0] =	vst.idx.add.f32.msk vm7, v2  }
0xbf: {  	[tilespmem:v1+s9+$0x0] =	vst.idx.add.f32.msk vm8, v2  }
0xc0: {  	[tilespmem:v1+s9+$0x0] =	vst.idx.add.f32.msk vm9, v2  }
0xc1: {  	[tilespmem:v1+s9+$0x0] =	vst.idx.add.f32.msk vm10, v2  }
0xc2: {  	[tilespmem:v1+s9+$0x0] =	vst.idx.add.f32.msk vm11, v2  }
0xc3: {  	[tilespmem:v1+s9+$0x0] =	vst.idx.add.f32.msk vm12, v2  }
0xc4: {  	[tilespmem:v1+s9+$0x0] =	vst.idx.add.f32.msk vm13, v2  }
0xc5: {  	[tilespmem:v1+s9+$0x0] =	vst.idx.add.f32.msk vm14, v2  }
0xc6: {  	v1 =	vld [tilespmem:$0x90];
	_ =	sdelay $0x4  }
0xc7: {  	v2 =	vld [tilespmem:$0x490];
	v1 =	vadd.s32 $0x100, v1;
	_ =	sdelay $0x4  }
0xc8: {  	[tilespmem:v1+s9+$0x0] =	vst.idx.add.f32.msk $0x1, v2  }
0xc9: {  	[tilespmem:v1+s9+$0x0] =	vst.idx.add.f32.msk vm0, v2  }
0xca: {  	[tilespmem:v1+s9+$0x0] =	vst.idx.add.f32.msk vm1, v2  }
0xcb: {  	[tilespmem:v1+s9+$0x0] =	vst.idx.add.f32.msk vm2, v2  }
0xcc: {  	[tilespmem:v1+s9+$0x0] =	vst.idx.add.f32.msk vm3, v2  }
0xcd: {  	[tilespmem:v1+s9+$0x0] =	vst.idx.add.f32.msk vm4, v2  }
0xce: {  	[tilespmem:v1+s9+$0x0] =	vst.idx.add.f32.msk vm5, v2  }
0xcf: {  	[tilespmem:v1+s9+$0x0] =	vst.idx.add.f32.msk vm6, v2  }
0xd0: {  	[tilespmem:v1+s9+$0x0] =	vst.idx.add.f32.msk vm7, v2  }
0xd1: {  	[tilespmem:v1+s9+$0x0] =	vst.idx.add.f32.msk vm8, v2  }
0xd2: {  	[tilespmem:v1+s9+$0x0] =	vst.idx.add.f32.msk vm9, v2  }
0xd3: {  	[tilespmem:v1+s9+$0x0] =	vst.idx.add.f32.msk vm10, v2  }
0xd4: {  	[tilespmem:v1+s9+$0x0] =	vst.idx.add.f32.msk vm11, v2  }
0xd5: {  	[tilespmem:v1+s9+$0x0] =	vst.idx.add.f32.msk vm12, v2  }
0xd6: {  	[tilespmem:v1+s9+$0x0] =	vst.idx.add.f32.msk vm13, v2  }
0xd7: {  	[tilespmem:v1+s9+$0x0] =	vst.idx.add.f32.msk vm14, v2  }
0xd8: {  	v1 =	vld [tilespmem:$0x100];
	_ =	sdelay $0x4  }
0xd9: {  	v2 =	vld [tilespmem:$0x500];
	v1 =	vadd.s32 $0x200, v1;
	_ =	sdelay $0x4  }
0xda: {  	[tilespmem:v1+s9+$0x0] =	vst.idx.add.f32.msk $0x1, v2  }
0xdb: {  	[tilespmem:v1+s9+$0x0] =	vst.idx.add.f32.msk vm0, v2  }
0xdc: {  	[tilespmem:v1+s9+$0x0] =	vst.idx.add.f32.msk vm1, v2  }
0xdd: {  	[tilespmem:v1+s9+$0x0] =	vst.idx.add.f32.msk vm2, v2  }
0xde: {  	[tilespmem:v1+s9+$0x0] =	vst.idx.add.f32.msk vm3, v2  }
0xdf: {  	[tilespmem:v1+s9+$0x0] =	vst.idx.add.f32.msk vm4, v2  }
0xe0: {  	[tilespmem:v1+s9+$0x0] =	vst.idx.add.f32.msk vm5, v2  }
0xe1: {  	[tilespmem:v1+s9+$0x0] =	vst.idx.add.f32.msk vm6, v2  }
0xe2: {  	[tilespmem:v1+s9+$0x0] =	vst.idx.add.f32.msk vm7, v2  }
0xe3: {  	[tilespmem:v1+s9+$0x0] =	vst.idx.add.f32.msk vm8, v2  }
0xe4: {  	[tilespmem:v1+s9+$0x0] =	vst.idx.add.f32.msk vm9, v2  }
0xe5: {  	[tilespmem:v1+s9+$0x0] =	vst.idx.add.f32.msk vm10, v2  }
0xe6: {  	[tilespmem:v1+s9+$0x0] =	vst.idx.add.f32.msk vm11, v2  }
0xe7: {  	[tilespmem:v1+s9+$0x0] =	vst.idx.add.f32.msk vm12, v2  }
0xe8: {  	[tilespmem:v1+s9+$0x0] =	vst.idx.add.f32.msk vm13, v2  }
0xe9: {  	[tilespmem:v1+s9+$0x0] =	vst.idx.add.f32.msk vm14, v2  }
0xea: {  	v1 =	vld [tilespmem:$0x110];
	_ =	sdelay $0x4  }
0xeb: {  	v2 =	vld [tilespmem:$0x510];
	v1 =	vadd.s32 $0x200, v1;
	_ =	sdelay $0x4  }
0xec: {  	[tilespmem:v1+s9+$0x0] =	vst.idx.add.f32.msk $0x1, v2  }
0xed: {  	[tilespmem:v1+s9+$0x0] =	vst.idx.add.f32.msk vm0, v2  }
0xee: {  	[tilespmem:v1+s9+$0x0] =	vst.idx.add.f32.msk vm1, v2  }
0xef: {  	[tilespmem:v1+s9+$0x0] =	vst.idx.add.f32.msk vm2, v2  }
0xf0: {  	[tilespmem:v1+s9+$0x0] =	vst.idx.add.f32.msk vm3, v2  }
0xf1: {  	[tilespmem:v1+s9+$0x0] =	vst.idx.add.f32.msk vm4, v2  }
0xf2: {  	[tilespmem:v1+s9+$0x0] =	vst.idx.add.f32.msk vm5, v2  }
0xf3: {  	[tilespmem:v1+s9+$0x0] =	vst.idx.add.f32.msk vm6, v2  }
0xf4: {  	[tilespmem:v1+s9+$0x0] =	vst.idx.add.f32.msk vm7, v2  }
0xf5: {  	[tilespmem:v1+s9+$0x0] =	vst.idx.add.f32.msk vm8, v2  }
0xf6: {  	[tilespmem:v1+s9+$0x0] =	vst.idx.add.f32.msk vm9, v2  }
0xf7: {  	[tilespmem:v1+s9+$0x0] =	vst.idx.add.f32.msk vm10, v2  }
0xf8: {  	[tilespmem:v1+s9+$0x0] =	vst.idx.add.f32.msk vm11, v2  }
0xf9: {  	[tilespmem:v1+s9+$0x0] =	vst.idx.add.f32.msk vm12, v2  }
0xfa: {  	[tilespmem:v1+s9+$0x0] =	vst.idx.add.f32.msk vm13, v2  }
0xfb: {  	[tilespmem:v1+s9+$0x0] =	vst.idx.add.f32.msk vm14, v2  }
0xfc: {  	v1 =	vld [tilespmem:$0x180];
	_ =	sdelay $0x4  }
0xfd: {  	v2 =	vld [tilespmem:$0x580];
	v1 =	vadd.s32 $0x300, v1;
	_ =	sdelay $0x4  }
0xfe: {  	[tilespmem:v1+s9+$0x0] =	vst.idx.add.f32.msk $0x1, v2  }
0xff: {  	[tilespmem:v1+s9+$0x0] =	vst.idx.add.f32.msk vm0, v2  }
0x100: {  	[tilespmem:v1+s9+$0x0] =	vst.idx.add.f32.msk vm1, v2  }
0x101: {  	[tilespmem:v1+s9+$0x0] =	vst.idx.add.f32.msk vm2, v2  }
0x102: {  	[tilespmem:v1+s9+$0x0] =	vst.idx.add.f32.msk vm3, v2  }
0x103: {  	[tilespmem:v1+s9+$0x0] =	vst.idx.add.f32.msk vm4, v2  }
0x104: {  	[tilespmem:v1+s9+$0x0] =	vst.idx.add.f32.msk vm5, v2  }
0x105: {  	[tilespmem:v1+s9+$0x0] =	vst.idx.add.f32.msk vm6, v2  }
0x106: {  	[tilespmem:v1+s9+$0x0] =	vst.idx.add.f32.msk vm7, v2  }
0x107: {  	[tilespmem:v1+s9+$0x0] =	vst.idx.add.f32.msk vm8, v2  }
0x108: {  	[tilespmem:v1+s9+$0x0] =	vst.idx.add.f32.msk vm9, v2  }
0x109: {  	[tilespmem:v1+s9+$0x0] =	vst.idx.add.f32.msk vm10, v2  }
0x10a: {  	[tilespmem:v1+s9+$0x0] =	vst.idx.add.f32.msk vm11, v2  }
0x10b: {  	[tilespmem:v1+s9+$0x0] =	vst.idx.add.f32.msk vm12, v2  }
0x10c: {  	[tilespmem:v1+s9+$0x0] =	vst.idx.add.f32.msk vm13, v2  }
0x10d: {  	[tilespmem:v1+s9+$0x0] =	vst.idx.add.f32.msk vm14, v2  }
0x10e: {  	v1 =	vld [tilespmem:$0x190];
	_ =	sdelay $0x4  }
0x10f: {  	v2 =	vld [tilespmem:$0x590];
	v1 =	vadd.s32 $0x300, v1;
	_ =	sdelay $0x4  }
0x110: {  	[tilespmem:v1+s9+$0x0] =	vst.idx.add.f32.msk $0x1, v2  }
0x111: {  	[tilespmem:v1+s9+$0x0] =	vst.idx.add.f32.msk vm0, v2  }
0x112: {  	[tilespmem:v1+s9+$0x0] =	vst.idx.add.f32.msk vm1, v2  }
0x113: {  	[tilespmem:v1+s9+$0x0] =	vst.idx.add.f32.msk vm2, v2  }
0x114: {  	[tilespmem:v1+s9+$0x0] =	vst.idx.add.f32.msk vm3, v2  }
0x115: {  	[tilespmem:v1+s9+$0x0] =	vst.idx.add.f32.msk vm4, v2  }
0x116: {  	[tilespmem:v1+s9+$0x0] =	vst.idx.add.f32.msk vm5, v2  }
0x117: {  	[tilespmem:v1+s9+$0x0] =	vst.idx.add.f32.msk vm6, v2  }
0x118: {  	[tilespmem:v1+s9+$0x0] =	vst.idx.add.f32.msk vm7, v2  }
0x119: {  	[tilespmem:v1+s9+$0x0] =	vst.idx.add.f32.msk vm8, v2  }
0x11a: {  	[tilespmem:v1+s9+$0x0] =	vst.idx.add.f32.msk vm9, v2  }
0x11b: {  	[tilespmem:v1+s9+$0x0] =	vst.idx.add.f32.msk vm10, v2  }
0x11c: {  	[tilespmem:v1+s9+$0x0] =	vst.idx.add.f32.msk vm11, v2  }
0x11d: {  	[tilespmem:v1+s9+$0x0] =	vst.idx.add.f32.msk vm12, v2  }
0x11e: {  	[tilespmem:v1+s9+$0x0] =	vst.idx.add.f32.msk vm13, v2  }
0x11f: {  	[tilespmem:v1+s9+$0x0] =	vst.idx.add.f32.msk vm14, v2  }
0x120: {  	v1 =	vld [tilespmem:$0x200];
	_ =	sdelay $0x4  }
0x121: {  	v2 =	vld [tilespmem:$0x600];
	v1 =	vadd.s32 $0x400, v1;
	_ =	sdelay $0x4  }
0x122: {  	[tilespmem:v1+s9+$0x0] =	vst.idx.add.f32.msk $0x1, v2  }
0x123: {  	[tilespmem:v1+s9+$0x0] =	vst.idx.add.f32.msk vm0, v2  }
0x124: {  	[tilespmem:v1+s9+$0x0] =	vst.idx.add.f32.msk vm1, v2  }
0x125: {  	[tilespmem:v1+s9+$0x0] =	vst.idx.add.f32.msk vm2, v2  }
0x126: {  	[tilespmem:v1+s9+$0x0] =	vst.idx.add.f32.msk vm3, v2  }
0x127: {  	[tilespmem:v1+s9+$0x0] =	vst.idx.add.f32.msk vm4, v2  }
0x128: {  	[tilespmem:v1+s9+$0x0] =	vst.idx.add.f32.msk vm5, v2  }
0x129: {  	[tilespmem:v1+s9+$0x0] =	vst.idx.add.f32.msk vm6, v2  }
0x12a: {  	[tilespmem:v1+s9+$0x0] =	vst.idx.add.f32.msk vm7, v2  }
0x12b: {  	[tilespmem:v1+s9+$0x0] =	vst.idx.add.f32.msk vm8, v2  }
0x12c: {  	[tilespmem:v1+s9+$0x0] =	vst.idx.add.f32.msk vm9, v2  }
0x12d: {  	[tilespmem:v1+s9+$0x0] =	vst.idx.add.f32.msk vm10, v2  }
0x12e: {  	[tilespmem:v1+s9+$0x0] =	vst.idx.add.f32.msk vm11, v2  }
0x12f: {  	[tilespmem:v1+s9+$0x0] =	vst.idx.add.f32.msk vm12, v2  }
0x130: {  	[tilespmem:v1+s9+$0x0] =	vst.idx.add.f32.msk vm13, v2  }
0x131: {  	[tilespmem:v1+s9+$0x0] =	vst.idx.add.f32.msk vm14, v2  }
0x132: {  	v1 =	vld [tilespmem:$0x210];
	_ =	sdelay $0x4  }
0x133: {  	v2 =	vld [tilespmem:$0x610];
	v1 =	vadd.s32 $0x400, v1;
	_ =	sdelay $0x4  }
0x134: {  	[tilespmem:v1+s9+$0x0] =	vst.idx.add.f32.msk $0x1, v2  }
0x135: {  	[tilespmem:v1+s9+$0x0] =	vst.idx.add.f32.msk vm0, v2  }
0x136: {  	[tilespmem:v1+s9+$0x0] =	vst.idx.add.f32.msk vm1, v2  }
0x137: {  	[tilespmem:v1+s9+$0x0] =	vst.idx.add.f32.msk vm2, v2  }
0x138: {  	[tilespmem:v1+s9+$0x0] =	vst.idx.add.f32.msk vm3, v2  }
0x139: {  	[tilespmem:v1+s9+$0x0] =	vst.idx.add.f32.msk vm4, v2  }
0x13a: {  	[tilespmem:v1+s9+$0x0] =	vst.idx.add.f32.msk vm5, v2  }
0x13b: {  	[tilespmem:v1+s9+$0x0] =	vst.idx.add.f32.msk vm6, v2  }
0x13c: {  	[tilespmem:v1+s9+$0x0] =	vst.idx.add.f32.msk vm7, v2  }
0x13d: {  	[tilespmem:v1+s9+$0x0] =	vst.idx.add.f32.msk vm8, v2  }
0x13e: {  	[tilespmem:v1+s9+$0x0] =	vst.idx.add.f32.msk vm9, v2  }
0x13f: {  	[tilespmem:v1+s9+$0x0] =	vst.idx.add.f32.msk vm10, v2  }
0x140: {  	[tilespmem:v1+s9+$0x0] =	vst.idx.add.f32.msk vm11, v2  }
0x141: {  	[tilespmem:v1+s9+$0x0] =	vst.idx.add.f32.msk vm12, v2  }
0x142: {  	[tilespmem:v1+s9+$0x0] =	vst.idx.add.f32.msk vm13, v2  }
0x143: {  	[tilespmem:v1+s9+$0x0] =	vst.idx.add.f32.msk vm14, v2  }
0x144: {  	v1 =	vld [tilespmem:$0x280];
	_ =	sdelay $0x4  }
0x145: {  	v2 =	vld [tilespmem:$0x680];
	v1 =	vadd.s32 $0x500, v1;
	_ =	sdelay $0x4  }
0x146: {  	[tilespmem:v1+s9+$0x0] =	vst.idx.add.f32.msk $0x1, v2  }
0x147: {  	[tilespmem:v1+s9+$0x0] =	vst.idx.add.f32.msk vm0, v2  }
0x148: {  	[tilespmem:v1+s9+$0x0] =	vst.idx.add.f32.msk vm1, v2  }
0x149: {  	[tilespmem:v1+s9+$0x0] =	vst.idx.add.f32.msk vm2, v2  }
0x14a: {  	[tilespmem:v1+s9+$0x0] =	vst.idx.add.f32.msk vm3, v2  }
0x14b: {  	[tilespmem:v1+s9+$0x0] =	vst.idx.add.f32.msk vm4, v2  }
0x14c: {  	[tilespmem:v1+s9+$0x0] =	vst.idx.add.f32.msk vm5, v2  }
0x14d: {  	[tilespmem:v1+s9+$0x0] =	vst.idx.add.f32.msk vm6, v2  }
0x14e: {  	[tilespmem:v1+s9+$0x0] =	vst.idx.add.f32.msk vm7, v2  }
0x14f: {  	[tilespmem:v1+s9+$0x0] =	vst.idx.add.f32.msk vm8, v2  }
0x150: {  	[tilespmem:v1+s9+$0x0] =	vst.idx.add.f32.msk vm9, v2  }
0x151: {  	[tilespmem:v1+s9+$0x0] =	vst.idx.add.f32.msk vm10, v2  }
0x152: {  	[tilespmem:v1+s9+$0x0] =	vst.idx.add.f32.msk vm11, v2  }
0x153: {  	[tilespmem:v1+s9+$0x0] =	vst.idx.add.f32.msk vm12, v2  }
0x154: {  	[tilespmem:v1+s9+$0x0] =	vst.idx.add.f32.msk vm13, v2  }
0x155: {  	[tilespmem:v1+s9+$0x0] =	vst.idx.add.f32.msk vm14, v2  }
0x156: {  	v1 =	vld [tilespmem:$0x290];
	_ =	sdelay $0x4  }
0x157: {  	v2 =	vld [tilespmem:$0x690];
	v1 =	vadd.s32 $0x500, v1;
	_ =	sdelay $0x4  }
0x158: {  	[tilespmem:v1+s9+$0x0] =	vst.idx.add.f32.msk $0x1, v2  }
0x159: {  	[tilespmem:v1+s9+$0x0] =	vst.idx.add.f32.msk vm0, v2  }
0x15a: {  	[tilespmem:v1+s9+$0x0] =	vst.idx.add.f32.msk vm1, v2  }
0x15b: {  	[tilespmem:v1+s9+$0x0] =	vst.idx.add.f32.msk vm2, v2  }
0x15c: {  	[tilespmem:v1+s9+$0x0] =	vst.idx.add.f32.msk vm3, v2  }
0x15d: {  	[tilespmem:v1+s9+$0x0] =	vst.idx.add.f32.msk vm4, v2  }
0x15e: {  	[tilespmem:v1+s9+$0x0] =	vst.idx.add.f32.msk vm5, v2  }
0x15f: {  	[tilespmem:v1+s9+$0x0] =	vst.idx.add.f32.msk vm6, v2  }
0x160: {  	[tilespmem:v1+s9+$0x0] =	vst.idx.add.f32.msk vm7, v2  }
0x161: {  	[tilespmem:v1+s9+$0x0] =	vst.idx.add.f32.msk vm8, v2  }
0x162: {  	[tilespmem:v1+s9+$0x0] =	vst.idx.add.f32.msk vm9, v2  }
0x163: {  	[tilespmem:v1+s9+$0x0] =	vst.idx.add.f32.msk vm10, v2  }
0x164: {  	[tilespmem:v1+s9+$0x0] =	vst.idx.add.f32.msk vm11, v2  }
0x165: {  	[tilespmem:v1+s9+$0x0] =	vst.idx.add.f32.msk vm12, v2  }
0x166: {  	[tilespmem:v1+s9+$0x0] =	vst.idx.add.f32.msk vm13, v2  }
0x167: {  	[tilespmem:v1+s9+$0x0] =	vst.idx.add.f32.msk vm14, v2  }
0x168: {  	v1 =	vld [tilespmem:$0x300];
	_ =	sdelay $0x4  }
0x169: {  	v2 =	vld [tilespmem:$0x700];
	v1 =	vadd.s32 $0x600, v1;
	_ =	sdelay $0x4  }
0x16a: {  	[tilespmem:v1+s9+$0x0] =	vst.idx.add.f32.msk $0x1, v2  }
0x16b: {  	[tilespmem:v1+s9+$0x0] =	vst.idx.add.f32.msk vm0, v2  }
0x16c: {  	[tilespmem:v1+s9+$0x0] =	vst.idx.add.f32.msk vm1, v2  }
0x16d: {  	[tilespmem:v1+s9+$0x0] =	vst.idx.add.f32.msk vm2, v2  }
0x16e: {  	[tilespmem:v1+s9+$0x0] =	vst.idx.add.f32.msk vm3, v2  }
0x16f: {  	[tilespmem:v1+s9+$0x0] =	vst.idx.add.f32.msk vm4, v2  }
0x170: {  	[tilespmem:v1+s9+$0x0] =	vst.idx.add.f32.msk vm5, v2  }
0x171: {  	[tilespmem:v1+s9+$0x0] =	vst.idx.add.f32.msk vm6, v2  }
0x172: {  	[tilespmem:v1+s9+$0x0] =	vst.idx.add.f32.msk vm7, v2  }
0x173: {  	[tilespmem:v1+s9+$0x0] =	vst.idx.add.f32.msk vm8, v2  }
0x174: {  	[tilespmem:v1+s9+$0x0] =	vst.idx.add.f32.msk vm9, v2  }
0x175: {  	[tilespmem:v1+s9+$0x0] =	vst.idx.add.f32.msk vm10, v2  }
0x176: {  	[tilespmem:v1+s9+$0x0] =	vst.idx.add.f32.msk vm11, v2  }
0x177: {  	[tilespmem:v1+s9+$0x0] =	vst.idx.add.f32.msk vm12, v2  }
0x178: {  	[tilespmem:v1+s9+$0x0] =	vst.idx.add.f32.msk vm13, v2  }
0x179: {  	[tilespmem:v1+s9+$0x0] =	vst.idx.add.f32.msk vm14, v2  }
0x17a: {  	v1 =	vld [tilespmem:$0x310];
	_ =	sdelay $0x4  }
0x17b: {  	v2 =	vld [tilespmem:$0x710];
	v1 =	vadd.s32 $0x600, v1;
	_ =	sdelay $0x4  }
0x17c: {  	[tilespmem:v1+s9+$0x0] =	vst.idx.add.f32.msk $0x1, v2  }
0x17d: {  	[tilespmem:v1+s9+$0x0] =	vst.idx.add.f32.msk vm0, v2  }
0x17e: {  	[tilespmem:v1+s9+$0x0] =	vst.idx.add.f32.msk vm1, v2  }
0x17f: {  	[tilespmem:v1+s9+$0x0] =	vst.idx.add.f32.msk vm2, v2  }
0x180: {  	[tilespmem:v1+s9+$0x0] =	vst.idx.add.f32.msk vm3, v2  }
0x181: {  	[tilespmem:v1+s9+$0x0] =	vst.idx.add.f32.msk vm4, v2  }
0x182: {  	[tilespmem:v1+s9+$0x0] =	vst.idx.add.f32.msk vm5, v2  }
0x183: {  	[tilespmem:v1+s9+$0x0] =	vst.idx.add.f32.msk vm6, v2  }
0x184: {  	[tilespmem:v1+s9+$0x0] =	vst.idx.add.f32.msk vm7, v2  }
0x185: {  	[tilespmem:v1+s9+$0x0] =	vst.idx.add.f32.msk vm8, v2  }
0x186: {  	[tilespmem:v1+s9+$0x0] =	vst.idx.add.f32.msk vm9, v2  }
0x187: {  	[tilespmem:v1+s9+$0x0] =	vst.idx.add.f32.msk vm10, v2  }
0x188: {  	[tilespmem:v1+s9+$0x0] =	vst.idx.add.f32.msk vm11, v2  }
0x189: {  	[tilespmem:v1+s9+$0x0] =	vst.idx.add.f32.msk vm12, v2  }
0x18a: {  	[tilespmem:v1+s9+$0x0] =	vst.idx.add.f32.msk vm13, v2  }
0x18b: {  	[tilespmem:v1+s9+$0x0] =	vst.idx.add.f32.msk vm14, v2  }
0x18c: {  	v1 =	vld [tilespmem:$0x380];
	_ =	sdelay $0x4  }
0x18d: {  	v2 =	vld [tilespmem:$0x780];
	v1 =	vadd.s32 $0x700, v1;
	_ =	sdelay $0x4  }
0x18e: {  	[tilespmem:v1+s9+$0x0] =	vst.idx.add.f32.msk $0x1, v2  }
0x18f: {  	[tilespmem:v1+s9+$0x0] =	vst.idx.add.f32.msk vm0, v2  }
0x190: {  	[tilespmem:v1+s9+$0x0] =	vst.idx.add.f32.msk vm1, v2  }
0x191: {  	[tilespmem:v1+s9+$0x0] =	vst.idx.add.f32.msk vm2, v2  }
0x192: {  	[tilespmem:v1+s9+$0x0] =	vst.idx.add.f32.msk vm3, v2  }
0x193: {  	[tilespmem:v1+s9+$0x0] =	vst.idx.add.f32.msk vm4, v2  }
0x194: {  	[tilespmem:v1+s9+$0x0] =	vst.idx.add.f32.msk vm5, v2  }
0x195: {  	[tilespmem:v1+s9+$0x0] =	vst.idx.add.f32.msk vm6, v2  }
0x196: {  	[tilespmem:v1+s9+$0x0] =	vst.idx.add.f32.msk vm7, v2  }
0x197: {  	[tilespmem:v1+s9+$0x0] =	vst.idx.add.f32.msk vm8, v2  }
0x198: {  	[tilespmem:v1+s9+$0x0] =	vst.idx.add.f32.msk vm9, v2  }
0x199: {  	[tilespmem:v1+s9+$0x0] =	vst.idx.add.f32.msk vm10, v2  }
0x19a: {  	[tilespmem:v1+s9+$0x0] =	vst.idx.add.f32.msk vm11, v2  }
0x19b: {  	[tilespmem:v1+s9+$0x0] =	vst.idx.add.f32.msk vm12, v2  }
0x19c: {  	[tilespmem:v1+s9+$0x0] =	vst.idx.add.f32.msk vm13, v2  }
0x19d: {  	[tilespmem:v1+s9+$0x0] =	vst.idx.add.f32.msk vm14, v2  }
0x19e: {  	v1 =	vld [tilespmem:$0x390];
	_ =	sdelay $0x4  }
0x19f: {  	v2 =	vld [tilespmem:$0x790];
	v1 =	vadd.s32 $0x700, v1;
	_ =	sdelay $0x4  }
0x1a0: {  	[tilespmem:v1+s9+$0x0] =	vst.idx.add.f32.msk $0x1, v2  }
0x1a1: {  	[tilespmem:v1+s9+$0x0] =	vst.idx.add.f32.msk vm0, v2  }
0x1a2: {  	[tilespmem:v1+s9+$0x0] =	vst.idx.add.f32.msk vm1, v2  }
0x1a3: {  	[tilespmem:v1+s9+$0x0] =	vst.idx.add.f32.msk vm2, v2  }
0x1a4: {  	[tilespmem:v1+s9+$0x0] =	vst.idx.add.f32.msk vm3, v2  }
0x1a5: {  	[tilespmem:v1+s9+$0x0] =	vst.idx.add.f32.msk vm4, v2  }
0x1a6: {  	[tilespmem:v1+s9+$0x0] =	vst.idx.add.f32.msk vm5, v2  }
0x1a7: {  	[tilespmem:v1+s9+$0x0] =	vst.idx.add.f32.msk vm6, v2  }
0x1a8: {  	[tilespmem:v1+s9+$0x0] =	vst.idx.add.f32.msk vm7, v2  }
0x1a9: {  	[tilespmem:v1+s9+$0x0] =	vst.idx.add.f32.msk vm8, v2  }
0x1aa: {  	[tilespmem:v1+s9+$0x0] =	vst.idx.add.f32.msk vm9, v2  }
0x1ab: {  	[tilespmem:v1+s9+$0x0] =	vst.idx.add.f32.msk vm10, v2  }
0x1ac: {  	[tilespmem:v1+s9+$0x0] =	vst.idx.add.f32.msk vm11, v2  }
0x1ad: {  	[tilespmem:v1+s9+$0x0] =	vst.idx.add.f32.msk vm12, v2  }
0x1ae: {  	p0 =	sne.s32 s6, $0x1;
	[tilespmem:v1+s9+$0x0] =	vst.idx.add.f32.msk vm13, v2  }
.Ltmp0:
0x1af: {  	[tilespmem:v1+s9+$0x0] =	vst.idx.add.f32.msk vm14, v2;
	(pc) =	sbr.rel @p0 .LBB2_1-.Ltmp0, $4  }
0x1b0: {  	[hbm4b:s5+s2] =	stream.linear.scatter [tilespmem:s9], [sflag:$0x1], $0x800, $0x38;
	[tilespmem:$0x1000] =	vst v63  }
0x1b1: {  	_ =	swait.ge [sflag:s7], $0x800  }
0x1b2: {  	[sflag:s7] =	ssyncset.done $0x0  }
0x1b3: {  	s6 =	sadd.s32 $0xFFFFFFFF, s6;
	[sflag:s7] =	ssyncadd.s32 $0xFFFFF800  }
0x1b4: {  	_ =	sfence.sel $0x180000  }
0x1b5: {  	[bflag:$0x0] =	sbarrier.arrive $0xFFFF  }
0x1b6: {  	p0 =	sne.s32 s0, $0x0;
	_ =	strace $0x9000004D  }
0x1b7: {  	s0 =	sadd.s32 @!p0 $0x100000, s1;
	[bflag:$0x2] =	sbarrier.arrive $0xFFFF  }
0x1b8: {  	[sflag:s0] =	ssyncadd.tile.s32 @!p0 $0x1;
	_ =	shalt  }
.Lfunc_end2:
_tile_overlayer_lowered:
.L_overlay_start_2:
0x1b9: {  	(tag) =	ssettag $0x2  }
0x1ba: {  	s0 =	rddreg [dreg:$0x0];
	s2 =	stileid.u32  }
0x1bb: {  	s1 =	rddreg [dreg:$0x1];
	p0 =	sne.s32 s2, $0x0  }
0x1bc: {  	s3 =	rddreg [dreg:$0x2];
	[bflag:$0x3] =	sbarrier.arrive $0xFFFF;
	s2 =	simm.s32 @!p0 $0x1C01  }
0x1bd: {  	[timem:s3], [sflag:s2] =	dma.local @!p0 [hbm:s0], s1  }
0x1be: {  	s0 =	simm.s32 @!p0 $0x1  }
0x1bf: {  	_ =	swait.ge @!p0 [sflag:s0], s1  }
0x1c0: {  	s1 =	ssub.s32 @!p0 $0x0, s1;
	[sflag:s0] =	ssyncset.done @!p0 $0x0  }
0x1c1: {  	[sflag:s0] =	ssyncadd.s32 @!p0 s1  }
0x1c2: {  	[bflag:$0x3] =	sbarrier.arrive $0xFFFF  }
0x1c3: {  	_ =	shalt  }

// kernel: sparse-core-data-format-call.cloned.1.call-start
scs
called_computation_lowered:
.L_overlay_start_0:
0x0: {  	s2 =	sld [smem:$0x3FD9]  }
0x1: {  	s3 =	sld [smem:$0x3FFE];
	_ =	sdelay $0x1  }
0x2: {  	s1 =	srdreg.scid  }
0x3: {  	s0 =	sand.u32 $0x1, s1  }
0x4: {  	s18 =	sshll.u32 s0, $0xA;
	s2 =	sadd.s32 s3, s2  }
0x5: {  	s2 =	sadd.s32 s2, s18  }
0x6: {  	[smem:$0x3FC4] =	sst s2  }
0x7: {  	_ = 	snop  }
0x8: {  	s19 =	sld [smem:$0x3FD0];
	(tm) =	ssettm $0x1  }
0x9: {  	s20 =	sld [smem:$0x3FFB];
	_ =	sdelay $0x3  }
0xa: {  	_ =	strace s20  }
0xb: {  	s2 =	sld [smem:$0x3FFC];
	_ =	sdelay $0x3  }
0xc: {  	_ =	strace s2  }
0xd: {  	s2 =	sld [smem:$0x3FFD];
	_ =	sdelay $0x3  }
0xe: {  	_ =	strace s2  }
0xf: {  	_ =	strace $0x8FFFFFFF  }
0x10: {  	s21 =	sld [smem:$0x3FDB];
	_ =	sdelay $0x1  }
0x11: {  	s4 =	simm.s32 $_scs_section_size  }
0x12: {  	s5 =	simm.s32 $_size__tile_overlayer_lowered;
	s6 =	simm.s32 $_tile_overlayer_lowered  }
0x13: {  	s7 =	simm.s32 $0x1BFF;
	s22 =	sshll.u32 s6, $0x1;
	s4 =	sadd.s32 s4, s21  }
0x14: {  	s23 =	simm.s32 $0x0;
	s5 =	sshll.u32 s5, $0x1;
	s6 =	sadd.s32 s22, s4  }
0x15: {  	[timem:s23], [sflag:s7] =	dma.local [hbm:s6], s5  }
0x16: {  	_ =	swait.ge [sflag:s7], s5  }
0x17: {  	s5 =	ssub.s32 $0x0, s5;
	[sflag:s7] =	ssyncset.done $0x0  }
0x18: {  	[sflag:s7] =	ssyncadd.s32 s5;
	_ =	sdelay $0x1  }
0x19: {  	s24 =	simm.s32 $0x1B8B  }
0x1a: {  	_ =	swait.ge [sflag:s24], $0x1  }
0x1b: {  	[sflag:s24] =	ssyncset.done $0x0  }
0x1c: {  	[sflag:s24] =	ssyncadd.s32 $0xFFFFFFFF  }
0x1d: {  	s5 =	sld [smem:$0x0]  }
0x1e: {  	s6 =	sand.u32 $0xFFFFFFFE, s1  }
0x1f: {  	p0 =	sne.s32 s1, s6  }
0x20: {  	s6 =	sshll.u32 @p0 s6, $0xE  }
0x21: {  	s6 =	sadd.s32 @p0 $0x11B8D, s6;
	s7 =	sshll.u32 @p0 s5, $0x11  }
0x22: {  	s6 =	sor.u32 @p0 s7, s6  }
0x23: {  	[sflag:s6] =	ssyncadd.remote.s32 @p0 $0x1;
	_ =	sdelay $0x1  }
0x24: {  	s6 =	simm.s32 @p0 $0x1B8D  }
0x25: {  	_ =	swait.eq @p0 [sflag:s6], $0x1  }
0x26: {  	[sflag:s6] =	ssyncadd.s32 @p0 $0xFFFFFFFF  }
0x27: {  	s7 =	sshll.u32 @!p0 s1, $0xE  }
0x28: {  	s7 =	sor.u32 @!p0 $0x4000, s7;
	s6 =	simm.s32 @!p0 $0x1B8D  }
0x29: {  	s5 =	sshll.u32 @!p0 s5, $0x11;
	s7 =	sadd.s32 @!p0 $0x11B8D, s7;
	_ =	swait.eq @!p0 [sflag:s6], $0x1  }
0x2a: {  	s5 =	sor.u32 @!p0 s5, s7;
	[sflag:s6] =	ssyncadd.s32 @!p0 $0xFFFFFFFF  }
0x2b: {  	s26 =	simm.s32 $0x1B8E;
	s25 =	sld [smem:$0x3FFE];
	[sflag:s5] =	ssyncadd.remote.s32 @!p0 $0x1  }
0x2c: {  	s27 =	simm.s32 $execute0_lowered;
	[smem:$0x3FD2] =	sst s26  }
0x2d: {  	s6 =	sshll.u32 s27, $0x1;
	_ =	strace $0x80000049;
	[dreg:$0x1] =	wrdreg $0xFFFFFFFF  }
0x2e: {  	s28 =	simm.s32 $_size_execute0_lowered;
	s4 =	sadd.s32 s4, s6;
	[dreg:$0x0] =	wrdreg $0x0  }
0x2f: {  	s6 =	sshll.u32 s28, $0x1;
	[dreg:$0x2] =	wrdreg s4  }
0x30: {  	[dreg:$0x3] =	wrdreg s6  }
0x31: {  	[dreg:$0x4] =	wrdreg $0xC0  }
0x32: {  	_ =	task [dreg:s23], $0x5FFFF  }
0x33: {  	[dreg:$0x1] =	wrdreg $0xFFFFFFFF  }
0x34: {  	[dreg:$0x0] =	wrdreg $0x60  }
0x35: {  	[dreg:$0x2] =	wrdreg s19  }
0x36: {  	[dreg:$0x3] =	wrdreg s25  }
0x37: {  	[dreg:$0x4] =	wrdreg $0x9  }
0x38: {  	_ =	task.clear_ibuf [dreg:s23], $0x5FFFF;
	_ =	strace $0x90000049  }
0x39: {  	s29 =	simm.s32 $0x9;
	_ =	strace $0x8000004B  }
0x3a: {  	_ =	swait.ge [sflag:s29], $0x1  }
0x3b: {  	[sflag:s29] =	ssyncadd.s32 $0xFFFFFFFF  }
0x3c: {  	_ =	strace $0x9000004B  }
0x3d: {  	_ =	sfence  }
0x3e: {  	s30 =	sld [smem:$0x0];
	_ =	sdelay $0x2  }
0x3f: {  	s31 =	sshll.u32 s1, $0xD;
	s1 =	sshrl.u32 s1, $0x2  }
0x40: {  	s4 =	sand.u32 $0x4000, s31;
	s1 =	sadd.s32 s1, s30  }
0x41: {  	s0 =	sor.u32 s4, s0;
	s1 =	sshll.u32 s1, $0x11  }
0x42: {  	s0 =	sor.u32 s1, s0  }
0x43: {  	s0 =	sadd.s32 $0x8F2B, s0  }
0x44: {  	[sflag:s0] =	ssyncadd.remote.s32 $0x1  }
0x45: {  	_ =	sfence.sel $0xFFFF  }
0x46: {  	[dreg:$0x0] =	wrdreg $0xFFFFFFFF;
	(pc) =	sbr.abs _section_cstart, $3  }
0x47: {  	[dreg:$0x1] =	wrdreg $0xFFFFFFFF  }
0x48: {  	_ =	task.clear_ibuf [dreg:s23], $0x2FFFF;
	_ =	strace $0x9FFFFFFF  }
0x49: {  	(tm) =	ssettm $0x7FFFFFFF  }
tec
execute0_lowered:
.L_overlay_start_1:
0x0: {  	(tag) =	ssettag $0x1  }
0x1: {  	s1 =	srdreg.scid;
	s3 =	rddreg [dreg:$0x0]  }
0x2: {  	s0 =	stileid.u32;
	s5 =	rddreg [dreg:$0x1];
	s1 =	sshll.u32 s1, $0x4  }
0x3: {  	s6 =	simm.s32 $0x1;
	s8 =	simm.s32 $0x2;
	s1 =	sor.u32 s0, s1  }
0x4: {  	s19 =	simm.s32 $0x0;
	s9 =	simm.s32 $0x7000;
	s1 =	sshrl.u32 s1, $0x1  }
0x5: {  	s10 =	simm.s32 $0x3800;
	s17 =	simm.s32 $0x0;
	s2 =	sand.u32 $0xE, s1  }
0x6: {  	s16 =	simm.s32 $0x0;
	s18 =	simm.s32 $0x0;
	s4 =	ssub.s32 $0xE0, s2  }
0x7: {  	s11 =	simm.s32 $0x0;
	s13 =	simm.s32 $0x0;
	s31 =	sand.u32 $0xE, s4  }
0x8: {  	s15 =	simm.s32 $0x0;
	s7 =	sand.u32 $0x3, s0;
	p0 =	sne.s32 s31, $0x0  }
.Ltmp0:
0x9: {  	s4 =	sshrl.u32 s4, $0x4;
	s6 =	simm.s32 @!p0 $0x0;
	(pc) =	sbr.rel .LBB1_1-.Ltmp0, $4  }
0xa: {  	s1 =	rddreg [dreg:$0x2];
	_ =	strace $0x8000004A;
	s6 =	sadd.s32 s6, s4  }
0xb: {  	s4 =	sadd.s32 $0xE00, s5;
	s5 =	simm.s32 $0x1;
	s6 =	smul.u32 $0x7, s6  }
0xc: {  	s14 =	smov.u32 s7;
	s12 =	smov.u32 s2;
	[sflag:s5] =	ssyncpa.u1 $0x0  }
0xd: {  	p0 =	por $0x0, $0x0;
	[sflag:s8] =	ssyncpa.u1 $0x0;
	s8 =	sadd.s32 $0x1, s6  }
.LBB1_6:
0xe: {  	s19 =	sshll.u32 s19, $0x7;
	s23 =	sshll.u32 s16, $0x3  }
0xf: {  	s24 =	sand.u32 $0xFFFFFC00, s19;
	s23 =	sand.u32 $0xFFFFFC00, s23  }
0x10: {  	s26 =	sshll.u32 s16, $0x1;
	s19 =	sand.u32 $0x300, s19;
	s23 =	sadd.s32 s23, s24  }
0x11: {  	s27 =	sand.u32 $0x80, s26;
	s19 =	sor.u32 s19, s23  }
0x12: {  	s19 =	sor.u32 s27, s19  }
0x13: {  	s19 =	sshrl.u32 s19, $0x7  }
0x14: {  	s28 =	smulhi.u32 $0x2492493, s19  }
0x15: {  	s18 =	smul.u32 $0x62000, s18  }
0x16: {  	v1 =	vperm.xlane.i2c.b16 v1;
	v0 =	vperm.xlane.i2c.b16 v0;
	s17 =	smul.u32 $0x700, s17;
	s23 =	sshrl.u32 s28, $0x1  }
0x17: {  	s22 =	sshra.s32 s22, $0x2;
	s29 =	sshrl.u32 s16, $0x3;
	s23 =	smul.u32 $0xE0, s23  }
0x18: {  	s30 =	sand.u32 $0x7, s16;
	s21 =	sadd.s32 s22, s21;
	v2 =	vcombine.low v0, v1;
	s18 =	sadd.s32 s4, s18  }
0x19: {  	s22 =	sand.u32 $0x7, s29;
	v0 =	vcombine.high v0, v1;
	s17 =	sadd.s32 s17, s18;
	s19 =	ssub.s32 s19, s23  }
0x1a: {  	s16 =	sshll.u32 s30, $0x12;
	[tilespmem:s21+$0x0 ss:$0x81] =	vst.msk $0xffff, v2;
	s17 =	sadd.s32 s22, s17;
	s31 =	sshll.u32 s19, $0x3  }
0x1b: {  	s16 =	sor.u32 $0x800, s16;
	[tilespmem:s21+$0x810 ss:$0x81] =	vst.msk $0xffff, v0;
	s17 =	sadd.s32 s31, s17  }
0x1c: {  	[hbm4b:s17+s16] =	stream.strided.scatter [tilespmem:s20], [sflag:$0x2], $0x1000, s10, s16, $0x20;
	[tilespmem:$0x4040] =	vst v63  }
.LBB1_7:
0x1d: {  	s20 =	sadd.s32 $0x20, s11  }
0x1e: {  	s16 =	sadd.s32 $0x10, s12;
	s21 =	smov.u32 s12;
	p2 =	sgt.s32 s20, $0xDF  }
0x1f: {  	s21 =	smov.u32 @p2 s16  }
0x20: {  	s22 =	smov.u32 s13;
	s16 =	sadd.s32 $0x80, s13;
	p3 =	sgt.s32 s21, $0xDF  }
0x21: {  	s22 =	smov.u32 @p3 s16  }
0x22: {  	s23 =	smov.u32 s14;
	s16 =	sadd.s32 $0x4, s14;
	p4 =	sgt.s32 s22, $0x5F  }
0x23: {  	p1 =	slt.u32 s15, $0x2;
	s23 =	smov.u32 @p4 s16  }
0x24: {  	s19 =	smov.u32 s11;
	s20 =	simm.s32 @p2 $0x0;
	p2 =	sgt.s32 s23, $0x3  }
0x25: {  	s24 =	simm.s32 @!p1 $0x2;
	s23 =	smov.u32 @p2 s7;
	p2 =	sne.s32 s15, s8  }
.Ltmp1:
0x26: {  	s17 =	smov.u32 s12;
	_ =	swait.ge @!p1 [sflag:s24], $0x1000;
	(pc) =	sbr.rel @!p2 .LBB1_8-.Ltmp1, $4  }
0x27: {  	s18 =	smov.u32 s14;
	p0 =	por !p0, !p0;
	[sflag:s24] =	ssyncset.done @!p1 $0x0  }
0x28: {  	s11 =	smov.u32 s20;
	s21 =	smov.u32 @p3 s2;
	[sflag:s24] =	ssyncadd.s32 @!p1 $0xFFFFF000  }
0x29: {  	s12 =	smov.u32 s21;
	s22 =	simm.s32 @p4 $0x0;
	s16 =	smov.u32 s13  }
0x2a: {  	s13 =	smov.u32 s22;
	s15 =	sadd.s32 $0x1, s15;
	s14 =	smov.u32 s23  }
.LBB1_1:
0x2b: {  	p1 =	sge.u32 s15, s6  }
.Ltmp2:
0x2c: {  	_ = 	snop;
	(pc) =	sbr.rel @p1 .LBB1_3-.Ltmp2, $1  }
0x2d: {  	_ =	sdelay $0x3  }
0x2e: {  	s20 =	sshll.u32 s12, $0x8;
	s21 =	sshll.u32 s11, $0x3;
	s29 =	sshll.u32 s12, $0x7  }
0x2f: {  	p1 =	sgt.s32 s14, $0x3;
	s22 =	smov.u32 s14;
	s23 =	sshra.s32 s14, $0x1F  }
0x30: {  	s24 =	smov.u32 s13;
	s25 =	sshra.s32 s13, $0x1F;
	s27 =	sshra.s32 s11, $0x1F  }
0x31: {  	s20 =	sand.u32 $0xFFFFF800, s20;
	s21 =	sand.u32 $0xFFFFFC00, s21;
	s22 =	simm.s32 @!p1 $0x3  }
0x32: {  	s23 =	sand.u32 s23, s14;
	p1 =	sgt.s32 s13, $0xFFFFFFE0;
	s30 =	sand.u32 s25, s13  }
0x33: {  	s25 =	sshra.s32 s12, $0x1F;
	s20 =	sadd.s32 s20, s21;
	s21 =	sand.u32 $0x300, s29  }
0x34: {  	s22 =	ssub.s32 s22, s23;
	s24 =	simm.s32 @!p1 $0xFFFFFFE0;
	s26 =	sand.u32 s25, s12  }
0x35: {  	s20 =	sor.u32 s21, s20;
	s31 =	sadd.s32 $0xFFFFFFFD, s22;
	s23 =	ssub.s32 s24, s30  }
0x36: {  	s21 =	ssub.s32 $0x4, s22;
	p1 =	sgt.s32 s31, $0x0;
	s24 =	sadd.s32 $0x20, s23  }
0x37: {  	s22 =	ssub.s32 $0x60, s23;
	s23 =	smov.u32 s12;
	s20 =	sshrl.u32 s20, $0x8  }
0x38: {  	s21 =	simm.s32 @p1 $0x0;
	p1 =	sgt.s32 s24, $0x7F;
	s29 =	smulhi.u32 $0x124924A, s20  }
0x39: {  	s24 =	sand.u32 s27, s11;
	s27 =	smul.u32 $0xE00, s13;
	s22 =	simm.s32 @p1 $0x0  }
0x3a: {  	s31 =	sxor.u32 $0xFFFFFFFF, s15;
	p1 =	sgt.s32 s12, $0xDE;
	s21 =	smul.u32 s21, s22  }
0x3b: {  	s23 =	simm.s32 @!p1 $0xDE;
	p1 =	sgt.s32 s11, $0xE0;
	s30 =	smul.u32 $0xE0, s29  }
0x3c: {  	s29 =	sand.u32 $0x7, s11;
	s22 =	ssub.s32 s23, s26;
	s23 =	smov.u32 s11  }
0x3d: {  	s26 =	smul.u32 $0x54000, s14;
	s28 =	sadd.s32 $0xFFFFFF22, s22;
	s23 =	simm.s32 @!p1 $0xE0  }
0x3e: {  	s22 =	ssub.s32 $0xE0, s22;
	p1 =	sgt.s32 s28, $0x1;
	s23 =	ssub.s32 s23, s24  }
0x3f: {  	s20 =	ssub.s32 s20, s30;
	s22 =	simm.s32 @p1 $0x0;
	s24 =	sadd.s32 $0xFFFFFF20, s23  }
0x40: {  	s21 =	smul.u32 s22, s21;
	p1 =	sgt.s32 s24, $0x1F;
	s22 =	ssub.s32 $0x100, s23  }
0x41: {  	s20 =	sshll.u32 s20, $0x4;
	s28 =	sshrl.u32 s11, $0x3;
	s22 =	simm.s32 @p1 $0x0  }
0x42: {  	s24 =	sadd.s32 s3, s26;
	s23 =	sshll.u32 s31, $0xC;
	s21 =	smul.u32 s22, s21  }
0x43: {  	s25 =	sand.u32 $0xF, s28;
	s30 =	sand.u32 $0x1000, s23;
	s22 =	sadd.s32 s27, s24  }
0x44: {  	s24 =	sshll.u32 s29, $0x12;
	s22 =	sadd.s32 s25, s22;
	s21 =	sshrl.u32 s21, $0x1  }
0x45: {  	s31 =	sor.u32 $0x20, s24;
	s20 =	sadd.s32 s20, s22;
	s21 =	sand.u32 $0x3FFFFFFF, s21  }
0x46: {  	[tilespmem:s30], [sflag:$0x1] =	stream.strided.gather [hbm4b:s20+s31], s21, s9, s31, $0x38;
	[tilespmem:$0x4040] =	vst v63  }
.LBB1_3:
0x47: {  	s20 =	sadd.s32 $0xFFFFFFFF, s15  }
0x48: {  	p1 =	sge.u32 s20, s6  }
.Ltmp3:
0x49: {  	_ = 	snop;
	(pc) =	sbr.rel @p1 .LBB1_7-.Ltmp3, $1  }
0x4a: {  	_ =	sdelay $0x3  }
0x4b: {  	p1 =	sgt.s32 s18, $0x3;
	s20 =	smov.u32 s18;
	s21 =	sshra.s32 s18, $0x1F  }
0x4c: {  	s22 =	smov.u32 s16;
	s23 =	sshra.s32 s16, $0x1F;
	s25 =	sshra.s32 s17, $0x1F  }
0x4d: {  	s20 =	simm.s32 @!p1 $0x3;
	s21 =	sand.u32 s21, s18;
	p1 =	sgt.s32 s16, $0xFFFFFFE0  }
0x4e: {  	s23 =	sand.u32 s23, s16;
	s20 =	ssub.s32 s20, s21;
	s22 =	simm.s32 @!p1 $0xFFFFFFE0  }
0x4f: {  	s27 =	sshra.s32 s19, $0x1F;
	s24 =	sadd.s32 $0xFFFFFFFD, s20;
	s21 =	ssub.s32 s22, s23  }
0x50: {  	s20 =	ssub.s32 $0x4, s20;
	p1 =	sgt.s32 s24, $0x0;
	s22 =	sadd.s32 $0x20, s21  }
0x51: {  	s21 =	ssub.s32 $0x60, s21;
	s20 =	simm.s32 @p1 $0x0;
	p1 =	sgt.s32 s22, $0x7F  }
0x52: {  	s22 =	smov.u32 s17;
	s21 =	simm.s32 @p1 $0x0;
	p1 =	sgt.s32 s17, $0xDE  }
0x53: {  	s26 =	sand.u32 s25, s17;
	s20 =	smul.u32 s20, s21;
	s22 =	simm.s32 @!p1 $0xDE  }
0x54: {  	p1 =	sgt.s32 s19, $0xE0;
	s21 =	ssub.s32 s22, s26;
	s22 =	smov.u32 s19  }
0x55: {  	s23 =	sand.u32 s27, s19;
	s24 =	sadd.s32 $0xFFFFFF22, s21;
	s22 =	simm.s32 @!p1 $0xE0  }
0x56: {  	s21 =	ssub.s32 $0xE0, s21;
	p1 =	sgt.s32 s24, $0x1;
	s22 =	ssub.s32 s22, s23  }
0x57: {  	s21 =	simm.s32 @p1 $0x0;
	s23 =	sadd.s32 $0xFFFFFF20, s22  }
0x58: {  	s20 =	smul.u32 s21, s20;
	p1 =	sgt.s32 s23, $0x1F;
	s21 =	ssub.s32 $0x100, s22  }
0x59: {  	s21 =	simm.s32 @p1 $0x0  }
0x5a: {  	s20 =	smul.u32 s21, s20;
	_ =	sdelay $0x1  }
0x5b: {  	s22 =	simm.s32 $0x1;
	s20 =	sshrl.u32 s20, $0x1  }
0x5c: {  	s22 =	simm.s32 @!p0 $0x0;
	s20 =	sand.u32 $0x3FFFFFFF, s20  }
0x5d: {  	s28 =	smul.u32 $0x4080, s22;
	_ =	swait.ge [sflag:s5], s20  }
0x5e: {  	s22 =	sshll.u32 s22, $0xC;
	s20 =	ssub.s32 $0x0, s20;
	[sflag:s5] =	ssyncset.done $0x0  }
0x5f: {  	s30 =	sor.u32 $0x10, s22;
	[sflag:s5] =	ssyncadd.s32 s20  }
0x60: {  	s29 =	sand.u32 $0x1, s15;
	v0 =	vld [tilespmem:s30+$0xFFFFFFF0]  }
0x61: {  	s23 =	smul.u32 $0x4080, s29;
	v1 =	vld [tilespmem:s30+$0x0];
	_ =	sdelay $0x1  }
0x62: {  	s31 =	sshrl.u32 s23, $0x2  }
0x63: {  	s23 =	simm.s32 $0x4;
	s22 =	simm.s32 $0x0;
	s21 =	sshrl.u32 s28, $0x2  }
0x64: {  	s24 =	sadd.s32 $0x20, s30;
	s21 =	sor.u32 $0x2000, s21;
	s20 =	sor.u32 $0x2000, s31  }
.LBB1_5:
0x65: {  	v2 =	vperm.xlane.i2c.b16 v1;
	v3 =	vperm.xlane.i2c.b16 v0;
	v0 =	vld [tilespmem:s24+$0xFFFFFFF0];
	s25 =	smov.u32 s23;
	p1 =	sne.s32 s23, $0x1FC  }
.Ltmp4:
0x66: {  	v1 =	vld [tilespmem:s24+$0x0];
	(pc) =	sbr.rel @p1 .LBB1_5-.Ltmp4, $4  }
0x67: {  	s23 =	sadd.s32 $0x4, s23;
	s22 =	sshra.s32 s22, $0x2;
	v4 =	vcombine.low v3, v2  }
0x68: {  	s26 =	sadd.s32 s22, s21;
	s22 =	smov.u32 s25;
	v2 =	vcombine.high v3, v2  }
0x69: {  	[tilespmem:s26+$0x0 ss:$0x81] =	vst.msk $0xffff, v4  }
0x6a: {  	s24 =	sadd.s32 $0x20, s24;
	[tilespmem:s26+$0x810 ss:$0x81] =	vst.msk $0xffff, v2  }
.Ltmp5:
0x6b: {  	_ = 	snop;
	(pc) =	sbr.rel .LBB1_6-.Ltmp5, $1  }
0x6c: {  	_ =	sdelay $0x3  }
.LBB1_8:
0x6d: {  	_ =	sfence.sel $0x180000  }
0x6e: {  	s2 =	simm.s32 $0x1;
	[bflag:$0x0] =	sbarrier.arrive $0xFFFF  }
0x6f: {  	s31 =	simm.s32 $0x2;
	[sflag:s2] =	ssyncpa.u1 $0x1  }
0x70: {  	[sflag:s31] =	ssyncpa.u1 $0x1  }
0x71: {  	p0 =	sne.s32 s0, $0x0;
	_ =	strace $0x9000004A  }
0x72: {  	s0 =	sadd.s32 @!p0 $0x100000, s1;
	[bflag:$0x2] =	sbarrier.arrive $0xFFFF  }
0x73: {  	[sflag:s0] =	ssyncadd.tile.s32 @!p0 $0x1;
	_ =	shalt  }
.Lfunc_end1:
_tile_overlayer_lowered:
.L_overlay_start_2:
0x74: {  	(tag) =	ssettag $0x2  }
0x75: {  	s0 =	rddreg [dreg:$0x0];
	s2 =	stileid.u32  }
0x76: {  	s1 =	rddreg [dreg:$0x1];
	p0 =	sne.s32 s2, $0x0  }
0x77: {  	s3 =	rddreg [dreg:$0x2];
	[bflag:$0x3] =	sbarrier.arrive $0xFFFF;
	s2 =	simm.s32 @!p0 $0x1C01  }
0x78: {  	[timem:s3], [sflag:s2] =	dma.local @!p0 [hbm:s0], s1  }
0x79: {  	s0 =	simm.s32 @!p0 $0x1  }
0x7a: {  	_ =	swait.ge @!p0 [sflag:s0], s1  }
0x7b: {  	s1 =	ssub.s32 @!p0 $0x0, s1;
	[sflag:s0] =	ssyncset.done @!p0 $0x0  }
0x7c: {  	[sflag:s0] =	ssyncadd.s32 @!p0 s1  }
0x7d: {  	[bflag:$0x3] =	sbarrier.arrive $0xFFFF  }
0x7e: {  	_ =	shalt  }

</sc_bundles>
